<compile_context>
chip_gen: v7x
topology: tpu7x:2x2x1
jax: 0.10.2.dev20260603
libtpu: 0.0.44.dev20260713+nightly
codegen_flags: <defaults>
</compile_context>

<pallas_src>
import jax
import jax.numpy as jnp
from jax import lax
from jax.experimental import pallas as pl
from jax.experimental.pallas import tpu as pltpu
from jax.experimental.pallas import tpu_sc as plsc

SENT_LEN = 200
D = 64
NUM_WORKERS = 32
CHUNK = 200
GB = 40
NBUF = 2
LANES = 16


def _sc_body(xflat, table2, postab2, out2, mask_out,
             pos_v, idx_f, pair_v, rows2_v, out_v, mask_v,
             sem_g, sem_w, sem_m):
    wid = lax.axis_index("s") * 2 + lax.axis_index("c")

    pltpu.sync_copy(postab2, pos_v)

    tokens_per_worker = xflat.shape[0] // NUM_WORKERS
    n_steps = tokens_per_worker // CHUNK
    tok0 = wid * tokens_per_worker

    def tok_base(s):
        return pl.multiple_of(tok0 + s * CHUNK, CHUNK)

    _pair_starts = [0, LANES, GB - LANES]

    def load_stage(s, b):
        pltpu.sync_copy(xflat.at[pl.ds(tok_base(s), CHUNK)],
                        idx_f[b].at[pl.ds(0, CHUNK)])
        for j in range(CHUNK // GB):
            for st in _pair_starts:
                pair_v[b][j, pl.ds(st, LANES)] = lax.shift_right_logical(
                    idx_f[b][pl.ds(j * GB + st, LANES)], jnp.int32(1))

    def fire_gathers(b):
        for j in range(CHUNK // GB):
            pltpu.async_copy(table2.at[pair_v[b].at[j]],
                             rows2_v[b].at[pl.ds(j * GB, GB)],
                             sem_g[b])

    def load_and_fire(s, b):
        load_stage(s, b)
        fire_gathers(b)

    def wait_gathers(b):
        for j in range(CHUNK // GB):
            pltpu.make_async_copy(
                table2.at[pair_v[b].at[j]],
                rows2_v[b].at[pl.ds(j * GB, GB)],
                sem_g[b]).wait()

    def wb_descriptor(s, b):
        return pltpu.make_async_copy(
            out_v[b], out2.at[pl.ds(tok_base(s), CHUNK)], sem_w[b])

    load_and_fire(0, 0)

    def wbm_descriptor(s, b):
        return pltpu.make_async_copy(
            mask_v[b], mask_out.at[pl.ds(tok_base(s), CHUNK)], sem_m[b])

    def substep(i, s, b):
        def stage():
            load_stage(s + 1, 1 - b)

        def fire():
            @pl.when(s >= 1)
            def _drain():
                wb_descriptor(s - 1, 1 - b).wait()
                wbm_descriptor(s - 1, 1 - b).wait()
            fire_gathers(1 - b)

        if b == 0:
            stage()
            wait_gathers(b)
            fire()
        else:
            @pl.when(i < n_steps // 2 - 1)
            def _s():
                stage()
            wait_gathers(b)

            @pl.when(i < n_steps // 2 - 1)
            def _f():
                fire()

        @plsc.parallel_loop(0, CHUNK, 1, unroll=4)
        def add_body(r):
            t = idx_f[b][pl.ds(r, LANES)][0]
            src = lax.shift_left(lax.bitwise_and(t, jnp.int32(1)),
                                 jnp.int32(6))
            prow = lax.shift_right_logical(r, jnp.int32(1))
            poff = lax.shift_left(lax.bitwise_and(r, jnp.int32(1)),
                                  jnp.int32(6))
            for c in range(D // LANES):
                out_v[b][r, pl.ds(c * LANES, LANES)] = (
                    rows2_v[b][r, pl.ds(src + c * LANES, LANES)]
                    + pos_v[prow, pl.ds(poff + c * LANES, LANES)])

        mask_starts = [j * LANES for j in range(CHUNK // LANES)]
        if CHUNK % LANES:
            mask_starts.append(CHUNK - LANES)
        for st in mask_starts:
            sl = pl.ds(st, LANES)
            v = idx_f[b][sl]
            mask_v[b][sl] = jnp.where(v == jnp.int32(0), jnp.int32(1),
                                      jnp.int32(0))

        wbm_descriptor(s, b).start()
        wb_descriptor(s, b).start()

    def iteration(i, carry):
        substep(i, 2 * i, 0)
        substep(i, 2 * i + 1, 1)
        return carry

    lax.fori_loop(0, n_steps // 2, iteration, 0)

    wb_descriptor(n_steps - 2, 0).wait()
    wbm_descriptor(n_steps - 2, 0).wait()
    wb_descriptor(n_steps - 1, 1).wait()
    wbm_descriptor(n_steps - 1, 1).wait()


def kernel(x, token_table, pos_table, positions):
    del positions
    B, L = x.shape
    n_tok = B * L
    xflat = x.astype(jnp.int32).reshape(n_tok)
    table2 = token_table.reshape(token_table.shape[0] // 2, 2 * D)
    postab2 = pos_table.reshape(L // 2, 2 * D)

    mesh = plsc.VectorSubcoreMesh(core_axis_name="c", subcore_axis_name="s")
    out2, mask_i32 = pl.kernel(
        _sc_body,
        out_type=[
            jax.ShapeDtypeStruct((n_tok, D), jnp.float32),
            jax.ShapeDtypeStruct((n_tok,), jnp.int32),
        ],
        mesh=mesh,
        scratch_types=[
            pltpu.VMEM((L // 2, 2 * D), jnp.float32),
            [pltpu.VMEM((CHUNK + LANES,), jnp.int32)
             for _ in range(NBUF)],
            [pltpu.VMEM((CHUNK // GB, GB), jnp.int32)
             for _ in range(NBUF)],
            [pltpu.VMEM((CHUNK, 2 * D), jnp.float32)
             for _ in range(NBUF)],
            [pltpu.VMEM((CHUNK, D), jnp.float32)
             for _ in range(NBUF)],
            [pltpu.VMEM((CHUNK,), jnp.int32) for _ in range(NBUF)],
            [pltpu.SemaphoreType.DMA for _ in range(NBUF)],
            [pltpu.SemaphoreType.DMA for _ in range(NBUF)],
            [pltpu.SemaphoreType.DMA for _ in range(NBUF)],
        ],
    )(xflat, table2, postab2)

    return (out2.reshape(B, L, D), mask_i32.astype(jnp.bool_).reshape(B, L))

# --- scband reference (transcript-rebuilt; emitter-appended) ---
"""Pipeline reference for scband-positional-embedding-30004641530221 (READ-ONLY COPY).

The authoritative reference and input builder live on the scoring server;
editing this copy changes nothing except your own understanding.
"""

import jax, jax.numpy as jnp
import numpy as np

SENTENCE_LENGTH = 200
VOCAB_SIZE = 1000000
OUTPUT_DIM = 64
BATCH = 4096


def setup_inputs(seed: int = 0) -> dict:
    key = jax.random.key(seed)
    k1, k2, k3 = jax.random.split(key, 3)
    x = jax.random.randint(k1, (BATCH, SENTENCE_LENGTH), 0, VOCAB_SIZE)
    token_table = jax.random.normal(k2, (VOCAB_SIZE, OUTPUT_DIM), dtype=jnp.float32) * 0.02
    pos_table = jax.random.normal(k3, (SENTENCE_LENGTH, OUTPUT_DIM), dtype=jnp.float32) * 0.02
    positions = jnp.arange(SENTENCE_LENGTH, dtype=jnp.int32)
    return {"x": x, "token_table": token_table, "pos_table": pos_table, "positions": positions}


def reference(x, token_table, pos_table, positions):
    # mask = ~(x != 0)  i.e. True where padding token (index 0)
    mask = ~jnp.not_equal(x, 0)
    # token embedding gather + positional embedding gather (broadcast over batch)
    tok_emb = jnp.take(token_table, x, axis=0)            # [B, L, D]
    pos_emb = jnp.take(pos_table, positions, axis=0)      # [L, D]
    out = tok_emb + pos_emb[None, :, :]                   # [B, L, D]
    return (out, mask)

if __name__ == "__main__":
    import jax
    _d = setup_inputs()
    print(jax.jit(kernel)(*tuple(_d.values())))

</pallas_src>

<mosaic_0001>
#map = affine_map<(d0, d1) -> (0)>
#map1 = affine_map<(d0, d1) -> (0, 0)>
module attributes {stable_mosaic.version = 14 : i64} {
  func.func @_sc_body(%arg0: i32, %arg1: i32, %arg2: memref<819200xi32, #tpu.memory_space<hbm>>, %arg3: memref<500000x128xf32, #tpu.memory_space<hbm>>, %arg4: memref<100x128xf32, #tpu.memory_space<hbm>>, %arg5: memref<819200x64xf32, #tpu.memory_space<hbm>>, %arg6: memref<819200xi32, #tpu.memory_space<hbm>>, %arg7: memref<100x128xf32, #tpu.memory_space<vmem>>, %arg8: memref<216xi32, #tpu.memory_space<vmem>>, %arg9: memref<216xi32, #tpu.memory_space<vmem>>, %arg10: memref<5x40xi32, #tpu.memory_space<vmem>>, %arg11: memref<5x40xi32, #tpu.memory_space<vmem>>, %arg12: memref<200x128xf32, #tpu.memory_space<vmem>>, %arg13: memref<200x128xf32, #tpu.memory_space<vmem>>, %arg14: memref<200x64xf32, #tpu.memory_space<vmem>>, %arg15: memref<200x64xf32, #tpu.memory_space<vmem>>, %arg16: memref<200xi32, #tpu.memory_space<vmem>>, %arg17: memref<200xi32, #tpu.memory_space<vmem>>, %arg18: memref<!tpu.dma_semaphore, #tpu.memory_space<semaphore_mem>>, %arg19: memref<!tpu.dma_semaphore, #tpu.memory_space<semaphore_mem>>, %arg20: memref<!tpu.dma_semaphore, #tpu.memory_space<semaphore_mem>>, %arg21: memref<!tpu.dma_semaphore, #tpu.memory_space<semaphore_mem>>, %arg22: memref<!tpu.dma_semaphore, #tpu.memory_space<semaphore_mem>>, %arg23: memref<!tpu.dma_semaphore, #tpu.memory_space<semaphore_mem>>) attributes {dimension_semantics = [#tpu.dimension_semantics<core_parallel>, #tpu.dimension_semantics<subcore_parallel>], iteration_bounds = array<i64: 2, 16>, scalar_prefetch = 0 : i64, scratch_operands = 17 : i64, tpu.core_type = #tpu.core_type<sc_vector_subcore>, window_params = [{transform_indices = #map}, {transform_indices = #map1}, {transform_indices = #map1}, {transform_indices = #map1}, {transform_indices = #map}]} {
    %mul3A = arith.constant 2 : i32
    %mul3A_0 = arith.muli %arg1, %mul3A : i32
    %add3A = arith.addi %mul3A_0, %arg0 : i32
    "tpu.region"() ({
      %run_scoped3A = tpu.sem_alloc : memref<!tpu.dma_semaphore, #tpu.memory_space<semaphore_mem>>
      tpu.enqueue_dma source(%arg4 : memref<100x128xf32, #tpu.memory_space<hbm>>) target(%arg7 : memref<100x128xf32, #tpu.memory_space<vmem>>) target_semaphore(%run_scoped3A : memref<!tpu.dma_semaphore, #tpu.memory_space<semaphore_mem>>)
      tpu.wait_dma2 semaphore(%run_scoped3A : memref<!tpu.dma_semaphore, #tpu.memory_space<semaphore_mem>>) src(%arg4 : memref<100x128xf32, #tpu.memory_space<hbm>>) dst(%arg7 : memref<100x128xf32, #tpu.memory_space<vmem>>)
      tpu.yield
    }) : () -> ()
    %mul3A_1 = arith.constant 25600 : i32
    %mul3A_2 = arith.muli %add3A, %mul3A_1 : i32
    %add3A_3 = arith.constant 0 : i32
    %add3A_4 = arith.addi %mul3A_2, %add3A_3 : i32
    %multiple_of3A = tpu.assume_multiple %add3A_4, 200 : i32
    "tpu.region"() ({
      %run_scoped3A = tpu.sem_alloc : memref<!tpu.dma_semaphore, #tpu.memory_space<semaphore_mem>>
      %dma_start3A_259 = arith.constant 0 : i32
      %dma_start3A_260 = tpu.memref_slice %arg8[%dma_start3A_259] : memref<216xi32, #tpu.memory_space<vmem>> -> memref<200xi32, #tpu.memory_space<vmem>>
      %dma_start3A_261 = tpu.memref_slice %arg2[%multiple_of3A] : memref<819200xi32, #tpu.memory_space<hbm>> -> memref<200xi32, #tpu.memory_space<hbm>>
      %dma_start3A_262 = arith.constant 0 : i32
      %dma_start3A_263 = tpu.memref_slice %arg8[%dma_start3A_262] : memref<216xi32, #tpu.memory_space<vmem>> -> memref<200xi32, #tpu.memory_space<vmem>>
      %dma_start3A_264 = tpu.memref_slice %arg2[%multiple_of3A] : memref<819200xi32, #tpu.memory_space<hbm>> -> memref<200xi32, #tpu.memory_space<hbm>>
      tpu.enqueue_dma source(%dma_start3A_264 : memref<200xi32, #tpu.memory_space<hbm>>) target(%dma_start3A_263 : memref<200xi32, #tpu.memory_space<vmem>>) target_semaphore(%run_scoped3A : memref<!tpu.dma_semaphore, #tpu.memory_space<semaphore_mem>>)
      %dma_wait3A_265 = arith.constant 0 : i32
      %dma_wait3A_266 = tpu.memref_slice %arg8[%dma_wait3A_265] : memref<216xi32, #tpu.memory_space<vmem>> -> memref<200xi32, #tpu.memory_space<vmem>>
      %dma_wait3A_267 = tpu.memref_slice %arg2[%multiple_of3A] : memref<819200xi32, #tpu.memory_space<hbm>> -> memref<200xi32, #tpu.memory_space<hbm>>
      %dma_wait3A_268 = arith.constant 0 : i32
      %dma_wait3A_269 = tpu.memref_slice %arg8[%dma_wait3A_268] : memref<216xi32, #tpu.memory_space<vmem>> -> memref<200xi32, #tpu.memory_space<vmem>>
      %dma_wait3A_270 = tpu.memref_slice %arg2[%multiple_of3A] : memref<819200xi32, #tpu.memory_space<hbm>> -> memref<200xi32, #tpu.memory_space<hbm>>
      tpu.wait_dma2 semaphore(%run_scoped3A : memref<!tpu.dma_semaphore, #tpu.memory_space<semaphore_mem>>) src(%dma_wait3A_270 : memref<200xi32, #tpu.memory_space<hbm>>) dst(%dma_wait3A_269 : memref<200xi32, #tpu.memory_space<vmem>>)
      tpu.yield
    }) : () -> ()
    %get3A = arith.constant 0 : index
    %get3A_5 = tpu.vector_load %arg8[%get3A] {strides = array<i32>} : memref<216xi32, #tpu.memory_space<vmem>>, vector<16xi32>,
    %get3A_6 = vector.shape_cast %get3A_5 : vector<16xi32> to vector<16xi32>
    %shift_right_logical3A = arith.constant 1 : i32
    %shift_right_logical3A_7 = vector.broadcast %shift_right_logical3A : i32 to vector<16xi32>
    %shift_right_logical3A_8 = arith.shrui %get3A_6, %shift_right_logical3A_7 : vector<16xi32>
    %swap3A = arith.constant 0 : i32
    %swap3A_9 = arith.index_cast %swap3A : i32 to index
    %swap3A_10 = arith.constant 0 : index
    %swap3A_11 = tpu.vector_load %arg10[%swap3A_9, %swap3A_10] {strides = array<i32>} : memref<5x40xi32, #tpu.memory_space<vmem>>, vector<1x16xi32>,
    %swap3A_12 = vector.shape_cast %swap3A_11 : vector<1x16xi32> to vector<16xi32>
    %swap3A_13 = vector.shape_cast %shift_right_logical3A_8 : vector<16xi32> to vector<1x16xi32>
    tpu.vector_store %arg10[%swap3A_9, %swap3A_10], %swap3A_13 {strides = array<i32>} : memref<5x40xi32, #tpu.memory_space<vmem>>, vector<1x16xi32>,
    %get3A_14 = arith.constant 16 : index
    %get3A_15 = tpu.vector_load %arg8[%get3A_14] {strides = array<i32>} : memref<216xi32, #tpu.memory_space<vmem>>, vector<16xi32>,
    %get3A_16 = vector.shape_cast %get3A_15 : vector<16xi32> to vector<16xi32>
    %shift_right_logical3A_17 = arith.constant 1 : i32
    %shift_right_logical3A_18 = vector.broadcast %shift_right_logical3A_17 : i32 to vector<16xi32>
    %shift_right_logical3A_19 = arith.shrui %get3A_16, %shift_right_logical3A_18 : vector<16xi32>
    %swap3A_20 = arith.constant 0 : i32
    %swap3A_21 = arith.index_cast %swap3A_20 : i32 to index
    %swap3A_22 = arith.constant 16 : index
    %swap3A_23 = tpu.vector_load %arg10[%swap3A_21, %swap3A_22] {strides = array<i32>} : memref<5x40xi32, #tpu.memory_space<vmem>>, vector<1x16xi32>,
    %swap3A_24 = vector.shape_cast %swap3A_23 : vector<1x16xi32> to vector<16xi32>
    %swap3A_25 = vector.shape_cast %shift_right_logical3A_19 : vector<16xi32> to vector<1x16xi32>
    tpu.vector_store %arg10[%swap3A_21, %swap3A_22], %swap3A_25 {strides = array<i32>} : memref<5x40xi32, #tpu.memory_space<vmem>>, vector<1x16xi32>,
    %get3A_26 = arith.constant 24 : index
    %get3A_27 = tpu.vector_load %arg8[%get3A_26] {strides = array<i32>} : memref<216xi32, #tpu.memory_space<vmem>>, vector<16xi32>,
    %get3A_28 = vector.shape_cast %get3A_27 : vector<16xi32> to vector<16xi32>
    %shift_right_logical3A_29 = arith.constant 1 : i32
    %shift_right_logical3A_30 = vector.broadcast %shift_right_logical3A_29 : i32 to vector<16xi32>
    %shift_right_logical3A_31 = arith.shrui %get3A_28, %shift_right_logical3A_30 : vector<16xi32>
    %swap3A_32 = arith.constant 0 : i32
    %swap3A_33 = arith.index_cast %swap3A_32 : i32 to index
    %swap3A_34 = arith.constant 24 : index
    %swap3A_35 = tpu.vector_load %arg10[%swap3A_33, %swap3A_34] {strides = array<i32>} : memref<5x40xi32, #tpu.memory_space<vmem>>, vector<1x16xi32>,
    %swap3A_36 = vector.shape_cast %swap3A_35 : vector<1x16xi32> to vector<16xi32>
    %swap3A_37 = vector.shape_cast %shift_right_logical3A_31 : vector<16xi32> to vector<1x16xi32>
    tpu.vector_store %arg10[%swap3A_33, %swap3A_34], %swap3A_37 {strides = array<i32>} : memref<5x40xi32, #tpu.memory_space<vmem>>, vector<1x16xi32>,
    %get3A_38 = arith.constant 40 : index
    %get3A_39 = tpu.vector_load %arg8[%get3A_38] {strides = array<i32>} : memref<216xi32, #tpu.memory_space<vmem>>, vector<16xi32>,
    %get3A_40 = vector.shape_cast %get3A_39 : vector<16xi32> to vector<16xi32>
    %shift_right_logical3A_41 = arith.constant 1 : i32
    %shift_right_logical3A_42 = vector.broadcast %shift_right_logical3A_41 : i32 to vector<16xi32>
    %shift_right_logical3A_43 = arith.shrui %get3A_40, %shift_right_logical3A_42 : vector<16xi32>
    %swap3A_44 = arith.constant 1 : i32
    %swap3A_45 = arith.index_cast %swap3A_44 : i32 to index
    %swap3A_46 = arith.constant 0 : index
    %swap3A_47 = tpu.vector_load %arg10[%swap3A_45, %swap3A_46] {strides = array<i32>} : memref<5x40xi32, #tpu.memory_space<vmem>>, vector<1x16xi32>,
    %swap3A_48 = vector.shape_cast %swap3A_47 : vector<1x16xi32> to vector<16xi32>
    %swap3A_49 = vector.shape_cast %shift_right_logical3A_43 : vector<16xi32> to vector<1x16xi32>
    tpu.vector_store %arg10[%swap3A_45, %swap3A_46], %swap3A_49 {strides = array<i32>} : memref<5x40xi32, #tpu.memory_space<vmem>>, vector<1x16xi32>,
    %get3A_50 = arith.constant 56 : index
    %get3A_51 = tpu.vector_load %arg8[%get3A_50] {strides = array<i32>} : memref<216xi32, #tpu.memory_space<vmem>>, vector<16xi32>,
    %get3A_52 = vector.shape_cast %get3A_51 : vector<16xi32> to vector<16xi32>
    %shift_right_logical3A_53 = arith.constant 1 : i32
    %shift_right_logical3A_54 = vector.broadcast %shift_right_logical3A_53 : i32 to vector<16xi32>
    %shift_right_logical3A_55 = arith.shrui %get3A_52, %shift_right_logical3A_54 : vector<16xi32>
    %swap3A_56 = arith.constant 1 : i32
    %swap3A_57 = arith.index_cast %swap3A_56 : i32 to index
    %swap3A_58 = arith.constant 16 : index
    %swap3A_59 = tpu.vector_load %arg10[%swap3A_57, %swap3A_58] {strides = array<i32>} : memref<5x40xi32, #tpu.memory_space<vmem>>, vector<1x16xi32>,
    %swap3A_60 = vector.shape_cast %swap3A_59 : vector<1x16xi32> to vector<16xi32>
    %swap3A_61 = vector.shape_cast %shift_right_logical3A_55 : vector<16xi32> to vector<1x16xi32>
    tpu.vector_store %arg10[%swap3A_57, %swap3A_58], %swap3A_61 {strides = array<i32>} : memref<5x40xi32, #tpu.memory_space<vmem>>, vector<1x16xi32>,
    %get3A_62 = arith.constant 64 : index
    %get3A_63 = tpu.vector_load %arg8[%get3A_62] {strides = array<i32>} : memref<216xi32, #tpu.memory_space<vmem>>, vector<16xi32>,
    %get3A_64 = vector.shape_cast %get3A_63 : vector<16xi32> to vector<16xi32>
    %shift_right_logical3A_65 = arith.constant 1 : i32
    %shift_right_logical3A_66 = vector.broadcast %shift_right_logical3A_65 : i32 to vector<16xi32>
    %shift_right_logical3A_67 = arith.shrui %get3A_64, %shift_right_logical3A_66 : vector<16xi32>
    %swap3A_68 = arith.constant 1 : i32
    %swap3A_69 = arith.index_cast %swap3A_68 : i32 to index
    %swap3A_70 = arith.constant 24 : index
    %swap3A_71 = tpu.vector_load %arg10[%swap3A_69, %swap3A_70] {strides = array<i32>} : memref<5x40xi32, #tpu.memory_space<vmem>>, vector<1x16xi32>,
    %swap3A_72 = vector.shape_cast %swap3A_71 : vector<1x16xi32> to vector<16xi32>
    %swap3A_73 = vector.shape_cast %shift_right_logical3A_67 : vector<16xi32> to vector<1x16xi32>
    tpu.vector_store %arg10[%swap3A_69, %swap3A_70], %swap3A_73 {strides = array<i32>} : memref<5x40xi32, #tpu.memory_space<vmem>>, vector<1x16xi32>,
    %get3A_74 = arith.constant 80 : index
    %get3A_75 = tpu.vector_load %arg8[%get3A_74] {strides = array<i32>} : memref<216xi32, #tpu.memory_space<vmem>>, vector<16xi32>,
    %get3A_76 = vector.shape_cast %get3A_75 : vector<16xi32> to vector<16xi32>
    %shift_right_logical3A_77 = arith.constant 1 : i32
    %shift_right_logical3A_78 = vector.broadcast %shift_right_logical3A_77 : i32 to vector<16xi32>
    %shift_right_logical3A_79 = arith.shrui %get3A_76, %shift_right_logical3A_78 : vector<16xi32>
    %swap3A_80 = arith.constant 2 : i32
    %swap3A_81 = arith.index_cast %swap3A_80 : i32 to index
    %swap3A_82 = arith.constant 0 : index
    %swap3A_83 = tpu.vector_load %arg10[%swap3A_81, %swap3A_82] {strides = array<i32>} : memref<5x40xi32, #tpu.memory_space<vmem>>, vector<1x16xi32>,
    %swap3A_84 = vector.shape_cast %swap3A_83 : vector<1x16xi32> to vector<16xi32>
    %swap3A_85 = vector.shape_cast %shift_right_logical3A_79 : vector<16xi32> to vector<1x16xi32>
    tpu.vector_store %arg10[%swap3A_81, %swap3A_82], %swap3A_85 {strides = array<i32>} : memref<5x40xi32, #tpu.memory_space<vmem>>, vector<1x16xi32>,
    %get3A_86 = arith.constant 96 : index
    %get3A_87 = tpu.vector_load %arg8[%get3A_86] {strides = array<i32>} : memref<216xi32, #tpu.memory_space<vmem>>, vector<16xi32>,
    %get3A_88 = vector.shape_cast %get3A_87 : vector<16xi32> to vector<16xi32>
    %shift_right_logical3A_89 = arith.constant 1 : i32
    %shift_right_logical3A_90 = vector.broadcast %shift_right_logical3A_89 : i32 to vector<16xi32>
    %shift_right_logical3A_91 = arith.shrui %get3A_88, %shift_right_logical3A_90 : vector<16xi32>
    %swap3A_92 = arith.constant 2 : i32
    %swap3A_93 = arith.index_cast %swap3A_92 : i32 to index
    %swap3A_94 = arith.constant 16 : index
    %swap3A_95 = tpu.vector_load %arg10[%swap3A_93, %swap3A_94] {strides = array<i32>} : memref<5x40xi32, #tpu.memory_space<vmem>>, vector<1x16xi32>,
    %swap3A_96 = vector.shape_cast %swap3A_95 : vector<1x16xi32> to vector<16xi32>
    %swap3A_97 = vector.shape_cast %shift_right_logical3A_91 : vector<16xi32> to vector<1x16xi32>
    tpu.vector_store %arg10[%swap3A_93, %swap3A_94], %swap3A_97 {strides = array<i32>} : memref<5x40xi32, #tpu.memory_space<vmem>>, vector<1x16xi32>,
    %get3A_98 = arith.constant 104 : index
    %get3A_99 = tpu.vector_load %arg8[%get3A_98] {strides = array<i32>} : memref<216xi32, #tpu.memory_space<vmem>>, vector<16xi32>,
    %get3A_100 = vector.shape_cast %get3A_99 : vector<16xi32> to vector<16xi32>
    %shift_right_logical3A_101 = arith.constant 1 : i32
    %shift_right_logical3A_102 = vector.broadcast %shift_right_logical3A_101 : i32 to vector<16xi32>
    %shift_right_logical3A_103 = arith.shrui %get3A_100, %shift_right_logical3A_102 : vector<16xi32>
    %swap3A_104 = arith.constant 2 : i32
    %swap3A_105 = arith.index_cast %swap3A_104 : i32 to index
    %swap3A_106 = arith.constant 24 : index
    %swap3A_107 = tpu.vector_load %arg10[%swap3A_105, %swap3A_106] {strides = array<i32>} : memref<5x40xi32, #tpu.memory_space<vmem>>, vector<1x16xi32>,
    %swap3A_108 = vector.shape_cast %swap3A_107 : vector<1x16xi32> to vector<16xi32>
    %swap3A_109 = vector.shape_cast %shift_right_logical3A_103 : vector<16xi32> to vector<1x16xi32>
    tpu.vector_store %arg10[%swap3A_105, %swap3A_106], %swap3A_109 {strides = array<i32>} : memref<5x40xi32, #tpu.memory_space<vmem>>, vector<1x16xi32>,
    %get3A_110 = arith.constant 120 : index
    %get3A_111 = tpu.vector_load %arg8[%get3A_110] {strides = array<i32>} : memref<216xi32, #tpu.memory_space<vmem>>, vector<16xi32>,
    %get3A_112 = vector.shape_cast %get3A_111 : vector<16xi32> to vector<16xi32>
    %shift_right_logical3A_113 = arith.constant 1 : i32
    %shift_right_logical3A_114 = vector.broadcast %shift_right_logical3A_113 : i32 to vector<16xi32>
    %shift_right_logical3A_115 = arith.shrui %get3A_112, %shift_right_logical3A_114 : vector<16xi32>
    %swap3A_116 = arith.constant 3 : i32
    %swap3A_117 = arith.index_cast %swap3A_116 : i32 to index
    %swap3A_118 = arith.constant 0 : index
    %swap3A_119 = tpu.vector_load %arg10[%swap3A_117, %swap3A_118] {strides = array<i32>} : memref<5x40xi32, #tpu.memory_space<vmem>>, vector<1x16xi32>,
    %swap3A_120 = vector.shape_cast %swap3A_119 : vector<1x16xi32> to vector<16xi32>
    %swap3A_121 = vector.shape_cast %shift_right_logical3A_115 : vector<16xi32> to vector<1x16xi32>
    tpu.vector_store %arg10[%swap3A_117, %swap3A_118], %swap3A_121 {strides = array<i32>} : memref<5x40xi32, #tpu.memory_space<vmem>>, vector<1x16xi32>,
    %get3A_122 = arith.constant 136 : index
    %get3A_123 = tpu.vector_load %arg8[%get3A_122] {strides = array<i32>} : memref<216xi32, #tpu.memory_space<vmem>>, vector<16xi32>,
    %get3A_124 = vector.shape_cast %get3A_123 : vector<16xi32> to vector<16xi32>
    %shift_right_logical3A_125 = arith.constant 1 : i32
    %shift_right_logical3A_126 = vector.broadcast %shift_right_logical3A_125 : i32 to vector<16xi32>
    %shift_right_logical3A_127 = arith.shrui %get3A_124, %shift_right_logical3A_126 : vector<16xi32>
    %swap3A_128 = arith.constant 3 : i32
    %swap3A_129 = arith.index_cast %swap3A_128 : i32 to index
    %swap3A_130 = arith.constant 16 : index
    %swap3A_131 = tpu.vector_load %arg10[%swap3A_129, %swap3A_130] {strides = array<i32>} : memref<5x40xi32, #tpu.memory_space<vmem>>, vector<1x16xi32>,
    %swap3A_132 = vector.shape_cast %swap3A_131 : vector<1x16xi32> to vector<16xi32>
    %swap3A_133 = vector.shape_cast %shift_right_logical3A_127 : vector<16xi32> to vector<1x16xi32>
    tpu.vector_store %arg10[%swap3A_129, %swap3A_130], %swap3A_133 {strides = array<i32>} : memref<5x40xi32, #tpu.memory_space<vmem>>, vector<1x16xi32>,
    %get3A_134 = arith.constant 144 : index
    %get3A_135 = tpu.vector_load %arg8[%get3A_134] {strides = array<i32>} : memref<216xi32, #tpu.memory_space<vmem>>, vector<16xi32>,
    %get3A_136 = vector.shape_cast %get3A_135 : vector<16xi32> to vector<16xi32>
    %shift_right_logical3A_137 = arith.constant 1 : i32
    %shift_right_logical3A_138 = vector.broadcast %shift_right_logical3A_137 : i32 to vector<16xi32>
    %shift_right_logical3A_139 = arith.shrui %get3A_136, %shift_right_logical3A_138 : vector<16xi32>
    %swap3A_140 = arith.constant 3 : i32
    %swap3A_141 = arith.index_cast %swap3A_140 : i32 to index
    %swap3A_142 = arith.constant 24 : index
    %swap3A_143 = tpu.vector_load %arg10[%swap3A_141, %swap3A_142] {strides = array<i32>} : memref<5x40xi32, #tpu.memory_space<vmem>>, vector<1x16xi32>,
    %swap3A_144 = vector.shape_cast %swap3A_143 : vector<1x16xi32> to vector<16xi32>
    %swap3A_145 = vector.shape_cast %shift_right_logical3A_139 : vector<16xi32> to vector<1x16xi32>
    tpu.vector_store %arg10[%swap3A_141, %swap3A_142], %swap3A_145 {strides = array<i32>} : memref<5x40xi32, #tpu.memory_space<vmem>>, vector<1x16xi32>,
    %get3A_146 = arith.constant 160 : index
    %get3A_147 = tpu.vector_load %arg8[%get3A_146] {strides = array<i32>} : memref<216xi32, #tpu.memory_space<vmem>>, vector<16xi32>,
    %get3A_148 = vector.shape_cast %get3A_147 : vector<16xi32> to vector<16xi32>
    %shift_right_logical3A_149 = arith.constant 1 : i32
    %shift_right_logical3A_150 = vector.broadcast %shift_right_logical3A_149 : i32 to vector<16xi32>
    %shift_right_logical3A_151 = arith.shrui %get3A_148, %shift_right_logical3A_150 : vector<16xi32>
    %swap3A_152 = arith.constant 4 : i32
    %swap3A_153 = arith.index_cast %swap3A_152 : i32 to index
    %swap3A_154 = arith.constant 0 : index
    %swap3A_155 = tpu.vector_load %arg10[%swap3A_153, %swap3A_154] {strides = array<i32>} : memref<5x40xi32, #tpu.memory_space<vmem>>, vector<1x16xi32>,
    %swap3A_156 = vector.shape_cast %swap3A_155 : vector<1x16xi32> to vector<16xi32>
    %swap3A_157 = vector.shape_cast %shift_right_logical3A_151 : vector<16xi32> to vector<1x16xi32>
    tpu.vector_store %arg10[%swap3A_153, %swap3A_154], %swap3A_157 {strides = array<i32>} : memref<5x40xi32, #tpu.memory_space<vmem>>, vector<1x16xi32>,
    %get3A_158 = arith.constant 176 : index
    %get3A_159 = tpu.vector_load %arg8[%get3A_158] {strides = array<i32>} : memref<216xi32, #tpu.memory_space<vmem>>, vector<16xi32>,
    %get3A_160 = vector.shape_cast %get3A_159 : vector<16xi32> to vector<16xi32>
    %shift_right_logical3A_161 = arith.constant 1 : i32
    %shift_right_logical3A_162 = vector.broadcast %shift_right_logical3A_161 : i32 to vector<16xi32>
    %shift_right_logical3A_163 = arith.shrui %get3A_160, %shift_right_logical3A_162 : vector<16xi32>
    %swap3A_164 = arith.constant 4 : i32
    %swap3A_165 = arith.index_cast %swap3A_164 : i32 to index
    %swap3A_166 = arith.constant 16 : index
    %swap3A_167 = tpu.vector_load %arg10[%swap3A_165, %swap3A_166] {strides = array<i32>} : memref<5x40xi32, #tpu.memory_space<vmem>>, vector<1x16xi32>,
    %swap3A_168 = vector.shape_cast %swap3A_167 : vector<1x16xi32> to vector<16xi32>
    %swap3A_169 = vector.shape_cast %shift_right_logical3A_163 : vector<16xi32> to vector<1x16xi32>
    tpu.vector_store %arg10[%swap3A_165, %swap3A_166], %swap3A_169 {strides = array<i32>} : memref<5x40xi32, #tpu.memory_space<vmem>>, vector<1x16xi32>,
    %get3A_170 = arith.constant 184 : index
    %get3A_171 = tpu.vector_load %arg8[%get3A_170] {strides = array<i32>} : memref<216xi32, #tpu.memory_space<vmem>>, vector<16xi32>,
    %get3A_172 = vector.shape_cast %get3A_171 : vector<16xi32> to vector<16xi32>
    %shift_right_logical3A_173 = arith.constant 1 : i32
    %shift_right_logical3A_174 = vector.broadcast %shift_right_logical3A_173 : i32 to vector<16xi32>
    %shift_right_logical3A_175 = arith.shrui %get3A_172, %shift_right_logical3A_174 : vector<16xi32>
    %swap3A_176 = arith.constant 4 : i32
    %swap3A_177 = arith.index_cast %swap3A_176 : i32 to index
    %swap3A_178 = arith.constant 24 : index
    %swap3A_179 = tpu.vector_load %arg10[%swap3A_177, %swap3A_178] {strides = array<i32>} : memref<5x40xi32, #tpu.memory_space<vmem>>, vector<1x16xi32>,
    %swap3A_180 = vector.shape_cast %swap3A_179 : vector<1x16xi32> to vector<16xi32>
    %swap3A_181 = vector.shape_cast %shift_right_logical3A_175 : vector<16xi32> to vector<1x16xi32>
    tpu.vector_store %arg10[%swap3A_177, %swap3A_178], %swap3A_181 {strides = array<i32>} : memref<5x40xi32, #tpu.memory_space<vmem>>, vector<1x16xi32>,
    %dma_start3A = arith.constant 0 : i32
    %dma_start3A_182 = arith.constant 0 : i32
    %dma_start3A_183 = arith.constant 0 : i32
    %dma_start3A_184 = tpu.memref_slice %arg12[%dma_start3A_182, %dma_start3A_183] : memref<200x128xf32, #tpu.memory_space<vmem>> -> memref<40x128xf32, #tpu.memory_space<vmem>>
    %dma_start3A_185 = arith.constant 0 : i32
    %dma_start3A_186 = tpu.memref_slice %arg10[%dma_start3A, %dma_start3A_185] : memref<5x40xi32, #tpu.memory_space<vmem>> -> memref<1x40xi32, #tpu.memory_space<vmem>>
    %dma_start3A_187 = tpu.memref_squeeze %dma_start3A_186 : memref<1x40xi32, #tpu.memory_space<vmem>> -> memref<40xi32, #tpu.memory_space<vmem>>
    %dma_start3A_188 = arith.constant 0 : i32
    %dma_start3A_189 = arith.constant 0 : i32
    %dma_start3A_190 = tpu.memref_slice %arg3[%dma_start3A_188, %dma_start3A_189] : memref<500000x128xf32, #tpu.memory_space<hbm>> -> memref<500000x128xf32, #tpu.memory_space<hbm>>
    tpu.enqueue_indirect_dma source(%dma_start3A_190 : memref<500000x128xf32, #tpu.memory_space<hbm>>) target(%dma_start3A_184 : memref<40x128xf32, #tpu.memory_space<vmem>>) offsets(%dma_start3A_187 : memref<40xi32, #tpu.memory_space<vmem>>) semaphore(%arg18 : memref<!tpu.dma_semaphore, #tpu.memory_space<semaphore_mem>>)
    %dma_start3A_191 = arith.constant 1 : i32
    %dma_start3A_192 = arith.constant 40 : i32
    %dma_start3A_193 = arith.constant 0 : i32
    %dma_start3A_194 = tpu.memref_slice %arg12[%dma_start3A_192, %dma_start3A_193] : memref<200x128xf32, #tpu.memory_space<vmem>> -> memref<40x128xf32, #tpu.memory_space<vmem>>
    %dma_start3A_195 = arith.constant 0 : i32
    %dma_start3A_196 = tpu.memref_slice %arg10[%dma_start3A_191, %dma_start3A_195] : memref<5x40xi32, #tpu.memory_space<vmem>> -> memref<1x40xi32, #tpu.memory_space<vmem>>
    %dma_start3A_197 = tpu.memref_squeeze %dma_start3A_196 : memref<1x40xi32, #tpu.memory_space<vmem>> -> memref<40xi32, #tpu.memory_space<vmem>>
    %dma_start3A_198 = arith.constant 0 : i32
    %dma_start3A_199 = arith.constant 0 : i32
    %dma_start3A_200 = tpu.memref_slice %arg3[%dma_start3A_198, %dma_start3A_199] : memref<500000x128xf32, #tpu.memory_space<hbm>> -> memref<500000x128xf32, #tpu.memory_space<hbm>>
    tpu.enqueue_indirect_dma source(%dma_start3A_200 : memref<500000x128xf32, #tpu.memory_space<hbm>>) target(%dma_start3A_194 : memref<40x128xf32, #tpu.memory_space<vmem>>) offsets(%dma_start3A_197 : memref<40xi32, #tpu.memory_space<vmem>>) semaphore(%arg18 : memref<!tpu.dma_semaphore, #tpu.memory_space<semaphore_mem>>)
    %dma_start3A_201 = arith.constant 2 : i32
    %dma_start3A_202 = arith.constant 80 : i32
    %dma_start3A_203 = arith.constant 0 : i32
    %dma_start3A_204 = tpu.memref_slice %arg12[%dma_start3A_202, %dma_start3A_203] : memref<200x128xf32, #tpu.memory_space<vmem>> -> memref<40x128xf32, #tpu.memory_space<vmem>>
    %dma_start3A_205 = arith.constant 0 : i32
    %dma_start3A_206 = tpu.memref_slice %arg10[%dma_start3A_201, %dma_start3A_205] : memref<5x40xi32, #tpu.memory_space<vmem>> -> memref<1x40xi32, #tpu.memory_space<vmem>>
    %dma_start3A_207 = tpu.memref_squeeze %dma_start3A_206 : memref<1x40xi32, #tpu.memory_space<vmem>> -> memref<40xi32, #tpu.memory_space<vmem>>
    %dma_start3A_208 = arith.constant 0 : i32
    %dma_start3A_209 = arith.constant 0 : i32
    %dma_start3A_210 = tpu.memref_slice %arg3[%dma_start3A_208, %dma_start3A_209] : memref<500000x128xf32, #tpu.memory_space<hbm>> -> memref<500000x128xf32, #tpu.memory_space<hbm>>
    tpu.enqueue_indirect_dma source(%dma_start3A_210 : memref<500000x128xf32, #tpu.memory_space<hbm>>) target(%dma_start3A_204 : memref<40x128xf32, #tpu.memory_space<vmem>>) offsets(%dma_start3A_207 : memref<40xi32, #tpu.memory_space<vmem>>) semaphore(%arg18 : memref<!tpu.dma_semaphore, #tpu.memory_space<semaphore_mem>>)
    %dma_start3A_211 = arith.constant 3 : i32
    %dma_start3A_212 = arith.constant 120 : i32
    %dma_start3A_213 = arith.constant 0 : i32
    %dma_start3A_214 = tpu.memref_slice %arg12[%dma_start3A_212, %dma_start3A_213] : memref<200x128xf32, #tpu.memory_space<vmem>> -> memref<40x128xf32, #tpu.memory_space<vmem>>
    %dma_start3A_215 = arith.constant 0 : i32
    %dma_start3A_216 = tpu.memref_slice %arg10[%dma_start3A_211, %dma_start3A_215] : memref<5x40xi32, #tpu.memory_space<vmem>> -> memref<1x40xi32, #tpu.memory_space<vmem>>
    %dma_start3A_217 = tpu.memref_squeeze %dma_start3A_216 : memref<1x40xi32, #tpu.memory_space<vmem>> -> memref<40xi32, #tpu.memory_space<vmem>>
    %dma_start3A_218 = arith.constant 0 : i32
    %dma_start3A_219 = arith.constant 0 : i32
    %dma_start3A_220 = tpu.memref_slice %arg3[%dma_start3A_218, %dma_start3A_219] : memref<500000x128xf32, #tpu.memory_space<hbm>> -> memref<500000x128xf32, #tpu.memory_space<hbm>>
    tpu.enqueue_indirect_dma source(%dma_start3A_220 : memref<500000x128xf32, #tpu.memory_space<hbm>>) target(%dma_start3A_214 : memref<40x128xf32, #tpu.memory_space<vmem>>) offsets(%dma_start3A_217 : memref<40xi32, #tpu.memory_space<vmem>>) semaphore(%arg18 : memref<!tpu.dma_semaphore, #tpu.memory_space<semaphore_mem>>)
    %dma_start3A_221 = arith.constant 4 : i32
    %dma_start3A_222 = arith.constant 160 : i32
    %dma_start3A_223 = arith.constant 0 : i32
    %dma_start3A_224 = tpu.memref_slice %arg12[%dma_start3A_222, %dma_start3A_223] : memref<200x128xf32, #tpu.memory_space<vmem>> -> memref<40x128xf32, #tpu.memory_space<vmem>>
    %dma_start3A_225 = arith.constant 0 : i32
    %dma_start3A_226 = tpu.memref_slice %arg10[%dma_start3A_221, %dma_start3A_225] : memref<5x40xi32, #tpu.memory_space<vmem>> -> memref<1x40xi32, #tpu.memory_space<vmem>>
    %dma_start3A_227 = tpu.memref_squeeze %dma_start3A_226 : memref<1x40xi32, #tpu.memory_space<vmem>> -> memref<40xi32, #tpu.memory_space<vmem>>
    %dma_start3A_228 = arith.constant 0 : i32
    %dma_start3A_229 = arith.constant 0 : i32
    %dma_start3A_230 = tpu.memref_slice %arg3[%dma_start3A_228, %dma_start3A_229] : memref<500000x128xf32, #tpu.memory_space<hbm>> -> memref<500000x128xf32, #tpu.memory_space<hbm>>
    tpu.enqueue_indirect_dma source(%dma_start3A_230 : memref<500000x128xf32, #tpu.memory_space<hbm>>) target(%dma_start3A_224 : memref<40x128xf32, #tpu.memory_space<vmem>>) offsets(%dma_start3A_227 : memref<40xi32, #tpu.memory_space<vmem>>) semaphore(%arg18 : memref<!tpu.dma_semaphore, #tpu.memory_space<semaphore_mem>>)
    %scan3A = arith.constant 0 : i32
    %scan3A_231 = arith.constant 0 : i32
    %scan3A_232 = arith.constant 64 : i32
    %scan3A_233 = arith.addi %scan3A_231, %scan3A_232 : i32
    %scan3A_234 = arith.constant 1 : i32
    scf.for %scan3A_259 = %scan3A_231 to %scan3A_233 step %scan3A_234  : i32 {
      %mul3A_260 = arith.constant 2 : i32
      %mul3A_261 = arith.muli %mul3A_260, %scan3A_259 : i32
      %add3A_262 = arith.constant 1 : i32
      %add3A_263 = arith.addi %mul3A_261, %add3A_262 : i32
      %mul3A_264 = arith.constant 200 : i32
      %mul3A_265 = arith.muli %add3A_263, %mul3A_264 : i32
      %add3A_266 = arith.addi %mul3A_2, %mul3A_265 : i32
      %multiple_of3A_267 = tpu.assume_multiple %add3A_266, 200 : i32
      "tpu.region"() ({
        %run_scoped3A = tpu.sem_alloc : memref<!tpu.dma_semaphore, #tpu.memory_space<semaphore_mem>>
        %dma_start3A_1032 = arith.constant 0 : i32
        %dma_start3A_1033 = tpu.memref_slice %arg9[%dma_start3A_1032] : memref<216xi32, #tpu.memory_space<vmem>> -> memref<200xi32, #tpu.memory_space<vmem>>
        %dma_start3A_1034 = tpu.memref_slice %arg2[%multiple_of3A_267] : memref<819200xi32, #tpu.memory_space<hbm>> -> memref<200xi32, #tpu.memory_space<hbm>>
        %dma_start3A_1035 = arith.constant 0 : i32
        %dma_start3A_1036 = tpu.memref_slice %arg9[%dma_start3A_1035] : memref<216xi32, #tpu.memory_space<vmem>> -> memref<200xi32, #tpu.memory_space<vmem>>
        %dma_start3A_1037 = tpu.memref_slice %arg2[%multiple_of3A_267] : memref<819200xi32, #tpu.memory_space<hbm>> -> memref<200xi32, #tpu.memory_space<hbm>>
        tpu.enqueue_dma source(%dma_start3A_1037 : memref<200xi32, #tpu.memory_space<hbm>>) target(%dma_start3A_1036 : memref<200xi32, #tpu.memory_space<vmem>>) target_semaphore(%run_scoped3A : memref<!tpu.dma_semaphore, #tpu.memory_space<semaphore_mem>>)
        %dma_wait3A_1038 = arith.constant 0 : i32
        %dma_wait3A_1039 = tpu.memref_slice %arg9[%dma_wait3A_1038] : memref<216xi32, #tpu.memory_space<vmem>> -> memref<200xi32, #tpu.memory_space<vmem>>
        %dma_wait3A_1040 = tpu.memref_slice %arg2[%multiple_of3A_267] : memref<819200xi32, #tpu.memory_space<hbm>> -> memref<200xi32, #tpu.memory_space<hbm>>
        %dma_wait3A_1041 = arith.constant 0 : i32
        %dma_wait3A_1042 = tpu.memref_slice %arg9[%dma_wait3A_1041] : memref<216xi32, #tpu.memory_space<vmem>> -> memref<200xi32, #tpu.memory_space<vmem>>
        %dma_wait3A_1043 = tpu.memref_slice %arg2[%multiple_of3A_267] : memref<819200xi32, #tpu.memory_space<hbm>> -> memref<200xi32, #tpu.memory_space<hbm>>
        tpu.wait_dma2 semaphore(%run_scoped3A : memref<!tpu.dma_semaphore, #tpu.memory_space<semaphore_mem>>) src(%dma_wait3A_1043 : memref<200xi32, #tpu.memory_space<hbm>>) dst(%dma_wait3A_1042 : memref<200xi32, #tpu.memory_space<vmem>>)
        tpu.yield
      }) : () -> ()
      %get3A_268 = arith.constant 0 : index
      %get3A_269 = tpu.vector_load %arg9[%get3A_268] {strides = array<i32>} : memref<216xi32, #tpu.memory_space<vmem>>, vector<16xi32>,
      %get3A_270 = vector.shape_cast %get3A_269 : vector<16xi32> to vector<16xi32>
      %shift_right_logical3A_271 = arith.constant 1 : i32
      %shift_right_logical3A_272 = vector.broadcast %shift_right_logical3A_271 : i32 to vector<16xi32>
      %shift_right_logical3A_273 = arith.shrui %get3A_270, %shift_right_logical3A_272 : vector<16xi32>
      %swap3A_274 = arith.constant 0 : i32
      %swap3A_275 = arith.index_cast %swap3A_274 : i32 to index
      %swap3A_276 = arith.constant 0 : index
      %swap3A_277 = tpu.vector_load %arg11[%swap3A_275, %swap3A_276] {strides = array<i32>} : memref<5x40xi32, #tpu.memory_space<vmem>>, vector<1x16xi32>,
      %swap3A_278 = vector.shape_cast %swap3A_277 : vector<1x16xi32> to vector<16xi32>
      %swap3A_279 = vector.shape_cast %shift_right_logical3A_273 : vector<16xi32> to vector<1x16xi32>
      tpu.vector_store %arg11[%swap3A_275, %swap3A_276], %swap3A_279 {strides = array<i32>} : memref<5x40xi32, #tpu.memory_space<vmem>>, vector<1x16xi32>,
      %get3A_280 = arith.constant 16 : index
      %get3A_281 = tpu.vector_load %arg9[%get3A_280] {strides = array<i32>} : memref<216xi32, #tpu.memory_space<vmem>>, vector<16xi32>,
      %get3A_282 = vector.shape_cast %get3A_281 : vector<16xi32> to vector<16xi32>
      %shift_right_logical3A_283 = arith.constant 1 : i32
      %shift_right_logical3A_284 = vector.broadcast %shift_right_logical3A_283 : i32 to vector<16xi32>
      %shift_right_logical3A_285 = arith.shrui %get3A_282, %shift_right_logical3A_284 : vector<16xi32>
      %swap3A_286 = arith.constant 0 : i32
      %swap3A_287 = arith.index_cast %swap3A_286 : i32 to index
      %swap3A_288 = arith.constant 16 : index
      %swap3A_289 = tpu.vector_load %arg11[%swap3A_287, %swap3A_288] {strides = array<i32>} : memref<5x40xi32, #tpu.memory_space<vmem>>, vector<1x16xi32>,
      %swap3A_290 = vector.shape_cast %swap3A_289 : vector<1x16xi32> to vector<16xi32>
      %swap3A_291 = vector.shape_cast %shift_right_logical3A_285 : vector<16xi32> to vector<1x16xi32>
      tpu.vector_store %arg11[%swap3A_287, %swap3A_288], %swap3A_291 {strides = array<i32>} : memref<5x40xi32, #tpu.memory_space<vmem>>, vector<1x16xi32>,
      %get3A_292 = arith.constant 24 : index
      %get3A_293 = tpu.vector_load %arg9[%get3A_292] {strides = array<i32>} : memref<216xi32, #tpu.memory_space<vmem>>, vector<16xi32>,
      %get3A_294 = vector.shape_cast %get3A_293 : vector<16xi32> to vector<16xi32>
      %shift_right_logical3A_295 = arith.constant 1 : i32
      %shift_right_logical3A_296 = vector.broadcast %shift_right_logical3A_295 : i32 to vector<16xi32>
      %shift_right_logical3A_297 = arith.shrui %get3A_294, %shift_right_logical3A_296 : vector<16xi32>
      %swap3A_298 = arith.constant 0 : i32
      %swap3A_299 = arith.index_cast %swap3A_298 : i32 to index
      %swap3A_300 = arith.constant 24 : index
      %swap3A_301 = tpu.vector_load %arg11[%swap3A_299, %swap3A_300] {strides = array<i32>} : memref<5x40xi32, #tpu.memory_space<vmem>>, vector<1x16xi32>,
      %swap3A_302 = vector.shape_cast %swap3A_301 : vector<1x16xi32> to vector<16xi32>
      %swap3A_303 = vector.shape_cast %shift_right_logical3A_297 : vector<16xi32> to vector<1x16xi32>
      tpu.vector_store %arg11[%swap3A_299, %swap3A_300], %swap3A_303 {strides = array<i32>} : memref<5x40xi32, #tpu.memory_space<vmem>>, vector<1x16xi32>,
      %get3A_304 = arith.constant 40 : index
      %get3A_305 = tpu.vector_load %arg9[%get3A_304] {strides = array<i32>} : memref<216xi32, #tpu.memory_space<vmem>>, vector<16xi32>,
      %get3A_306 = vector.shape_cast %get3A_305 : vector<16xi32> to vector<16xi32>
      %shift_right_logical3A_307 = arith.constant 1 : i32
      %shift_right_logical3A_308 = vector.broadcast %shift_right_logical3A_307 : i32 to vector<16xi32>
      %shift_right_logical3A_309 = arith.shrui %get3A_306, %shift_right_logical3A_308 : vector<16xi32>
      %swap3A_310 = arith.constant 1 : i32
      %swap3A_311 = arith.index_cast %swap3A_310 : i32 to index
      %swap3A_312 = arith.constant 0 : index
      %swap3A_313 = tpu.vector_load %arg11[%swap3A_311, %swap3A_312] {strides = array<i32>} : memref<5x40xi32, #tpu.memory_space<vmem>>, vector<1x16xi32>,
      %swap3A_314 = vector.shape_cast %swap3A_313 : vector<1x16xi32> to vector<16xi32>
      %swap3A_315 = vector.shape_cast %shift_right_logical3A_309 : vector<16xi32> to vector<1x16xi32>
      tpu.vector_store %arg11[%swap3A_311, %swap3A_312], %swap3A_315 {strides = array<i32>} : memref<5x40xi32, #tpu.memory_space<vmem>>, vector<1x16xi32>,
      %get3A_316 = arith.constant 56 : index
      %get3A_317 = tpu.vector_load %arg9[%get3A_316] {strides = array<i32>} : memref<216xi32, #tpu.memory_space<vmem>>, vector<16xi32>,
      %get3A_318 = vector.shape_cast %get3A_317 : vector<16xi32> to vector<16xi32>
      %shift_right_logical3A_319 = arith.constant 1 : i32
      %shift_right_logical3A_320 = vector.broadcast %shift_right_logical3A_319 : i32 to vector<16xi32>
      %shift_right_logical3A_321 = arith.shrui %get3A_318, %shift_right_logical3A_320 : vector<16xi32>
      %swap3A_322 = arith.constant 1 : i32
      %swap3A_323 = arith.index_cast %swap3A_322 : i32 to index
      %swap3A_324 = arith.constant 16 : index
      %swap3A_325 = tpu.vector_load %arg11[%swap3A_323, %swap3A_324] {strides = array<i32>} : memref<5x40xi32, #tpu.memory_space<vmem>>, vector<1x16xi32>,
      %swap3A_326 = vector.shape_cast %swap3A_325 : vector<1x16xi32> to vector<16xi32>
      %swap3A_327 = vector.shape_cast %shift_right_logical3A_321 : vector<16xi32> to vector<1x16xi32>
      tpu.vector_store %arg11[%swap3A_323, %swap3A_324], %swap3A_327 {strides = array<i32>} : memref<5x40xi32, #tpu.memory_space<vmem>>, vector<1x16xi32>,
      %get3A_328 = arith.constant 64 : index
      %get3A_329 = tpu.vector_load %arg9[%get3A_328] {strides = array<i32>} : memref<216xi32, #tpu.memory_space<vmem>>, vector<16xi32>,
      %get3A_330 = vector.shape_cast %get3A_329 : vector<16xi32> to vector<16xi32>
      %shift_right_logical3A_331 = arith.constant 1 : i32
      %shift_right_logical3A_332 = vector.broadcast %shift_right_logical3A_331 : i32 to vector<16xi32>
      %shift_right_logical3A_333 = arith.shrui %get3A_330, %shift_right_logical3A_332 : vector<16xi32>
      %swap3A_334 = arith.constant 1 : i32
      %swap3A_335 = arith.index_cast %swap3A_334 : i32 to index
      %swap3A_336 = arith.constant 24 : index
      %swap3A_337 = tpu.vector_load %arg11[%swap3A_335, %swap3A_336] {strides = array<i32>} : memref<5x40xi32, #tpu.memory_space<vmem>>, vector<1x16xi32>,
      %swap3A_338 = vector.shape_cast %swap3A_337 : vector<1x16xi32> to vector<16xi32>
      %swap3A_339 = vector.shape_cast %shift_right_logical3A_333 : vector<16xi32> to vector<1x16xi32>
      tpu.vector_store %arg11[%swap3A_335, %swap3A_336], %swap3A_339 {strides = array<i32>} : memref<5x40xi32, #tpu.memory_space<vmem>>, vector<1x16xi32>,
      %get3A_340 = arith.constant 80 : index
      %get3A_341 = tpu.vector_load %arg9[%get3A_340] {strides = array<i32>} : memref<216xi32, #tpu.memory_space<vmem>>, vector<16xi32>,
      %get3A_342 = vector.shape_cast %get3A_341 : vector<16xi32> to vector<16xi32>
      %shift_right_logical3A_343 = arith.constant 1 : i32
      %shift_right_logical3A_344 = vector.broadcast %shift_right_logical3A_343 : i32 to vector<16xi32>
      %shift_right_logical3A_345 = arith.shrui %get3A_342, %shift_right_logical3A_344 : vector<16xi32>
      %swap3A_346 = arith.constant 2 : i32
      %swap3A_347 = arith.index_cast %swap3A_346 : i32 to index
      %swap3A_348 = arith.constant 0 : index
      %swap3A_349 = tpu.vector_load %arg11[%swap3A_347, %swap3A_348] {strides = array<i32>} : memref<5x40xi32, #tpu.memory_space<vmem>>, vector<1x16xi32>,
      %swap3A_350 = vector.shape_cast %swap3A_349 : vector<1x16xi32> to vector<16xi32>
      %swap3A_351 = vector.shape_cast %shift_right_logical3A_345 : vector<16xi32> to vector<1x16xi32>
      tpu.vector_store %arg11[%swap3A_347, %swap3A_348], %swap3A_351 {strides = array<i32>} : memref<5x40xi32, #tpu.memory_space<vmem>>, vector<1x16xi32>,
      %get3A_352 = arith.constant 96 : index
      %get3A_353 = tpu.vector_load %arg9[%get3A_352] {strides = array<i32>} : memref<216xi32, #tpu.memory_space<vmem>>, vector<16xi32>,
      %get3A_354 = vector.shape_cast %get3A_353 : vector<16xi32> to vector<16xi32>
      %shift_right_logical3A_355 = arith.constant 1 : i32
      %shift_right_logical3A_356 = vector.broadcast %shift_right_logical3A_355 : i32 to vector<16xi32>
      %shift_right_logical3A_357 = arith.shrui %get3A_354, %shift_right_logical3A_356 : vector<16xi32>
      %swap3A_358 = arith.constant 2 : i32
      %swap3A_359 = arith.index_cast %swap3A_358 : i32 to index
      %swap3A_360 = arith.constant 16 : index
      %swap3A_361 = tpu.vector_load %arg11[%swap3A_359, %swap3A_360] {strides = array<i32>} : memref<5x40xi32, #tpu.memory_space<vmem>>, vector<1x16xi32>,
      %swap3A_362 = vector.shape_cast %swap3A_361 : vector<1x16xi32> to vector<16xi32>
      %swap3A_363 = vector.shape_cast %shift_right_logical3A_357 : vector<16xi32> to vector<1x16xi32>
      tpu.vector_store %arg11[%swap3A_359, %swap3A_360], %swap3A_363 {strides = array<i32>} : memref<5x40xi32, #tpu.memory_space<vmem>>, vector<1x16xi32>,
      %get3A_364 = arith.constant 104 : index
      %get3A_365 = tpu.vector_load %arg9[%get3A_364] {strides = array<i32>} : memref<216xi32, #tpu.memory_space<vmem>>, vector<16xi32>,
      %get3A_366 = vector.shape_cast %get3A_365 : vector<16xi32> to vector<16xi32>
      %shift_right_logical3A_367 = arith.constant 1 : i32
      %shift_right_logical3A_368 = vector.broadcast %shift_right_logical3A_367 : i32 to vector<16xi32>
      %shift_right_logical3A_369 = arith.shrui %get3A_366, %shift_right_logical3A_368 : vector<16xi32>
      %swap3A_370 = arith.constant 2 : i32
      %swap3A_371 = arith.index_cast %swap3A_370 : i32 to index
      %swap3A_372 = arith.constant 24 : index
      %swap3A_373 = tpu.vector_load %arg11[%swap3A_371, %swap3A_372] {strides = array<i32>} : memref<5x40xi32, #tpu.memory_space<vmem>>, vector<1x16xi32>,
      %swap3A_374 = vector.shape_cast %swap3A_373 : vector<1x16xi32> to vector<16xi32>
      %swap3A_375 = vector.shape_cast %shift_right_logical3A_369 : vector<16xi32> to vector<1x16xi32>
      tpu.vector_store %arg11[%swap3A_371, %swap3A_372], %swap3A_375 {strides = array<i32>} : memref<5x40xi32, #tpu.memory_space<vmem>>, vector<1x16xi32>,
      %get3A_376 = arith.constant 120 : index
      %get3A_377 = tpu.vector_load %arg9[%get3A_376] {strides = array<i32>} : memref<216xi32, #tpu.memory_space<vmem>>, vector<16xi32>,
      %get3A_378 = vector.shape_cast %get3A_377 : vector<16xi32> to vector<16xi32>
      %shift_right_logical3A_379 = arith.constant 1 : i32
      %shift_right_logical3A_380 = vector.broadcast %shift_right_logical3A_379 : i32 to vector<16xi32>
      %shift_right_logical3A_381 = arith.shrui %get3A_378, %shift_right_logical3A_380 : vector<16xi32>
      %swap3A_382 = arith.constant 3 : i32
      %swap3A_383 = arith.index_cast %swap3A_382 : i32 to index
      %swap3A_384 = arith.constant 0 : index
      %swap3A_385 = tpu.vector_load %arg11[%swap3A_383, %swap3A_384] {strides = array<i32>} : memref<5x40xi32, #tpu.memory_space<vmem>>, vector<1x16xi32>,
      %swap3A_386 = vector.shape_cast %swap3A_385 : vector<1x16xi32> to vector<16xi32>
      %swap3A_387 = vector.shape_cast %shift_right_logical3A_381 : vector<16xi32> to vector<1x16xi32>
      tpu.vector_store %arg11[%swap3A_383, %swap3A_384], %swap3A_387 {strides = array<i32>} : memref<5x40xi32, #tpu.memory_space<vmem>>, vector<1x16xi32>,
      %get3A_388 = arith.constant 136 : index
      %get3A_389 = tpu.vector_load %arg9[%get3A_388] {strides = array<i32>} : memref<216xi32, #tpu.memory_space<vmem>>, vector<16xi32>,
      %get3A_390 = vector.shape_cast %get3A_389 : vector<16xi32> to vector<16xi32>
      %shift_right_logical3A_391 = arith.constant 1 : i32
      %shift_right_logical3A_392 = vector.broadcast %shift_right_logical3A_391 : i32 to vector<16xi32>
      %shift_right_logical3A_393 = arith.shrui %get3A_390, %shift_right_logical3A_392 : vector<16xi32>
      %swap3A_394 = arith.constant 3 : i32
      %swap3A_395 = arith.index_cast %swap3A_394 : i32 to index
      %swap3A_396 = arith.constant 16 : index
      %swap3A_397 = tpu.vector_load %arg11[%swap3A_395, %swap3A_396] {strides = array<i32>} : memref<5x40xi32, #tpu.memory_space<vmem>>, vector<1x16xi32>,
      %swap3A_398 = vector.shape_cast %swap3A_397 : vector<1x16xi32> to vector<16xi32>
      %swap3A_399 = vector.shape_cast %shift_right_logical3A_393 : vector<16xi32> to vector<1x16xi32>
      tpu.vector_store %arg11[%swap3A_395, %swap3A_396], %swap3A_399 {strides = array<i32>} : memref<5x40xi32, #tpu.memory_space<vmem>>, vector<1x16xi32>,
      %get3A_400 = arith.constant 144 : index
      %get3A_401 = tpu.vector_load %arg9[%get3A_400] {strides = array<i32>} : memref<216xi32, #tpu.memory_space<vmem>>, vector<16xi32>,
      %get3A_402 = vector.shape_cast %get3A_401 : vector<16xi32> to vector<16xi32>
      %shift_right_logical3A_403 = arith.constant 1 : i32
      %shift_right_logical3A_404 = vector.broadcast %shift_right_logical3A_403 : i32 to vector<16xi32>
      %shift_right_logical3A_405 = arith.shrui %get3A_402, %shift_right_logical3A_404 : vector<16xi32>
      %swap3A_406 = arith.constant 3 : i32
      %swap3A_407 = arith.index_cast %swap3A_406 : i32 to index
      %swap3A_408 = arith.constant 24 : index
      %swap3A_409 = tpu.vector_load %arg11[%swap3A_407, %swap3A_408] {strides = array<i32>} : memref<5x40xi32, #tpu.memory_space<vmem>>, vector<1x16xi32>,
      %swap3A_410 = vector.shape_cast %swap3A_409 : vector<1x16xi32> to vector<16xi32>
      %swap3A_411 = vector.shape_cast %shift_right_logical3A_405 : vector<16xi32> to vector<1x16xi32>
      tpu.vector_store %arg11[%swap3A_407, %swap3A_408], %swap3A_411 {strides = array<i32>} : memref<5x40xi32, #tpu.memory_space<vmem>>, vector<1x16xi32>,
      %get3A_412 = arith.constant 160 : index
      %get3A_413 = tpu.vector_load %arg9[%get3A_412] {strides = array<i32>} : memref<216xi32, #tpu.memory_space<vmem>>, vector<16xi32>,
      %get3A_414 = vector.shape_cast %get3A_413 : vector<16xi32> to vector<16xi32>
      %shift_right_logical3A_415 = arith.constant 1 : i32
      %shift_right_logical3A_416 = vector.broadcast %shift_right_logical3A_415 : i32 to vector<16xi32>
      %shift_right_logical3A_417 = arith.shrui %get3A_414, %shift_right_logical3A_416 : vector<16xi32>
      %swap3A_418 = arith.constant 4 : i32
      %swap3A_419 = arith.index_cast %swap3A_418 : i32 to index
      %swap3A_420 = arith.constant 0 : index
      %swap3A_421 = tpu.vector_load %arg11[%swap3A_419, %swap3A_420] {strides = array<i32>} : memref<5x40xi32, #tpu.memory_space<vmem>>, vector<1x16xi32>,
      %swap3A_422 = vector.shape_cast %swap3A_421 : vector<1x16xi32> to vector<16xi32>
      %swap3A_423 = vector.shape_cast %shift_right_logical3A_417 : vector<16xi32> to vector<1x16xi32>
      tpu.vector_store %arg11[%swap3A_419, %swap3A_420], %swap3A_423 {strides = array<i32>} : memref<5x40xi32, #tpu.memory_space<vmem>>, vector<1x16xi32>,
      %get3A_424 = arith.constant 176 : index
      %get3A_425 = tpu.vector_load %arg9[%get3A_424] {strides = array<i32>} : memref<216xi32, #tpu.memory_space<vmem>>, vector<16xi32>,
      %get3A_426 = vector.shape_cast %get3A_425 : vector<16xi32> to vector<16xi32>
      %shift_right_logical3A_427 = arith.constant 1 : i32
      %shift_right_logical3A_428 = vector.broadcast %shift_right_logical3A_427 : i32 to vector<16xi32>
      %shift_right_logical3A_429 = arith.shrui %get3A_426, %shift_right_logical3A_428 : vector<16xi32>
      %swap3A_430 = arith.constant 4 : i32
      %swap3A_431 = arith.index_cast %swap3A_430 : i32 to index
      %swap3A_432 = arith.constant 16 : index
      %swap3A_433 = tpu.vector_load %arg11[%swap3A_431, %swap3A_432] {strides = array<i32>} : memref<5x40xi32, #tpu.memory_space<vmem>>, vector<1x16xi32>,
      %swap3A_434 = vector.shape_cast %swap3A_433 : vector<1x16xi32> to vector<16xi32>
      %swap3A_435 = vector.shape_cast %shift_right_logical3A_429 : vector<16xi32> to vector<1x16xi32>
      tpu.vector_store %arg11[%swap3A_431, %swap3A_432], %swap3A_435 {strides = array<i32>} : memref<5x40xi32, #tpu.memory_space<vmem>>, vector<1x16xi32>,
      %get3A_436 = arith.constant 184 : index
      %get3A_437 = tpu.vector_load %arg9[%get3A_436] {strides = array<i32>} : memref<216xi32, #tpu.memory_space<vmem>>, vector<16xi32>,
      %get3A_438 = vector.shape_cast %get3A_437 : vector<16xi32> to vector<16xi32>
      %shift_right_logical3A_439 = arith.constant 1 : i32
      %shift_right_logical3A_440 = vector.broadcast %shift_right_logical3A_439 : i32 to vector<16xi32>
      %shift_right_logical3A_441 = arith.shrui %get3A_438, %shift_right_logical3A_440 : vector<16xi32>
      %swap3A_442 = arith.constant 4 : i32
      %swap3A_443 = arith.index_cast %swap3A_442 : i32 to index
      %swap3A_444 = arith.constant 24 : index
      %swap3A_445 = tpu.vector_load %arg11[%swap3A_443, %swap3A_444] {strides = array<i32>} : memref<5x40xi32, #tpu.memory_space<vmem>>, vector<1x16xi32>,
      %swap3A_446 = vector.shape_cast %swap3A_445 : vector<1x16xi32> to vector<16xi32>
      %swap3A_447 = vector.shape_cast %shift_right_logical3A_441 : vector<16xi32> to vector<1x16xi32>
      tpu.vector_store %arg11[%swap3A_443, %swap3A_444], %swap3A_447 {strides = array<i32>} : memref<5x40xi32, #tpu.memory_space<vmem>>, vector<1x16xi32>,
      %dma_wait3A_448 = arith.constant 0 : i32
      %dma_wait3A_449 = arith.constant 0 : i32
      %dma_wait3A_450 = arith.constant 0 : i32
      %dma_wait3A_451 = tpu.memref_slice %arg12[%dma_wait3A_449, %dma_wait3A_450] : memref<200x128xf32, #tpu.memory_space<vmem>> -> memref<40x128xf32, #tpu.memory_space<vmem>>
      %dma_wait3A_452 = arith.constant 0 : i32
      %dma_wait3A_453 = tpu.memref_slice %arg10[%dma_wait3A_448, %dma_wait3A_452] : memref<5x40xi32, #tpu.memory_space<vmem>> -> memref<1x40xi32, #tpu.memory_space<vmem>>
      %dma_wait3A_454 = tpu.memref_squeeze %dma_wait3A_453 : memref<1x40xi32, #tpu.memory_space<vmem>> -> memref<40xi32, #tpu.memory_space<vmem>>
      %dma_wait3A_455 = arith.constant 0 : i32
      %dma_wait3A_456 = arith.constant 0 : i32
      %dma_wait3A_457 = tpu.memref_slice %arg3[%dma_wait3A_455, %dma_wait3A_456] : memref<500000x128xf32, #tpu.memory_space<hbm>> -> memref<500000x128xf32, #tpu.memory_space<hbm>>
      tpu.wait_indirect_dma semaphore(%arg18 : memref<!tpu.dma_semaphore, #tpu.memory_space<semaphore_mem>>) src(%dma_wait3A_457 : memref<500000x128xf32, #tpu.memory_space<hbm>>) dst(%dma_wait3A_451 : memref<40x128xf32, #tpu.memory_space<vmem>>)
      %dma_wait3A_458 = arith.constant 1 : i32
      %dma_wait3A_459 = arith.constant 40 : i32
      %dma_wait3A_460 = arith.constant 0 : i32
      %dma_wait3A_461 = tpu.memref_slice %arg12[%dma_wait3A_459, %dma_wait3A_460] : memref<200x128xf32, #tpu.memory_space<vmem>> -> memref<40x128xf32, #tpu.memory_space<vmem>>
      %dma_wait3A_462 = arith.constant 0 : i32
      %dma_wait3A_463 = tpu.memref_slice %arg10[%dma_wait3A_458, %dma_wait3A_462] : memref<5x40xi32, #tpu.memory_space<vmem>> -> memref<1x40xi32, #tpu.memory_space<vmem>>
      %dma_wait3A_464 = tpu.memref_squeeze %dma_wait3A_463 : memref<1x40xi32, #tpu.memory_space<vmem>> -> memref<40xi32, #tpu.memory_space<vmem>>
      %dma_wait3A_465 = arith.constant 0 : i32
      %dma_wait3A_466 = arith.constant 0 : i32
      %dma_wait3A_467 = tpu.memref_slice %arg3[%dma_wait3A_465, %dma_wait3A_466] : memref<500000x128xf32, #tpu.memory_space<hbm>> -> memref<500000x128xf32, #tpu.memory_space<hbm>>
      tpu.wait_indirect_dma semaphore(%arg18 : memref<!tpu.dma_semaphore, #tpu.memory_space<semaphore_mem>>) src(%dma_wait3A_467 : memref<500000x128xf32, #tpu.memory_space<hbm>>) dst(%dma_wait3A_461 : memref<40x128xf32, #tpu.memory_space<vmem>>)
      %dma_wait3A_468 = arith.constant 2 : i32
      %dma_wait3A_469 = arith.constant 80 : i32
      %dma_wait3A_470 = arith.constant 0 : i32
      %dma_wait3A_471 = tpu.memref_slice %arg12[%dma_wait3A_469, %dma_wait3A_470] : memref<200x128xf32, #tpu.memory_space<vmem>> -> memref<40x128xf32, #tpu.memory_space<vmem>>
      %dma_wait3A_472 = arith.constant 0 : i32
      %dma_wait3A_473 = tpu.memref_slice %arg10[%dma_wait3A_468, %dma_wait3A_472] : memref<5x40xi32, #tpu.memory_space<vmem>> -> memref<1x40xi32, #tpu.memory_space<vmem>>
      %dma_wait3A_474 = tpu.memref_squeeze %dma_wait3A_473 : memref<1x40xi32, #tpu.memory_space<vmem>> -> memref<40xi32, #tpu.memory_space<vmem>>
      %dma_wait3A_475 = arith.constant 0 : i32
      %dma_wait3A_476 = arith.constant 0 : i32
      %dma_wait3A_477 = tpu.memref_slice %arg3[%dma_wait3A_475, %dma_wait3A_476] : memref<500000x128xf32, #tpu.memory_space<hbm>> -> memref<500000x128xf32, #tpu.memory_space<hbm>>
      tpu.wait_indirect_dma semaphore(%arg18 : memref<!tpu.dma_semaphore, #tpu.memory_space<semaphore_mem>>) src(%dma_wait3A_477 : memref<500000x128xf32, #tpu.memory_space<hbm>>) dst(%dma_wait3A_471 : memref<40x128xf32, #tpu.memory_space<vmem>>)
      %dma_wait3A_478 = arith.constant 3 : i32
      %dma_wait3A_479 = arith.constant 120 : i32
      %dma_wait3A_480 = arith.constant 0 : i32
      %dma_wait3A_481 = tpu.memref_slice %arg12[%dma_wait3A_479, %dma_wait3A_480] : memref<200x128xf32, #tpu.memory_space<vmem>> -> memref<40x128xf32, #tpu.memory_space<vmem>>
      %dma_wait3A_482 = arith.constant 0 : i32
      %dma_wait3A_483 = tpu.memref_slice %arg10[%dma_wait3A_478, %dma_wait3A_482] : memref<5x40xi32, #tpu.memory_space<vmem>> -> memref<1x40xi32, #tpu.memory_space<vmem>>
      %dma_wait3A_484 = tpu.memref_squeeze %dma_wait3A_483 : memref<1x40xi32, #tpu.memory_space<vmem>> -> memref<40xi32, #tpu.memory_space<vmem>>
      %dma_wait3A_485 = arith.constant 0 : i32
      %dma_wait3A_486 = arith.constant 0 : i32
      %dma_wait3A_487 = tpu.memref_slice %arg3[%dma_wait3A_485, %dma_wait3A_486] : memref<500000x128xf32, #tpu.memory_space<hbm>> -> memref<500000x128xf32, #tpu.memory_space<hbm>>
      tpu.wait_indirect_dma semaphore(%arg18 : memref<!tpu.dma_semaphore, #tpu.memory_space<semaphore_mem>>) src(%dma_wait3A_487 : memref<500000x128xf32, #tpu.memory_space<hbm>>) dst(%dma_wait3A_481 : memref<40x128xf32, #tpu.memory_space<vmem>>)
      %dma_wait3A_488 = arith.constant 4 : i32
      %dma_wait3A_489 = arith.constant 160 : i32
      %dma_wait3A_490 = arith.constant 0 : i32
      %dma_wait3A_491 = tpu.memref_slice %arg12[%dma_wait3A_489, %dma_wait3A_490] : memref<200x128xf32, #tpu.memory_space<vmem>> -> memref<40x128xf32, #tpu.memory_space<vmem>>
      %dma_wait3A_492 = arith.constant 0 : i32
      %dma_wait3A_493 = tpu.memref_slice %arg10[%dma_wait3A_488, %dma_wait3A_492] : memref<5x40xi32, #tpu.memory_space<vmem>> -> memref<1x40xi32, #tpu.memory_space<vmem>>
      %dma_wait3A_494 = tpu.memref_squeeze %dma_wait3A_493 : memref<1x40xi32, #tpu.memory_space<vmem>> -> memref<40xi32, #tpu.memory_space<vmem>>
      %dma_wait3A_495 = arith.constant 0 : i32
      %dma_wait3A_496 = arith.constant 0 : i32
      %dma_wait3A_497 = tpu.memref_slice %arg3[%dma_wait3A_495, %dma_wait3A_496] : memref<500000x128xf32, #tpu.memory_space<hbm>> -> memref<500000x128xf32, #tpu.memory_space<hbm>>
      tpu.wait_indirect_dma semaphore(%arg18 : memref<!tpu.dma_semaphore, #tpu.memory_space<semaphore_mem>>) src(%dma_wait3A_497 : memref<500000x128xf32, #tpu.memory_space<hbm>>) dst(%dma_wait3A_491 : memref<40x128xf32, #tpu.memory_space<vmem>>)
      %ge3A = arith.constant 1 : i32
      %ge3A_498 = arith.cmpi sge, %mul3A_261, %ge3A : i32
      %convert_element_type3A = arith.extui %ge3A_498 : i1 to i32
      %cond3A = arith.constant 0 : i32
      %cond3A_499 = arith.cmpi ne, %convert_element_type3A, %cond3A : i32
      scf.if %cond3A_499 {
        %sub3A = arith.constant 1 : i32
        %sub3A_1032 = arith.subi %mul3A_261, %sub3A : i32
        %mul3A_1033 = arith.constant 200 : i32
        %mul3A_1034 = arith.muli %sub3A_1032, %mul3A_1033 : i32
        %add3A_1035 = arith.addi %mul3A_2, %mul3A_1034 : i32
        %multiple_of3A_1036 = tpu.assume_multiple %add3A_1035, 200 : i32
        %dma_wait3A_1037 = arith.constant 0 : i32
        %dma_wait3A_1038 = tpu.memref_slice %arg5[%multiple_of3A_1036, %dma_wait3A_1037] : memref<819200x64xf32, #tpu.memory_space<hbm>> -> memref<200x64xf32, #tpu.memory_space<hbm>>
        %dma_wait3A_1039 = arith.constant 0 : i32
        %dma_wait3A_1040 = tpu.memref_slice %arg5[%multiple_of3A_1036, %dma_wait3A_1039] : memref<819200x64xf32, #tpu.memory_space<hbm>> -> memref<200x64xf32, #tpu.memory_space<hbm>>
        tpu.wait_dma2 semaphore(%arg21 : memref<!tpu.dma_semaphore, #tpu.memory_space<semaphore_mem>>) src(%arg15 : memref<200x64xf32, #tpu.memory_space<vmem>>) dst(%dma_wait3A_1040 : memref<200x64xf32, #tpu.memory_space<hbm>>)
        %sub3A_1041 = arith.constant 1 : i32
        %sub3A_1042 = arith.subi %mul3A_261, %sub3A_1041 : i32
        %mul3A_1043 = arith.constant 200 : i32
        %mul3A_1044 = arith.muli %sub3A_1042, %mul3A_1043 : i32
        %add3A_1045 = arith.addi %mul3A_2, %mul3A_1044 : i32
        %multiple_of3A_1046 = tpu.assume_multiple %add3A_1045, 200 : i32
        %dma_wait3A_1047 = tpu.memref_slice %arg6[%multiple_of3A_1046] : memref<819200xi32, #tpu.memory_space<hbm>> -> memref<200xi32, #tpu.memory_space<hbm>>
        %dma_wait3A_1048 = tpu.memref_slice %arg6[%multiple_of3A_1046] : memref<819200xi32, #tpu.memory_space<hbm>> -> memref<200xi32, #tpu.memory_space<hbm>>
        tpu.wait_dma2 semaphore(%arg23 : memref<!tpu.dma_semaphore, #tpu.memory_space<semaphore_mem>>) src(%arg17 : memref<200xi32, #tpu.memory_space<vmem>>) dst(%dma_wait3A_1048 : memref<200xi32, #tpu.memory_space<hbm>>)
      } else {
      }
      %dma_start3A_500 = arith.constant 0 : i32
      %dma_start3A_501 = arith.constant 0 : i32
      %dma_start3A_502 = arith.constant 0 : i32
      %dma_start3A_503 = tpu.memref_slice %arg13[%dma_start3A_501, %dma_start3A_502] : memref<200x128xf32, #tpu.memory_space<vmem>> -> memref<40x128xf32, #tpu.memory_space<vmem>>
      %dma_start3A_504 = arith.constant 0 : i32
      %dma_start3A_505 = tpu.memref_slice %arg11[%dma_start3A_500, %dma_start3A_504] : memref<5x40xi32, #tpu.memory_space<vmem>> -> memref<1x40xi32, #tpu.memory_space<vmem>>
      %dma_start3A_506 = tpu.memref_squeeze %dma_start3A_505 : memref<1x40xi32, #tpu.memory_space<vmem>> -> memref<40xi32, #tpu.memory_space<vmem>>
      %dma_start3A_507 = arith.constant 0 : i32
      %dma_start3A_508 = arith.constant 0 : i32
      %dma_start3A_509 = tpu.memref_slice %arg3[%dma_start3A_507, %dma_start3A_508] : memref<500000x128xf32, #tpu.memory_space<hbm>> -> memref<500000x128xf32, #tpu.memory_space<hbm>>
      tpu.enqueue_indirect_dma source(%dma_start3A_509 : memref<500000x128xf32, #tpu.memory_space<hbm>>) target(%dma_start3A_503 : memref<40x128xf32, #tpu.memory_space<vmem>>) offsets(%dma_start3A_506 : memref<40xi32, #tpu.memory_space<vmem>>) semaphore(%arg19 : memref<!tpu.dma_semaphore, #tpu.memory_space<semaphore_mem>>)
      %dma_start3A_510 = arith.constant 1 : i32
      %dma_start3A_511 = arith.constant 40 : i32
      %dma_start3A_512 = arith.constant 0 : i32
      %dma_start3A_513 = tpu.memref_slice %arg13[%dma_start3A_511, %dma_start3A_512] : memref<200x128xf32, #tpu.memory_space<vmem>> -> memref<40x128xf32, #tpu.memory_space<vmem>>
      %dma_start3A_514 = arith.constant 0 : i32
      %dma_start3A_515 = tpu.memref_slice %arg11[%dma_start3A_510, %dma_start3A_514] : memref<5x40xi32, #tpu.memory_space<vmem>> -> memref<1x40xi32, #tpu.memory_space<vmem>>
      %dma_start3A_516 = tpu.memref_squeeze %dma_start3A_515 : memref<1x40xi32, #tpu.memory_space<vmem>> -> memref<40xi32, #tpu.memory_space<vmem>>
      %dma_start3A_517 = arith.constant 0 : i32
      %dma_start3A_518 = arith.constant 0 : i32
      %dma_start3A_519 = tpu.memref_slice %arg3[%dma_start3A_517, %dma_start3A_518] : memref<500000x128xf32, #tpu.memory_space<hbm>> -> memref<500000x128xf32, #tpu.memory_space<hbm>>
      tpu.enqueue_indirect_dma source(%dma_start3A_519 : memref<500000x128xf32, #tpu.memory_space<hbm>>) target(%dma_start3A_513 : memref<40x128xf32, #tpu.memory_space<vmem>>) offsets(%dma_start3A_516 : memref<40xi32, #tpu.memory_space<vmem>>) semaphore(%arg19 : memref<!tpu.dma_semaphore, #tpu.memory_space<semaphore_mem>>)
      %dma_start3A_520 = arith.constant 2 : i32
      %dma_start3A_521 = arith.constant 80 : i32
      %dma_start3A_522 = arith.constant 0 : i32
      %dma_start3A_523 = tpu.memref_slice %arg13[%dma_start3A_521, %dma_start3A_522] : memref<200x128xf32, #tpu.memory_space<vmem>> -> memref<40x128xf32, #tpu.memory_space<vmem>>
      %dma_start3A_524 = arith.constant 0 : i32
      %dma_start3A_525 = tpu.memref_slice %arg11[%dma_start3A_520, %dma_start3A_524] : memref<5x40xi32, #tpu.memory_space<vmem>> -> memref<1x40xi32, #tpu.memory_space<vmem>>
      %dma_start3A_526 = tpu.memref_squeeze %dma_start3A_525 : memref<1x40xi32, #tpu.memory_space<vmem>> -> memref<40xi32, #tpu.memory_space<vmem>>
      %dma_start3A_527 = arith.constant 0 : i32
      %dma_start3A_528 = arith.constant 0 : i32
      %dma_start3A_529 = tpu.memref_slice %arg3[%dma_start3A_527, %dma_start3A_528] : memref<500000x128xf32, #tpu.memory_space<hbm>> -> memref<500000x128xf32, #tpu.memory_space<hbm>>
      tpu.enqueue_indirect_dma source(%dma_start3A_529 : memref<500000x128xf32, #tpu.memory_space<hbm>>) target(%dma_start3A_523 : memref<40x128xf32, #tpu.memory_space<vmem>>) offsets(%dma_start3A_526 : memref<40xi32, #tpu.memory_space<vmem>>) semaphore(%arg19 : memref<!tpu.dma_semaphore, #tpu.memory_space<semaphore_mem>>)
      %dma_start3A_530 = arith.constant 3 : i32
      %dma_start3A_531 = arith.constant 120 : i32
      %dma_start3A_532 = arith.constant 0 : i32
      %dma_start3A_533 = tpu.memref_slice %arg13[%dma_start3A_531, %dma_start3A_532] : memref<200x128xf32, #tpu.memory_space<vmem>> -> memref<40x128xf32, #tpu.memory_space<vmem>>
      %dma_start3A_534 = arith.constant 0 : i32
      %dma_start3A_535 = tpu.memref_slice %arg11[%dma_start3A_530, %dma_start3A_534] : memref<5x40xi32, #tpu.memory_space<vmem>> -> memref<1x40xi32, #tpu.memory_space<vmem>>
      %dma_start3A_536 = tpu.memref_squeeze %dma_start3A_535 : memref<1x40xi32, #tpu.memory_space<vmem>> -> memref<40xi32, #tpu.memory_space<vmem>>
      %dma_start3A_537 = arith.constant 0 : i32
      %dma_start3A_538 = arith.constant 0 : i32
      %dma_start3A_539 = tpu.memref_slice %arg3[%dma_start3A_537, %dma_start3A_538] : memref<500000x128xf32, #tpu.memory_space<hbm>> -> memref<500000x128xf32, #tpu.memory_space<hbm>>
      tpu.enqueue_indirect_dma source(%dma_start3A_539 : memref<500000x128xf32, #tpu.memory_space<hbm>>) target(%dma_start3A_533 : memref<40x128xf32, #tpu.memory_space<vmem>>) offsets(%dma_start3A_536 : memref<40xi32, #tpu.memory_space<vmem>>) semaphore(%arg19 : memref<!tpu.dma_semaphore, #tpu.memory_space<semaphore_mem>>)
      %dma_start3A_540 = arith.constant 4 : i32
      %dma_start3A_541 = arith.constant 160 : i32
      %dma_start3A_542 = arith.constant 0 : i32
      %dma_start3A_543 = tpu.memref_slice %arg13[%dma_start3A_541, %dma_start3A_542] : memref<200x128xf32, #tpu.memory_space<vmem>> -> memref<40x128xf32, #tpu.memory_space<vmem>>
      %dma_start3A_544 = arith.constant 0 : i32
      %dma_start3A_545 = tpu.memref_slice %arg11[%dma_start3A_540, %dma_start3A_544] : memref<5x40xi32, #tpu.memory_space<vmem>> -> memref<1x40xi32, #tpu.memory_space<vmem>>
      %dma_start3A_546 = tpu.memref_squeeze %dma_start3A_545 : memref<1x40xi32, #tpu.memory_space<vmem>> -> memref<40xi32, #tpu.memory_space<vmem>>
      %dma_start3A_547 = arith.constant 0 : i32
      %dma_start3A_548 = arith.constant 0 : i32
      %dma_start3A_549 = tpu.memref_slice %arg3[%dma_start3A_547, %dma_start3A_548] : memref<500000x128xf32, #tpu.memory_space<hbm>> -> memref<500000x128xf32, #tpu.memory_space<hbm>>
      tpu.enqueue_indirect_dma source(%dma_start3A_549 : memref<500000x128xf32, #tpu.memory_space<hbm>>) target(%dma_start3A_543 : memref<40x128xf32, #tpu.memory_space<vmem>>) offsets(%dma_start3A_546 : memref<40xi32, #tpu.memory_space<vmem>>) semaphore(%arg19 : memref<!tpu.dma_semaphore, #tpu.memory_space<semaphore_mem>>)
      %parallel_loop3A = arith.constant 0 : i32
      %parallel_loop3A_550 = arith.constant 200 : i32
      %parallel_loop3A_551 = arith.constant 1 : i32
      scf.for %parallel_loop3A_1032 = %parallel_loop3A to %parallel_loop3A_550 step %parallel_loop3A_551  : i32 {
        %parallel_loop3A_1033 = arith.index_cast %parallel_loop3A_1032 : i32 to index
        %parallel_loop3A_1034 = tpu.vector_load %arg8[%parallel_loop3A_1033] {strides = array<i32>} : memref<216xi32, #tpu.memory_space<vmem>>, vector<16xi32>,
        %parallel_loop3A_1035 = vector.shape_cast %parallel_loop3A_1034 : vector<16xi32> to vector<16xi32>
        %parallel_loop3A_1036 = vector.extract_strided_slice %parallel_loop3A_1035 {offsets = [0], sizes = [1], strides = [1]} : vector<16xi32> to vector<1xi32>
        %parallel_loop3A_1037 = vector.extract %parallel_loop3A_1036[0] : i32 from vector<1xi32>
        %parallel_loop3A_1038 = arith.constant 1 : i32
        %parallel_loop3A_1039 = arith.andi %parallel_loop3A_1037, %parallel_loop3A_1038 : i32
        %parallel_loop3A_1040 = arith.constant 6 : i32
        %parallel_loop3A_1041 = arith.shli %parallel_loop3A_1039, %parallel_loop3A_1040 : i32
        %parallel_loop3A_1042 = arith.constant 1 : i32
        %parallel_loop3A_1043 = arith.shrui %parallel_loop3A_1032, %parallel_loop3A_1042 : i32
        %parallel_loop3A_1044 = arith.constant 1 : i32
        %parallel_loop3A_1045 = arith.andi %parallel_loop3A_1032, %parallel_loop3A_1044 : i32
        %parallel_loop3A_1046 = arith.constant 6 : i32
        %parallel_loop3A_1047 = arith.shli %parallel_loop3A_1045, %parallel_loop3A_1046 : i32
        %parallel_loop3A_1048 = arith.constant 0 : i32
        %parallel_loop3A_1049 = arith.addi %parallel_loop3A_1041, %parallel_loop3A_1048 : i32
        %parallel_loop3A_1050 = arith.index_cast %parallel_loop3A_1032 : i32 to index
        %parallel_loop3A_1051 = arith.index_cast %parallel_loop3A_1049 : i32 to index
        %parallel_loop3A_1052 = tpu.vector_load %arg12[%parallel_loop3A_1050, %parallel_loop3A_1051] {strides = array<i32>} : memref<200x128xf32, #tpu.memory_space<vmem>>, vector<1x16xf32>,
        %parallel_loop3A_1053 = vector.shape_cast %parallel_loop3A_1052 : vector<1x16xf32> to vector<16xf32>
        %parallel_loop3A_1054 = arith.constant 0 : i32
        %parallel_loop3A_1055 = arith.addi %parallel_loop3A_1047, %parallel_loop3A_1054 : i32
        %parallel_loop3A_1056 = arith.index_cast %parallel_loop3A_1043 : i32 to index
        %parallel_loop3A_1057 = arith.index_cast %parallel_loop3A_1055 : i32 to index
        %parallel_loop3A_1058 = tpu.vector_load %arg7[%parallel_loop3A_1056, %parallel_loop3A_1057] {strides = array<i32>} : memref<100x128xf32, #tpu.memory_space<vmem>>, vector<1x16xf32>,
        %parallel_loop3A_1059 = vector.shape_cast %parallel_loop3A_1058 : vector<1x16xf32> to vector<16xf32>
        %parallel_loop3A_1060 = arith.addf %parallel_loop3A_1053, %parallel_loop3A_1059 : vector<16xf32>
        %parallel_loop3A_1061 = arith.index_cast %parallel_loop3A_1032 : i32 to index
        %parallel_loop3A_1062 = arith.constant 0 : index
        %parallel_loop3A_1063 = tpu.vector_load %arg14[%parallel_loop3A_1061, %parallel_loop3A_1062] {strides = array<i32>} : memref<200x64xf32, #tpu.memory_space<vmem>>, vector<1x16xf32>,
        %parallel_loop3A_1064 = vector.shape_cast %parallel_loop3A_1063 : vector<1x16xf32> to vector<16xf32>
        %parallel_loop3A_1065 = vector.shape_cast %parallel_loop3A_1060 : vector<16xf32> to vector<1x16xf32>
        tpu.vector_store %arg14[%parallel_loop3A_1061, %parallel_loop3A_1062], %parallel_loop3A_1065 {strides = array<i32>} : memref<200x64xf32, #tpu.memory_space<vmem>>, vector<1x16xf32>,
        %parallel_loop3A_1066 = arith.constant 16 : i32
        %parallel_loop3A_1067 = arith.addi %parallel_loop3A_1041, %parallel_loop3A_1066 : i32
        %parallel_loop3A_1068 = arith.index_cast %parallel_loop3A_1032 : i32 to index
        %parallel_loop3A_1069 = arith.index_cast %parallel_loop3A_1067 : i32 to index
        %parallel_loop3A_1070 = tpu.vector_load %arg12[%parallel_loop3A_1068, %parallel_loop3A_1069] {strides = array<i32>} : memref<200x128xf32, #tpu.memory_space<vmem>>, vector<1x16xf32>,
        %parallel_loop3A_1071 = vector.shape_cast %parallel_loop3A_1070 : vector<1x16xf32> to vector<16xf32>
        %parallel_loop3A_1072 = arith.constant 16 : i32
        %parallel_loop3A_1073 = arith.addi %parallel_loop3A_1047, %parallel_loop3A_1072 : i32
        %parallel_loop3A_1074 = arith.index_cast %parallel_loop3A_1043 : i32 to index
        %parallel_loop3A_1075 = arith.index_cast %parallel_loop3A_1073 : i32 to index
        %parallel_loop3A_1076 = tpu.vector_load %arg7[%parallel_loop3A_1074, %parallel_loop3A_1075] {strides = array<i32>} : memref<100x128xf32, #tpu.memory_space<vmem>>, vector<1x16xf32>,
        %parallel_loop3A_1077 = vector.shape_cast %parallel_loop3A_1076 : vector<1x16xf32> to vector<16xf32>
        %parallel_loop3A_1078 = arith.addf %parallel_loop3A_1071, %parallel_loop3A_1077 : vector<16xf32>
        %parallel_loop3A_1079 = arith.index_cast %parallel_loop3A_1032 : i32 to index
        %parallel_loop3A_1080 = arith.constant 16 : index
        %parallel_loop3A_1081 = tpu.vector_load %arg14[%parallel_loop3A_1079, %parallel_loop3A_1080] {strides = array<i32>} : memref<200x64xf32, #tpu.memory_space<vmem>>, vector<1x16xf32>,
        %parallel_loop3A_1082 = vector.shape_cast %parallel_loop3A_1081 : vector<1x16xf32> to vector<16xf32>
        %parallel_loop3A_1083 = vector.shape_cast %parallel_loop3A_1078 : vector<16xf32> to vector<1x16xf32>
        tpu.vector_store %arg14[%parallel_loop3A_1079, %parallel_loop3A_1080], %parallel_loop3A_1083 {strides = array<i32>} : memref<200x64xf32, #tpu.memory_space<vmem>>, vector<1x16xf32>,
        %parallel_loop3A_1084 = arith.constant 32 : i32
        %parallel_loop3A_1085 = arith.addi %parallel_loop3A_1041, %parallel_loop3A_1084 : i32
        %parallel_loop3A_1086 = arith.index_cast %parallel_loop3A_1032 : i32 to index
        %parallel_loop3A_1087 = arith.index_cast %parallel_loop3A_1085 : i32 to index
        %parallel_loop3A_1088 = tpu.vector_load %arg12[%parallel_loop3A_1086, %parallel_loop3A_1087] {strides = array<i32>} : memref<200x128xf32, #tpu.memory_space<vmem>>, vector<1x16xf32>,
        %parallel_loop3A_1089 = vector.shape_cast %parallel_loop3A_1088 : vector<1x16xf32> to vector<16xf32>
        %parallel_loop3A_1090 = arith.constant 32 : i32
        %parallel_loop3A_1091 = arith.addi %parallel_loop3A_1047, %parallel_loop3A_1090 : i32
        %parallel_loop3A_1092 = arith.index_cast %parallel_loop3A_1043 : i32 to index
        %parallel_loop3A_1093 = arith.index_cast %parallel_loop3A_1091 : i32 to index
        %parallel_loop3A_1094 = tpu.vector_load %arg7[%parallel_loop3A_1092, %parallel_loop3A_1093] {strides = array<i32>} : memref<100x128xf32, #tpu.memory_space<vmem>>, vector<1x16xf32>,
        %parallel_loop3A_1095 = vector.shape_cast %parallel_loop3A_1094 : vector<1x16xf32> to vector<16xf32>
        %parallel_loop3A_1096 = arith.addf %parallel_loop3A_1089, %parallel_loop3A_1095 : vector<16xf32>
        %parallel_loop3A_1097 = arith.index_cast %parallel_loop3A_1032 : i32 to index
        %parallel_loop3A_1098 = arith.constant 32 : index
        %parallel_loop3A_1099 = tpu.vector_load %arg14[%parallel_loop3A_1097, %parallel_loop3A_1098] {strides = array<i32>} : memref<200x64xf32, #tpu.memory_space<vmem>>, vector<1x16xf32>,
        %parallel_loop3A_1100 = vector.shape_cast %parallel_loop3A_1099 : vector<1x16xf32> to vector<16xf32>
        %parallel_loop3A_1101 = vector.shape_cast %parallel_loop3A_1096 : vector<16xf32> to vector<1x16xf32>
        tpu.vector_store %arg14[%parallel_loop3A_1097, %parallel_loop3A_1098], %parallel_loop3A_1101 {strides = array<i32>} : memref<200x64xf32, #tpu.memory_space<vmem>>, vector<1x16xf32>,
        %parallel_loop3A_1102 = arith.constant 48 : i32
        %parallel_loop3A_1103 = arith.addi %parallel_loop3A_1041, %parallel_loop3A_1102 : i32
        %parallel_loop3A_1104 = arith.index_cast %parallel_loop3A_1032 : i32 to index
        %parallel_loop3A_1105 = arith.index_cast %parallel_loop3A_1103 : i32 to index
        %parallel_loop3A_1106 = tpu.vector_load %arg12[%parallel_loop3A_1104, %parallel_loop3A_1105] {strides = array<i32>} : memref<200x128xf32, #tpu.memory_space<vmem>>, vector<1x16xf32>,
        %parallel_loop3A_1107 = vector.shape_cast %parallel_loop3A_1106 : vector<1x16xf32> to vector<16xf32>
        %parallel_loop3A_1108 = arith.constant 48 : i32
        %parallel_loop3A_1109 = arith.addi %parallel_loop3A_1047, %parallel_loop3A_1108 : i32
        %parallel_loop3A_1110 = arith.index_cast %parallel_loop3A_1043 : i32 to index
        %parallel_loop3A_1111 = arith.index_cast %parallel_loop3A_1109 : i32 to index
        %parallel_loop3A_1112 = tpu.vector_load %arg7[%parallel_loop3A_1110, %parallel_loop3A_1111] {strides = array<i32>} : memref<100x128xf32, #tpu.memory_space<vmem>>, vector<1x16xf32>,
        %parallel_loop3A_1113 = vector.shape_cast %parallel_loop3A_1112 : vector<1x16xf32> to vector<16xf32>
        %parallel_loop3A_1114 = arith.addf %parallel_loop3A_1107, %parallel_loop3A_1113 : vector<16xf32>
        %parallel_loop3A_1115 = arith.index_cast %parallel_loop3A_1032 : i32 to index
        %parallel_loop3A_1116 = arith.constant 48 : index
        %parallel_loop3A_1117 = tpu.vector_load %arg14[%parallel_loop3A_1115, %parallel_loop3A_1116] {strides = array<i32>} : memref<200x64xf32, #tpu.memory_space<vmem>>, vector<1x16xf32>,
        %parallel_loop3A_1118 = vector.shape_cast %parallel_loop3A_1117 : vector<1x16xf32> to vector<16xf32>
        %parallel_loop3A_1119 = vector.shape_cast %parallel_loop3A_1114 : vector<16xf32> to vector<1x16xf32>
        tpu.vector_store %arg14[%parallel_loop3A_1115, %parallel_loop3A_1116], %parallel_loop3A_1119 {strides = array<i32>} : memref<200x64xf32, #tpu.memory_space<vmem>>, vector<1x16xf32>,
      } {sc.loop_unroll_factor = 4 : i64, sc.parallel_access}
      %get3A_552 = arith.constant 0 : index
      %get3A_553 = tpu.vector_load %arg8[%get3A_552] {strides = array<i32>} : memref<216xi32, #tpu.memory_space<vmem>>, vector<16xi32>,
      %get3A_554 = vector.shape_cast %get3A_553 : vector<16xi32> to vector<16xi32>
      %eq3A = arith.constant 0 : i32
      %eq3A_555 = vector.broadcast %eq3A : i32 to vector<16xi32>
      %eq3A_556 = arith.cmpi eq, %get3A_554, %eq3A_555 : vector<16xi32>
      %jit3A = arith.constant 1 : i32
      %jit3A_557 = arith.constant 0 : i32
      %broadcast_in_dim3A = vector.broadcast %jit3A : i32 to vector<16xi32>
      %broadcast_in_dim3A_558 = vector.broadcast %jit3A_557 : i32 to vector<16xi32>
      %select_n3A = arith.select %eq3A_556, %broadcast_in_dim3A, %broadcast_in_dim3A_558 : vector<16xi1>, vector<16xi32>
      %swap3A_559 = arith.constant 0 : index
      %swap3A_560 = tpu.vector_load %arg16[%swap3A_559] {strides = array<i32>} : memref<200xi32, #tpu.memory_space<vmem>>, vector<16xi32>,
      %swap3A_561 = vector.shape_cast %swap3A_560 : vector<16xi32> to vector<16xi32>
      %swap3A_562 = vector.shape_cast %select_n3A : vector<16xi32> to vector<16xi32>
      tpu.vector_store %arg16[%swap3A_559], %swap3A_562 {strides = array<i32>} : memref<200xi32, #tpu.memory_space<vmem>>, vector<16xi32>,
      %get3A_563 = arith.constant 16 : index
      %get3A_564 = tpu.vector_load %arg8[%get3A_563] {strides = array<i32>} : memref<216xi32, #tpu.memory_space<vmem>>, vector<16xi32>,
      %get3A_565 = vector.shape_cast %get3A_564 : vector<16xi32> to vector<16xi32>
      %eq3A_566 = arith.constant 0 : i32
      %eq3A_567 = vector.broadcast %eq3A_566 : i32 to vector<16xi32>
      %eq3A_568 = arith.cmpi eq, %get3A_565, %eq3A_567 : vector<16xi32>
      %jit3A_569 = arith.constant 1 : i32
      %jit3A_570 = arith.constant 0 : i32
      %broadcast_in_dim3A_571 = vector.broadcast %jit3A_569 : i32 to vector<16xi32>
      %broadcast_in_dim3A_572 = vector.broadcast %jit3A_570 : i32 to vector<16xi32>
      %select_n3A_573 = arith.select %eq3A_568, %broadcast_in_dim3A_571, %broadcast_in_dim3A_572 : vector<16xi1>, vector<16xi32>
      %swap3A_574 = arith.constant 16 : index
      %swap3A_575 = tpu.vector_load %arg16[%swap3A_574] {strides = array<i32>} : memref<200xi32, #tpu.memory_space<vmem>>, vector<16xi32>,
      %swap3A_576 = vector.shape_cast %swap3A_575 : vector<16xi32> to vector<16xi32>
      %swap3A_577 = vector.shape_cast %select_n3A_573 : vector<16xi32> to vector<16xi32>
      tpu.vector_store %arg16[%swap3A_574], %swap3A_577 {strides = array<i32>} : memref<200xi32, #tpu.memory_space<vmem>>, vector<16xi32>,
      %get3A_578 = arith.constant 32 : index
      %get3A_579 = tpu.vector_load %arg8[%get3A_578] {strides = array<i32>} : memref<216xi32, #tpu.memory_space<vmem>>, vector<16xi32>,
      %get3A_580 = vector.shape_cast %get3A_579 : vector<16xi32> to vector<16xi32>
      %eq3A_581 = arith.constant 0 : i32
      %eq3A_582 = vector.broadcast %eq3A_581 : i32 to vector<16xi32>
      %eq3A_583 = arith.cmpi eq, %get3A_580, %eq3A_582 : vector<16xi32>
      %jit3A_584 = arith.constant 1 : i32
      %jit3A_585 = arith.constant 0 : i32
      %broadcast_in_dim3A_586 = vector.broadcast %jit3A_584 : i32 to vector<16xi32>
      %broadcast_in_dim3A_587 = vector.broadcast %jit3A_585 : i32 to vector<16xi32>
      %select_n3A_588 = arith.select %eq3A_583, %broadcast_in_dim3A_586, %broadcast_in_dim3A_587 : vector<16xi1>, vector<16xi32>
      %swap3A_589 = arith.constant 32 : index
      %swap3A_590 = tpu.vector_load %arg16[%swap3A_589] {strides = array<i32>} : memref<200xi32, #tpu.memory_space<vmem>>, vector<16xi32>,
      %swap3A_591 = vector.shape_cast %swap3A_590 : vector<16xi32> to vector<16xi32>
      %swap3A_592 = vector.shape_cast %select_n3A_588 : vector<16xi32> to vector<16xi32>
      tpu.vector_store %arg16[%swap3A_589], %swap3A_592 {strides = array<i32>} : memref<200xi32, #tpu.memory_space<vmem>>, vector<16xi32>,
      %get3A_593 = arith.constant 48 : index
      %get3A_594 = tpu.vector_load %arg8[%get3A_593] {strides = array<i32>} : memref<216xi32, #tpu.memory_space<vmem>>, vector<16xi32>,
      %get3A_595 = vector.shape_cast %get3A_594 : vector<16xi32> to vector<16xi32>
      %eq3A_596 = arith.constant 0 : i32
      %eq3A_597 = vector.broadcast %eq3A_596 : i32 to vector<16xi32>
      %eq3A_598 = arith.cmpi eq, %get3A_595, %eq3A_597 : vector<16xi32>
      %jit3A_599 = arith.constant 1 : i32
      %jit3A_600 = arith.constant 0 : i32
      %broadcast_in_dim3A_601 = vector.broadcast %jit3A_599 : i32 to vector<16xi32>
      %broadcast_in_dim3A_602 = vector.broadcast %jit3A_600 : i32 to vector<16xi32>
      %select_n3A_603 = arith.select %eq3A_598, %broadcast_in_dim3A_601, %broadcast_in_dim3A_602 : vector<16xi1>, vector<16xi32>
      %swap3A_604 = arith.constant 48 : index
      %swap3A_605 = tpu.vector_load %arg16[%swap3A_604] {strides = array<i32>} : memref<200xi32, #tpu.memory_space<vmem>>, vector<16xi32>,
      %swap3A_606 = vector.shape_cast %swap3A_605 : vector<16xi32> to vector<16xi32>
      %swap3A_607 = vector.shape_cast %select_n3A_603 : vector<16xi32> to vector<16xi32>
      tpu.vector_store %arg16[%swap3A_604], %swap3A_607 {strides = array<i32>} : memref<200xi32, #tpu.memory_space<vmem>>, vector<16xi32>,
      %get3A_608 = arith.constant 64 : index
      %get3A_609 = tpu.vector_load %arg8[%get3A_608] {strides = array<i32>} : memref<216xi32, #tpu.memory_space<vmem>>, vector<16xi32>,
      %get3A_610 = vector.shape_cast %get3A_609 : vector<16xi32> to vector<16xi32>
      %eq3A_611 = arith.constant 0 : i32
      %eq3A_612 = vector.broadcast %eq3A_611 : i32 to vector<16xi32>
      %eq3A_613 = arith.cmpi eq, %get3A_610, %eq3A_612 : vector<16xi32>
      %jit3A_614 = arith.constant 1 : i32
      %jit3A_615 = arith.constant 0 : i32
      %broadcast_in_dim3A_616 = vector.broadcast %jit3A_614 : i32 to vector<16xi32>
      %broadcast_in_dim3A_617 = vector.broadcast %jit3A_615 : i32 to vector<16xi32>
      %select_n3A_618 = arith.select %eq3A_613, %broadcast_in_dim3A_616, %broadcast_in_dim3A_617 : vector<16xi1>, vector<16xi32>
      %swap3A_619 = arith.constant 64 : index
      %swap3A_620 = tpu.vector_load %arg16[%swap3A_619] {strides = array<i32>} : memref<200xi32, #tpu.memory_space<vmem>>, vector<16xi32>,
      %swap3A_621 = vector.shape_cast %swap3A_620 : vector<16xi32> to vector<16xi32>
      %swap3A_622 = vector.shape_cast %select_n3A_618 : vector<16xi32> to vector<16xi32>
      tpu.vector_store %arg16[%swap3A_619], %swap3A_622 {strides = array<i32>} : memref<200xi32, #tpu.memory_space<vmem>>, vector<16xi32>,
      %get3A_623 = arith.constant 80 : index
      %get3A_624 = tpu.vector_load %arg8[%get3A_623] {strides = array<i32>} : memref<216xi32, #tpu.memory_space<vmem>>, vector<16xi32>,
      %get3A_625 = vector.shape_cast %get3A_624 : vector<16xi32> to vector<16xi32>
      %eq3A_626 = arith.constant 0 : i32
      %eq3A_627 = vector.broadcast %eq3A_626 : i32 to vector<16xi32>
      %eq3A_628 = arith.cmpi eq, %get3A_625, %eq3A_627 : vector<16xi32>
      %jit3A_629 = arith.constant 1 : i32
      %jit3A_630 = arith.constant 0 : i32
      %broadcast_in_dim3A_631 = vector.broadcast %jit3A_629 : i32 to vector<16xi32>
      %broadcast_in_dim3A_632 = vector.broadcast %jit3A_630 : i32 to vector<16xi32>
      %select_n3A_633 = arith.select %eq3A_628, %broadcast_in_dim3A_631, %broadcast_in_dim3A_632 : vector<16xi1>, vector<16xi32>
      %swap3A_634 = arith.constant 80 : index
      %swap3A_635 = tpu.vector_load %arg16[%swap3A_634] {strides = array<i32>} : memref<200xi32, #tpu.memory_space<vmem>>, vector<16xi32>,
      %swap3A_636 = vector.shape_cast %swap3A_635 : vector<16xi32> to vector<16xi32>
      %swap3A_637 = vector.shape_cast %select_n3A_633 : vector<16xi32> to vector<16xi32>
      tpu.vector_store %arg16[%swap3A_634], %swap3A_637 {strides = array<i32>} : memref<200xi32, #tpu.memory_space<vmem>>, vector<16xi32>,
      %get3A_638 = arith.constant 96 : index
      %get3A_639 = tpu.vector_load %arg8[%get3A_638] {strides = array<i32>} : memref<216xi32, #tpu.memory_space<vmem>>, vector<16xi32>,
      %get3A_640 = vector.shape_cast %get3A_639 : vector<16xi32> to vector<16xi32>
      %eq3A_641 = arith.constant 0 : i32
      %eq3A_642 = vector.broadcast %eq3A_641 : i32 to vector<16xi32>
      %eq3A_643 = arith.cmpi eq, %get3A_640, %eq3A_642 : vector<16xi32>
      %jit3A_644 = arith.constant 1 : i32
      %jit3A_645 = arith.constant 0 : i32
      %broadcast_in_dim3A_646 = vector.broadcast %jit3A_644 : i32 to vector<16xi32>
      %broadcast_in_dim3A_647 = vector.broadcast %jit3A_645 : i32 to vector<16xi32>
      %select_n3A_648 = arith.select %eq3A_643, %broadcast_in_dim3A_646, %broadcast_in_dim3A_647 : vector<16xi1>, vector<16xi32>
      %swap3A_649 = arith.constant 96 : index
      %swap3A_650 = tpu.vector_load %arg16[%swap3A_649] {strides = array<i32>} : memref<200xi32, #tpu.memory_space<vmem>>, vector<16xi32>,
      %swap3A_651 = vector.shape_cast %swap3A_650 : vector<16xi32> to vector<16xi32>
      %swap3A_652 = vector.shape_cast %select_n3A_648 : vector<16xi32> to vector<16xi32>
      tpu.vector_store %arg16[%swap3A_649], %swap3A_652 {strides = array<i32>} : memref<200xi32, #tpu.memory_space<vmem>>, vector<16xi32>,
      %get3A_653 = arith.constant 112 : index
      %get3A_654 = tpu.vector_load %arg8[%get3A_653] {strides = array<i32>} : memref<216xi32, #tpu.memory_space<vmem>>, vector<16xi32>,
      %get3A_655 = vector.shape_cast %get3A_654 : vector<16xi32> to vector<16xi32>
      %eq3A_656 = arith.constant 0 : i32
      %eq3A_657 = vector.broadcast %eq3A_656 : i32 to vector<16xi32>
      %eq3A_658 = arith.cmpi eq, %get3A_655, %eq3A_657 : vector<16xi32>
      %jit3A_659 = arith.constant 1 : i32
      %jit3A_660 = arith.constant 0 : i32
      %broadcast_in_dim3A_661 = vector.broadcast %jit3A_659 : i32 to vector<16xi32>
      %broadcast_in_dim3A_662 = vector.broadcast %jit3A_660 : i32 to vector<16xi32>
      %select_n3A_663 = arith.select %eq3A_658, %broadcast_in_dim3A_661, %broadcast_in_dim3A_662 : vector<16xi1>, vector<16xi32>
      %swap3A_664 = arith.constant 112 : index
      %swap3A_665 = tpu.vector_load %arg16[%swap3A_664] {strides = array<i32>} : memref<200xi32, #tpu.memory_space<vmem>>, vector<16xi32>,
      %swap3A_666 = vector.shape_cast %swap3A_665 : vector<16xi32> to vector<16xi32>
      %swap3A_667 = vector.shape_cast %select_n3A_663 : vector<16xi32> to vector<16xi32>
      tpu.vector_store %arg16[%swap3A_664], %swap3A_667 {strides = array<i32>} : memref<200xi32, #tpu.memory_space<vmem>>, vector<16xi32>,
      %get3A_668 = arith.constant 128 : index
      %get3A_669 = tpu.vector_load %arg8[%get3A_668] {strides = array<i32>} : memref<216xi32, #tpu.memory_space<vmem>>, vector<16xi32>,
      %get3A_670 = vector.shape_cast %get3A_669 : vector<16xi32> to vector<16xi32>
      %eq3A_671 = arith.constant 0 : i32
      %eq3A_672 = vector.broadcast %eq3A_671 : i32 to vector<16xi32>
      %eq3A_673 = arith.cmpi eq, %get3A_670, %eq3A_672 : vector<16xi32>
      %jit3A_674 = arith.constant 1 : i32
      %jit3A_675 = arith.constant 0 : i32
      %broadcast_in_dim3A_676 = vector.broadcast %jit3A_674 : i32 to vector<16xi32>
      %broadcast_in_dim3A_677 = vector.broadcast %jit3A_675 : i32 to vector<16xi32>
      %select_n3A_678 = arith.select %eq3A_673, %broadcast_in_dim3A_676, %broadcast_in_dim3A_677 : vector<16xi1>, vector<16xi32>
      %swap3A_679 = arith.constant 128 : index
      %swap3A_680 = tpu.vector_load %arg16[%swap3A_679] {strides = array<i32>} : memref<200xi32, #tpu.memory_space<vmem>>, vector<16xi32>,
      %swap3A_681 = vector.shape_cast %swap3A_680 : vector<16xi32> to vector<16xi32>
      %swap3A_682 = vector.shape_cast %select_n3A_678 : vector<16xi32> to vector<16xi32>
      tpu.vector_store %arg16[%swap3A_679], %swap3A_682 {strides = array<i32>} : memref<200xi32, #tpu.memory_space<vmem>>, vector<16xi32>,
      %get3A_683 = arith.constant 144 : index
      %get3A_684 = tpu.vector_load %arg8[%get3A_683] {strides = array<i32>} : memref<216xi32, #tpu.memory_space<vmem>>, vector<16xi32>,
      %get3A_685 = vector.shape_cast %get3A_684 : vector<16xi32> to vector<16xi32>
      %eq3A_686 = arith.constant 0 : i32
      %eq3A_687 = vector.broadcast %eq3A_686 : i32 to vector<16xi32>
      %eq3A_688 = arith.cmpi eq, %get3A_685, %eq3A_687 : vector<16xi32>
      %jit3A_689 = arith.constant 1 : i32
      %jit3A_690 = arith.constant 0 : i32
      %broadcast_in_dim3A_691 = vector.broadcast %jit3A_689 : i32 to vector<16xi32>
      %broadcast_in_dim3A_692 = vector.broadcast %jit3A_690 : i32 to vector<16xi32>
      %select_n3A_693 = arith.select %eq3A_688, %broadcast_in_dim3A_691, %broadcast_in_dim3A_692 : vector<16xi1>, vector<16xi32>
      %swap3A_694 = arith.constant 144 : index
      %swap3A_695 = tpu.vector_load %arg16[%swap3A_694] {strides = array<i32>} : memref<200xi32, #tpu.memory_space<vmem>>, vector<16xi32>,
      %swap3A_696 = vector.shape_cast %swap3A_695 : vector<16xi32> to vector<16xi32>
      %swap3A_697 = vector.shape_cast %select_n3A_693 : vector<16xi32> to vector<16xi32>
      tpu.vector_store %arg16[%swap3A_694], %swap3A_697 {strides = array<i32>} : memref<200xi32, #tpu.memory_space<vmem>>, vector<16xi32>,
      %get3A_698 = arith.constant 160 : index
      %get3A_699 = tpu.vector_load %arg8[%get3A_698] {strides = array<i32>} : memref<216xi32, #tpu.memory_space<vmem>>, vector<16xi32>,
      %get3A_700 = vector.shape_cast %get3A_699 : vector<16xi32> to vector<16xi32>
      %eq3A_701 = arith.constant 0 : i32
      %eq3A_702 = vector.broadcast %eq3A_701 : i32 to vector<16xi32>
      %eq3A_703 = arith.cmpi eq, %get3A_700, %eq3A_702 : vector<16xi32>
      %jit3A_704 = arith.constant 1 : i32
      %jit3A_705 = arith.constant 0 : i32
      %broadcast_in_dim3A_706 = vector.broadcast %jit3A_704 : i32 to vector<16xi32>
      %broadcast_in_dim3A_707 = vector.broadcast %jit3A_705 : i32 to vector<16xi32>
      %select_n3A_708 = arith.select %eq3A_703, %broadcast_in_dim3A_706, %broadcast_in_dim3A_707 : vector<16xi1>, vector<16xi32>
      %swap3A_709 = arith.constant 160 : index
      %swap3A_710 = tpu.vector_load %arg16[%swap3A_709] {strides = array<i32>} : memref<200xi32, #tpu.memory_space<vmem>>, vector<16xi32>,
      %swap3A_711 = vector.shape_cast %swap3A_710 : vector<16xi32> to vector<16xi32>
      %swap3A_712 = vector.shape_cast %select_n3A_708 : vector<16xi32> to vector<16xi32>
      tpu.vector_store %arg16[%swap3A_709], %swap3A_712 {strides = array<i32>} : memref<200xi32, #tpu.memory_space<vmem>>, vector<16xi32>,
      %get3A_713 = arith.constant 176 : index
      %get3A_714 = tpu.vector_load %arg8[%get3A_713] {strides = array<i32>} : memref<216xi32, #tpu.memory_space<vmem>>, vector<16xi32>,
      %get3A_715 = vector.shape_cast %get3A_714 : vector<16xi32> to vector<16xi32>
      %eq3A_716 = arith.constant 0 : i32
      %eq3A_717 = vector.broadcast %eq3A_716 : i32 to vector<16xi32>
      %eq3A_718 = arith.cmpi eq, %get3A_715, %eq3A_717 : vector<16xi32>
      %jit3A_719 = arith.constant 1 : i32
      %jit3A_720 = arith.constant 0 : i32
      %broadcast_in_dim3A_721 = vector.broadcast %jit3A_719 : i32 to vector<16xi32>
      %broadcast_in_dim3A_722 = vector.broadcast %jit3A_720 : i32 to vector<16xi32>
      %select_n3A_723 = arith.select %eq3A_718, %broadcast_in_dim3A_721, %broadcast_in_dim3A_722 : vector<16xi1>, vector<16xi32>
      %swap3A_724 = arith.constant 176 : index
      %swap3A_725 = tpu.vector_load %arg16[%swap3A_724] {strides = array<i32>} : memref<200xi32, #tpu.memory_space<vmem>>, vector<16xi32>,
      %swap3A_726 = vector.shape_cast %swap3A_725 : vector<16xi32> to vector<16xi32>
      %swap3A_727 = vector.shape_cast %select_n3A_723 : vector<16xi32> to vector<16xi32>
      tpu.vector_store %arg16[%swap3A_724], %swap3A_727 {strides = array<i32>} : memref<200xi32, #tpu.memory_space<vmem>>, vector<16xi32>,
      %get3A_728 = arith.constant 184 : index
      %get3A_729 = tpu.vector_load %arg8[%get3A_728] {strides = array<i32>} : memref<216xi32, #tpu.memory_space<vmem>>, vector<16xi32>,
      %get3A_730 = vector.shape_cast %get3A_729 : vector<16xi32> to vector<16xi32>
      %eq3A_731 = arith.constant 0 : i32
      %eq3A_732 = vector.broadcast %eq3A_731 : i32 to vector<16xi32>
      %eq3A_733 = arith.cmpi eq, %get3A_730, %eq3A_732 : vector<16xi32>
      %jit3A_734 = arith.constant 1 : i32
      %jit3A_735 = arith.constant 0 : i32
      %broadcast_in_dim3A_736 = vector.broadcast %jit3A_734 : i32 to vector<16xi32>
      %broadcast_in_dim3A_737 = vector.broadcast %jit3A_735 : i32 to vector<16xi32>
      %select_n3A_738 = arith.select %eq3A_733, %broadcast_in_dim3A_736, %broadcast_in_dim3A_737 : vector<16xi1>, vector<16xi32>
      %swap3A_739 = arith.constant 184 : index
      %swap3A_740 = tpu.vector_load %arg16[%swap3A_739] {strides = array<i32>} : memref<200xi32, #tpu.memory_space<vmem>>, vector<16xi32>,
      %swap3A_741 = vector.shape_cast %swap3A_740 : vector<16xi32> to vector<16xi32>
      %swap3A_742 = vector.shape_cast %select_n3A_738 : vector<16xi32> to vector<16xi32>
      tpu.vector_store %arg16[%swap3A_739], %swap3A_742 {strides = array<i32>} : memref<200xi32, #tpu.memory_space<vmem>>, vector<16xi32>,
      %mul3A_743 = arith.constant 200 : i32
      %mul3A_744 = arith.muli %mul3A_261, %mul3A_743 : i32
      %add3A_745 = arith.addi %mul3A_2, %mul3A_744 : i32
      %multiple_of3A_746 = tpu.assume_multiple %add3A_745, 200 : i32
      %dma_start3A_747 = tpu.memref_slice %arg6[%multiple_of3A_746] : memref<819200xi32, #tpu.memory_space<hbm>> -> memref<200xi32, #tpu.memory_space<hbm>>
      %dma_start3A_748 = tpu.memref_slice %arg6[%multiple_of3A_746] : memref<819200xi32, #tpu.memory_space<hbm>> -> memref<200xi32, #tpu.memory_space<hbm>>
      tpu.enqueue_dma source(%arg16 : memref<200xi32, #tpu.memory_space<vmem>>) target(%dma_start3A_748 : memref<200xi32, #tpu.memory_space<hbm>>) target_semaphore(%arg22 : memref<!tpu.dma_semaphore, #tpu.memory_space<semaphore_mem>>)
      %mul3A_749 = arith.constant 200 : i32
      %mul3A_750 = arith.muli %mul3A_261, %mul3A_749 : i32
      %add3A_751 = arith.addi %mul3A_2, %mul3A_750 : i32
      %multiple_of3A_752 = tpu.assume_multiple %add3A_751, 200 : i32
      %dma_start3A_753 = arith.constant 0 : i32
      %dma_start3A_754 = tpu.memref_slice %arg5[%multiple_of3A_752, %dma_start3A_753] : memref<819200x64xf32, #tpu.memory_space<hbm>> -> memref<200x64xf32, #tpu.memory_space<hbm>>
      %dma_start3A_755 = arith.constant 0 : i32
      %dma_start3A_756 = tpu.memref_slice %arg5[%multiple_of3A_752, %dma_start3A_755] : memref<819200x64xf32, #tpu.memory_space<hbm>> -> memref<200x64xf32, #tpu.memory_space<hbm>>
      tpu.enqueue_dma source(%arg14 : memref<200x64xf32, #tpu.memory_space<vmem>>) target(%dma_start3A_756 : memref<200x64xf32, #tpu.memory_space<hbm>>) target_semaphore(%arg20 : memref<!tpu.dma_semaphore, #tpu.memory_space<semaphore_mem>>)
      %mul3A_757 = arith.constant 2 : i32
      %mul3A_758 = arith.muli %mul3A_757, %scan3A_259 : i32
      %add3A_759 = arith.constant 1 : i32
      %add3A_760 = arith.addi %mul3A_758, %add3A_759 : i32
      %lt3A = arith.constant 63 : i32
      %lt3A_761 = arith.cmpi slt, %scan3A_259, %lt3A : i32
      %convert_element_type3A_762 = arith.extui %lt3A_761 : i1 to i32
      %cond3A_763 = arith.constant 0 : i32
      %cond3A_764 = arith.cmpi ne, %convert_element_type3A_762, %cond3A_763 : i32
      scf.if %cond3A_764 {
        %add3A_1032 = arith.constant 1 : i32
        %add3A_1033 = arith.addi %add3A_760, %add3A_1032 : i32
        %mul3A_1034 = arith.constant 200 : i32
        %mul3A_1035 = arith.muli %add3A_1033, %mul3A_1034 : i32
        %add3A_1036 = arith.addi %mul3A_2, %mul3A_1035 : i32
        %multiple_of3A_1037 = tpu.assume_multiple %add3A_1036, 200 : i32
        "tpu.region"() ({
          %run_scoped3A = tpu.sem_alloc : memref<!tpu.dma_semaphore, #tpu.memory_space<semaphore_mem>>
          %dma_start3A_1218 = arith.constant 0 : i32
          %dma_start3A_1219 = tpu.memref_slice %arg8[%dma_start3A_1218] : memref<216xi32, #tpu.memory_space<vmem>> -> memref<200xi32, #tpu.memory_space<vmem>>
          %dma_start3A_1220 = tpu.memref_slice %arg2[%multiple_of3A_1037] : memref<819200xi32, #tpu.memory_space<hbm>> -> memref<200xi32, #tpu.memory_space<hbm>>
          %dma_start3A_1221 = arith.constant 0 : i32
          %dma_start3A_1222 = tpu.memref_slice %arg8[%dma_start3A_1221] : memref<216xi32, #tpu.memory_space<vmem>> -> memref<200xi32, #tpu.memory_space<vmem>>
          %dma_start3A_1223 = tpu.memref_slice %arg2[%multiple_of3A_1037] : memref<819200xi32, #tpu.memory_space<hbm>> -> memref<200xi32, #tpu.memory_space<hbm>>
          tpu.enqueue_dma source(%dma_start3A_1223 : memref<200xi32, #tpu.memory_space<hbm>>) target(%dma_start3A_1222 : memref<200xi32, #tpu.memory_space<vmem>>) target_semaphore(%run_scoped3A : memref<!tpu.dma_semaphore, #tpu.memory_space<semaphore_mem>>)
          %dma_wait3A_1224 = arith.constant 0 : i32
          %dma_wait3A_1225 = tpu.memref_slice %arg8[%dma_wait3A_1224] : memref<216xi32, #tpu.memory_space<vmem>> -> memref<200xi32, #tpu.memory_space<vmem>>
          %dma_wait3A_1226 = tpu.memref_slice %arg2[%multiple_of3A_1037] : memref<819200xi32, #tpu.memory_space<hbm>> -> memref<200xi32, #tpu.memory_space<hbm>>
          %dma_wait3A_1227 = arith.constant 0 : i32
          %dma_wait3A_1228 = tpu.memref_slice %arg8[%dma_wait3A_1227] : memref<216xi32, #tpu.memory_space<vmem>> -> memref<200xi32, #tpu.memory_space<vmem>>
          %dma_wait3A_1229 = tpu.memref_slice %arg2[%multiple_of3A_1037] : memref<819200xi32, #tpu.memory_space<hbm>> -> memref<200xi32, #tpu.memory_space<hbm>>
          tpu.wait_dma2 semaphore(%run_scoped3A : memref<!tpu.dma_semaphore, #tpu.memory_space<semaphore_mem>>) src(%dma_wait3A_1229 : memref<200xi32, #tpu.memory_space<hbm>>) dst(%dma_wait3A_1228 : memref<200xi32, #tpu.memory_space<vmem>>)
          tpu.yield
        }) : () -> ()
        %get3A_1038 = arith.constant 0 : index
        %get3A_1039 = tpu.vector_load %arg8[%get3A_1038] {strides = array<i32>} : memref<216xi32, #tpu.memory_space<vmem>>, vector<16xi32>,
        %get3A_1040 = vector.shape_cast %get3A_1039 : vector<16xi32> to vector<16xi32>
        %shift_right_logical3A_1041 = arith.constant 1 : i32
        %shift_right_logical3A_1042 = vector.broadcast %shift_right_logical3A_1041 : i32 to vector<16xi32>
        %shift_right_logical3A_1043 = arith.shrui %get3A_1040, %shift_right_logical3A_1042 : vector<16xi32>
        %swap3A_1044 = arith.constant 0 : i32
        %swap3A_1045 = arith.index_cast %swap3A_1044 : i32 to index
        %swap3A_1046 = arith.constant 0 : index
        %swap3A_1047 = tpu.vector_load %arg10[%swap3A_1045, %swap3A_1046] {strides = array<i32>} : memref<5x40xi32, #tpu.memory_space<vmem>>, vector<1x16xi32>,
        %swap3A_1048 = vector.shape_cast %swap3A_1047 : vector<1x16xi32> to vector<16xi32>
        %swap3A_1049 = vector.shape_cast %shift_right_logical3A_1043 : vector<16xi32> to vector<1x16xi32>
        tpu.vector_store %arg10[%swap3A_1045, %swap3A_1046], %swap3A_1049 {strides = array<i32>} : memref<5x40xi32, #tpu.memory_space<vmem>>, vector<1x16xi32>,
        %get3A_1050 = arith.constant 16 : index
        %get3A_1051 = tpu.vector_load %arg8[%get3A_1050] {strides = array<i32>} : memref<216xi32, #tpu.memory_space<vmem>>, vector<16xi32>,
        %get3A_1052 = vector.shape_cast %get3A_1051 : vector<16xi32> to vector<16xi32>
        %shift_right_logical3A_1053 = arith.constant 1 : i32
        %shift_right_logical3A_1054 = vector.broadcast %shift_right_logical3A_1053 : i32 to vector<16xi32>
        %shift_right_logical3A_1055 = arith.shrui %get3A_1052, %shift_right_logical3A_1054 : vector<16xi32>
        %swap3A_1056 = arith.constant 0 : i32
        %swap3A_1057 = arith.index_cast %swap3A_1056 : i32 to index
        %swap3A_1058 = arith.constant 16 : index
        %swap3A_1059 = tpu.vector_load %arg10[%swap3A_1057, %swap3A_1058] {strides = array<i32>} : memref<5x40xi32, #tpu.memory_space<vmem>>, vector<1x16xi32>,
        %swap3A_1060 = vector.shape_cast %swap3A_1059 : vector<1x16xi32> to vector<16xi32>
        %swap3A_1061 = vector.shape_cast %shift_right_logical3A_1055 : vector<16xi32> to vector<1x16xi32>
        tpu.vector_store %arg10[%swap3A_1057, %swap3A_1058], %swap3A_1061 {strides = array<i32>} : memref<5x40xi32, #tpu.memory_space<vmem>>, vector<1x16xi32>,
        %get3A_1062 = arith.constant 24 : index
        %get3A_1063 = tpu.vector_load %arg8[%get3A_1062] {strides = array<i32>} : memref<216xi32, #tpu.memory_space<vmem>>, vector<16xi32>,
        %get3A_1064 = vector.shape_cast %get3A_1063 : vector<16xi32> to vector<16xi32>
        %shift_right_logical3A_1065 = arith.constant 1 : i32
        %shift_right_logical3A_1066 = vector.broadcast %shift_right_logical3A_1065 : i32 to vector<16xi32>
        %shift_right_logical3A_1067 = arith.shrui %get3A_1064, %shift_right_logical3A_1066 : vector<16xi32>
        %swap3A_1068 = arith.constant 0 : i32
        %swap3A_1069 = arith.index_cast %swap3A_1068 : i32 to index
        %swap3A_1070 = arith.constant 24 : index
        %swap3A_1071 = tpu.vector_load %arg10[%swap3A_1069, %swap3A_1070] {strides = array<i32>} : memref<5x40xi32, #tpu.memory_space<vmem>>, vector<1x16xi32>,
        %swap3A_1072 = vector.shape_cast %swap3A_1071 : vector<1x16xi32> to vector<16xi32>
        %swap3A_1073 = vector.shape_cast %shift_right_logical3A_1067 : vector<16xi32> to vector<1x16xi32>
        tpu.vector_store %arg10[%swap3A_1069, %swap3A_1070], %swap3A_1073 {strides = array<i32>} : memref<5x40xi32, #tpu.memory_space<vmem>>, vector<1x16xi32>,
        %get3A_1074 = arith.constant 40 : index
        %get3A_1075 = tpu.vector_load %arg8[%get3A_1074] {strides = array<i32>} : memref<216xi32, #tpu.memory_space<vmem>>, vector<16xi32>,
        %get3A_1076 = vector.shape_cast %get3A_1075 : vector<16xi32> to vector<16xi32>
        %shift_right_logical3A_1077 = arith.constant 1 : i32
        %shift_right_logical3A_1078 = vector.broadcast %shift_right_logical3A_1077 : i32 to vector<16xi32>
        %shift_right_logical3A_1079 = arith.shrui %get3A_1076, %shift_right_logical3A_1078 : vector<16xi32>
        %swap3A_1080 = arith.constant 1 : i32
        %swap3A_1081 = arith.index_cast %swap3A_1080 : i32 to index
        %swap3A_1082 = arith.constant 0 : index
        %swap3A_1083 = tpu.vector_load %arg10[%swap3A_1081, %swap3A_1082] {strides = array<i32>} : memref<5x40xi32, #tpu.memory_space<vmem>>, vector<1x16xi32>,
        %swap3A_1084 = vector.shape_cast %swap3A_1083 : vector<1x16xi32> to vector<16xi32>
        %swap3A_1085 = vector.shape_cast %shift_right_logical3A_1079 : vector<16xi32> to vector<1x16xi32>
        tpu.vector_store %arg10[%swap3A_1081, %swap3A_1082], %swap3A_1085 {strides = array<i32>} : memref<5x40xi32, #tpu.memory_space<vmem>>, vector<1x16xi32>,
        %get3A_1086 = arith.constant 56 : index
        %get3A_1087 = tpu.vector_load %arg8[%get3A_1086] {strides = array<i32>} : memref<216xi32, #tpu.memory_space<vmem>>, vector<16xi32>,
        %get3A_1088 = vector.shape_cast %get3A_1087 : vector<16xi32> to vector<16xi32>
        %shift_right_logical3A_1089 = arith.constant 1 : i32
        %shift_right_logical3A_1090 = vector.broadcast %shift_right_logical3A_1089 : i32 to vector<16xi32>
        %shift_right_logical3A_1091 = arith.shrui %get3A_1088, %shift_right_logical3A_1090 : vector<16xi32>
        %swap3A_1092 = arith.constant 1 : i32
        %swap3A_1093 = arith.index_cast %swap3A_1092 : i32 to index
        %swap3A_1094 = arith.constant 16 : index
        %swap3A_1095 = tpu.vector_load %arg10[%swap3A_1093, %swap3A_1094] {strides = array<i32>} : memref<5x40xi32, #tpu.memory_space<vmem>>, vector<1x16xi32>,
        %swap3A_1096 = vector.shape_cast %swap3A_1095 : vector<1x16xi32> to vector<16xi32>
        %swap3A_1097 = vector.shape_cast %shift_right_logical3A_1091 : vector<16xi32> to vector<1x16xi32>
        tpu.vector_store %arg10[%swap3A_1093, %swap3A_1094], %swap3A_1097 {strides = array<i32>} : memref<5x40xi32, #tpu.memory_space<vmem>>, vector<1x16xi32>,
        %get3A_1098 = arith.constant 64 : index
        %get3A_1099 = tpu.vector_load %arg8[%get3A_1098] {strides = array<i32>} : memref<216xi32, #tpu.memory_space<vmem>>, vector<16xi32>,
        %get3A_1100 = vector.shape_cast %get3A_1099 : vector<16xi32> to vector<16xi32>
        %shift_right_logical3A_1101 = arith.constant 1 : i32
        %shift_right_logical3A_1102 = vector.broadcast %shift_right_logical3A_1101 : i32 to vector<16xi32>
        %shift_right_logical3A_1103 = arith.shrui %get3A_1100, %shift_right_logical3A_1102 : vector<16xi32>
        %swap3A_1104 = arith.constant 1 : i32
        %swap3A_1105 = arith.index_cast %swap3A_1104 : i32 to index
        %swap3A_1106 = arith.constant 24 : index
        %swap3A_1107 = tpu.vector_load %arg10[%swap3A_1105, %swap3A_1106] {strides = array<i32>} : memref<5x40xi32, #tpu.memory_space<vmem>>, vector<1x16xi32>,
        %swap3A_1108 = vector.shape_cast %swap3A_1107 : vector<1x16xi32> to vector<16xi32>
        %swap3A_1109 = vector.shape_cast %shift_right_logical3A_1103 : vector<16xi32> to vector<1x16xi32>
        tpu.vector_store %arg10[%swap3A_1105, %swap3A_1106], %swap3A_1109 {strides = array<i32>} : memref<5x40xi32, #tpu.memory_space<vmem>>, vector<1x16xi32>,
        %get3A_1110 = arith.constant 80 : index
        %get3A_1111 = tpu.vector_load %arg8[%get3A_1110] {strides = array<i32>} : memref<216xi32, #tpu.memory_space<vmem>>, vector<16xi32>,
        %get3A_1112 = vector.shape_cast %get3A_1111 : vector<16xi32> to vector<16xi32>
        %shift_right_logical3A_1113 = arith.constant 1 : i32
        %shift_right_logical3A_1114 = vector.broadcast %shift_right_logical3A_1113 : i32 to vector<16xi32>
        %shift_right_logical3A_1115 = arith.shrui %get3A_1112, %shift_right_logical3A_1114 : vector<16xi32>
        %swap3A_1116 = arith.constant 2 : i32
        %swap3A_1117 = arith.index_cast %swap3A_1116 : i32 to index
        %swap3A_1118 = arith.constant 0 : index
        %swap3A_1119 = tpu.vector_load %arg10[%swap3A_1117, %swap3A_1118] {strides = array<i32>} : memref<5x40xi32, #tpu.memory_space<vmem>>, vector<1x16xi32>,
        %swap3A_1120 = vector.shape_cast %swap3A_1119 : vector<1x16xi32> to vector<16xi32>
        %swap3A_1121 = vector.shape_cast %shift_right_logical3A_1115 : vector<16xi32> to vector<1x16xi32>
        tpu.vector_store %arg10[%swap3A_1117, %swap3A_1118], %swap3A_1121 {strides = array<i32>} : memref<5x40xi32, #tpu.memory_space<vmem>>, vector<1x16xi32>,
        %get3A_1122 = arith.constant 96 : index
        %get3A_1123 = tpu.vector_load %arg8[%get3A_1122] {strides = array<i32>} : memref<216xi32, #tpu.memory_space<vmem>>, vector<16xi32>,
        %get3A_1124 = vector.shape_cast %get3A_1123 : vector<16xi32> to vector<16xi32>
        %shift_right_logical3A_1125 = arith.constant 1 : i32
        %shift_right_logical3A_1126 = vector.broadcast %shift_right_logical3A_1125 : i32 to vector<16xi32>
        %shift_right_logical3A_1127 = arith.shrui %get3A_1124, %shift_right_logical3A_1126 : vector<16xi32>
        %swap3A_1128 = arith.constant 2 : i32
        %swap3A_1129 = arith.index_cast %swap3A_1128 : i32 to index
        %swap3A_1130 = arith.constant 16 : index
        %swap3A_1131 = tpu.vector_load %arg10[%swap3A_1129, %swap3A_1130] {strides = array<i32>} : memref<5x40xi32, #tpu.memory_space<vmem>>, vector<1x16xi32>,
        %swap3A_1132 = vector.shape_cast %swap3A_1131 : vector<1x16xi32> to vector<16xi32>
        %swap3A_1133 = vector.shape_cast %shift_right_logical3A_1127 : vector<16xi32> to vector<1x16xi32>
        tpu.vector_store %arg10[%swap3A_1129, %swap3A_1130], %swap3A_1133 {strides = array<i32>} : memref<5x40xi32, #tpu.memory_space<vmem>>, vector<1x16xi32>,
        %get3A_1134 = arith.constant 104 : index
        %get3A_1135 = tpu.vector_load %arg8[%get3A_1134] {strides = array<i32>} : memref<216xi32, #tpu.memory_space<vmem>>, vector<16xi32>,
        %get3A_1136 = vector.shape_cast %get3A_1135 : vector<16xi32> to vector<16xi32>
        %shift_right_logical3A_1137 = arith.constant 1 : i32
        %shift_right_logical3A_1138 = vector.broadcast %shift_right_logical3A_1137 : i32 to vector<16xi32>
        %shift_right_logical3A_1139 = arith.shrui %get3A_1136, %shift_right_logical3A_1138 : vector<16xi32>
        %swap3A_1140 = arith.constant 2 : i32
        %swap3A_1141 = arith.index_cast %swap3A_1140 : i32 to index
        %swap3A_1142 = arith.constant 24 : index
        %swap3A_1143 = tpu.vector_load %arg10[%swap3A_1141, %swap3A_1142] {strides = array<i32>} : memref<5x40xi32, #tpu.memory_space<vmem>>, vector<1x16xi32>,
        %swap3A_1144 = vector.shape_cast %swap3A_1143 : vector<1x16xi32> to vector<16xi32>
        %swap3A_1145 = vector.shape_cast %shift_right_logical3A_1139 : vector<16xi32> to vector<1x16xi32>
        tpu.vector_store %arg10[%swap3A_1141, %swap3A_1142], %swap3A_1145 {strides = array<i32>} : memref<5x40xi32, #tpu.memory_space<vmem>>, vector<1x16xi32>,
        %get3A_1146 = arith.constant 120 : index
        %get3A_1147 = tpu.vector_load %arg8[%get3A_1146] {strides = array<i32>} : memref<216xi32, #tpu.memory_space<vmem>>, vector<16xi32>,
        %get3A_1148 = vector.shape_cast %get3A_1147 : vector<16xi32> to vector<16xi32>
        %shift_right_logical3A_1149 = arith.constant 1 : i32
        %shift_right_logical3A_1150 = vector.broadcast %shift_right_logical3A_1149 : i32 to vector<16xi32>
        %shift_right_logical3A_1151 = arith.shrui %get3A_1148, %shift_right_logical3A_1150 : vector<16xi32>
        %swap3A_1152 = arith.constant 3 : i32
        %swap3A_1153 = arith.index_cast %swap3A_1152 : i32 to index
        %swap3A_1154 = arith.constant 0 : index
        %swap3A_1155 = tpu.vector_load %arg10[%swap3A_1153, %swap3A_1154] {strides = array<i32>} : memref<5x40xi32, #tpu.memory_space<vmem>>, vector<1x16xi32>,
        %swap3A_1156 = vector.shape_cast %swap3A_1155 : vector<1x16xi32> to vector<16xi32>
        %swap3A_1157 = vector.shape_cast %shift_right_logical3A_1151 : vector<16xi32> to vector<1x16xi32>
        tpu.vector_store %arg10[%swap3A_1153, %swap3A_1154], %swap3A_1157 {strides = array<i32>} : memref<5x40xi32, #tpu.memory_space<vmem>>, vector<1x16xi32>,
        %get3A_1158 = arith.constant 136 : index
        %get3A_1159 = tpu.vector_load %arg8[%get3A_1158] {strides = array<i32>} : memref<216xi32, #tpu.memory_space<vmem>>, vector<16xi32>,
        %get3A_1160 = vector.shape_cast %get3A_1159 : vector<16xi32> to vector<16xi32>
        %shift_right_logical3A_1161 = arith.constant 1 : i32
        %shift_right_logical3A_1162 = vector.broadcast %shift_right_logical3A_1161 : i32 to vector<16xi32>
        %shift_right_logical3A_1163 = arith.shrui %get3A_1160, %shift_right_logical3A_1162 : vector<16xi32>
        %swap3A_1164 = arith.constant 3 : i32
        %swap3A_1165 = arith.index_cast %swap3A_1164 : i32 to index
        %swap3A_1166 = arith.constant 16 : index
        %swap3A_1167 = tpu.vector_load %arg10[%swap3A_1165, %swap3A_1166] {strides = array<i32>} : memref<5x40xi32, #tpu.memory_space<vmem>>, vector<1x16xi32>,
        %swap3A_1168 = vector.shape_cast %swap3A_1167 : vector<1x16xi32> to vector<16xi32>
        %swap3A_1169 = vector.shape_cast %shift_right_logical3A_1163 : vector<16xi32> to vector<1x16xi32>
        tpu.vector_store %arg10[%swap3A_1165, %swap3A_1166], %swap3A_1169 {strides = array<i32>} : memref<5x40xi32, #tpu.memory_space<vmem>>, vector<1x16xi32>,
        %get3A_1170 = arith.constant 144 : index
        %get3A_1171 = tpu.vector_load %arg8[%get3A_1170] {strides = array<i32>} : memref<216xi32, #tpu.memory_space<vmem>>, vector<16xi32>,
        %get3A_1172 = vector.shape_cast %get3A_1171 : vector<16xi32> to vector<16xi32>
        %shift_right_logical3A_1173 = arith.constant 1 : i32
        %shift_right_logical3A_1174 = vector.broadcast %shift_right_logical3A_1173 : i32 to vector<16xi32>
        %shift_right_logical3A_1175 = arith.shrui %get3A_1172, %shift_right_logical3A_1174 : vector<16xi32>
        %swap3A_1176 = arith.constant 3 : i32
        %swap3A_1177 = arith.index_cast %swap3A_1176 : i32 to index
        %swap3A_1178 = arith.constant 24 : index
        %swap3A_1179 = tpu.vector_load %arg10[%swap3A_1177, %swap3A_1178] {strides = array<i32>} : memref<5x40xi32, #tpu.memory_space<vmem>>, vector<1x16xi32>,
        %swap3A_1180 = vector.shape_cast %swap3A_1179 : vector<1x16xi32> to vector<16xi32>
        %swap3A_1181 = vector.shape_cast %shift_right_logical3A_1175 : vector<16xi32> to vector<1x16xi32>
        tpu.vector_store %arg10[%swap3A_1177, %swap3A_1178], %swap3A_1181 {strides = array<i32>} : memref<5x40xi32, #tpu.memory_space<vmem>>, vector<1x16xi32>,
        %get3A_1182 = arith.constant 160 : index
        %get3A_1183 = tpu.vector_load %arg8[%get3A_1182] {strides = array<i32>} : memref<216xi32, #tpu.memory_space<vmem>>, vector<16xi32>,
        %get3A_1184 = vector.shape_cast %get3A_1183 : vector<16xi32> to vector<16xi32>
        %shift_right_logical3A_1185 = arith.constant 1 : i32
        %shift_right_logical3A_1186 = vector.broadcast %shift_right_logical3A_1185 : i32 to vector<16xi32>
        %shift_right_logical3A_1187 = arith.shrui %get3A_1184, %shift_right_logical3A_1186 : vector<16xi32>
        %swap3A_1188 = arith.constant 4 : i32
        %swap3A_1189 = arith.index_cast %swap3A_1188 : i32 to index
        %swap3A_1190 = arith.constant 0 : index
        %swap3A_1191 = tpu.vector_load %arg10[%swap3A_1189, %swap3A_1190] {strides = array<i32>} : memref<5x40xi32, #tpu.memory_space<vmem>>, vector<1x16xi32>,
        %swap3A_1192 = vector.shape_cast %swap3A_1191 : vector<1x16xi32> to vector<16xi32>
        %swap3A_1193 = vector.shape_cast %shift_right_logical3A_1187 : vector<16xi32> to vector<1x16xi32>
        tpu.vector_store %arg10[%swap3A_1189, %swap3A_1190], %swap3A_1193 {strides = array<i32>} : memref<5x40xi32, #tpu.memory_space<vmem>>, vector<1x16xi32>,
        %get3A_1194 = arith.constant 176 : index
        %get3A_1195 = tpu.vector_load %arg8[%get3A_1194] {strides = array<i32>} : memref<216xi32, #tpu.memory_space<vmem>>, vector<16xi32>,
        %get3A_1196 = vector.shape_cast %get3A_1195 : vector<16xi32> to vector<16xi32>
        %shift_right_logical3A_1197 = arith.constant 1 : i32
        %shift_right_logical3A_1198 = vector.broadcast %shift_right_logical3A_1197 : i32 to vector<16xi32>
        %shift_right_logical3A_1199 = arith.shrui %get3A_1196, %shift_right_logical3A_1198 : vector<16xi32>
        %swap3A_1200 = arith.constant 4 : i32
        %swap3A_1201 = arith.index_cast %swap3A_1200 : i32 to index
        %swap3A_1202 = arith.constant 16 : index
        %swap3A_1203 = tpu.vector_load %arg10[%swap3A_1201, %swap3A_1202] {strides = array<i32>} : memref<5x40xi32, #tpu.memory_space<vmem>>, vector<1x16xi32>,
        %swap3A_1204 = vector.shape_cast %swap3A_1203 : vector<1x16xi32> to vector<16xi32>
        %swap3A_1205 = vector.shape_cast %shift_right_logical3A_1199 : vector<16xi32> to vector<1x16xi32>
        tpu.vector_store %arg10[%swap3A_1201, %swap3A_1202], %swap3A_1205 {strides = array<i32>} : memref<5x40xi32, #tpu.memory_space<vmem>>, vector<1x16xi32>,
        %get3A_1206 = arith.constant 184 : index
        %get3A_1207 = tpu.vector_load %arg8[%get3A_1206] {strides = array<i32>} : memref<216xi32, #tpu.memory_space<vmem>>, vector<16xi32>,
        %get3A_1208 = vector.shape_cast %get3A_1207 : vector<16xi32> to vector<16xi32>
        %shift_right_logical3A_1209 = arith.constant 1 : i32
        %shift_right_logical3A_1210 = vector.broadcast %shift_right_logical3A_1209 : i32 to vector<16xi32>
        %shift_right_logical3A_1211 = arith.shrui %get3A_1208, %shift_right_logical3A_1210 : vector<16xi32>
        %swap3A_1212 = arith.constant 4 : i32
        %swap3A_1213 = arith.index_cast %swap3A_1212 : i32 to index
        %swap3A_1214 = arith.constant 24 : index
        %swap3A_1215 = tpu.vector_load %arg10[%swap3A_1213, %swap3A_1214] {strides = array<i32>} : memref<5x40xi32, #tpu.memory_space<vmem>>, vector<1x16xi32>,
        %swap3A_1216 = vector.shape_cast %swap3A_1215 : vector<1x16xi32> to vector<16xi32>
        %swap3A_1217 = vector.shape_cast %shift_right_logical3A_1211 : vector<16xi32> to vector<1x16xi32>
        tpu.vector_store %arg10[%swap3A_1213, %swap3A_1214], %swap3A_1217 {strides = array<i32>} : memref<5x40xi32, #tpu.memory_space<vmem>>, vector<1x16xi32>,
      } else {
      }
      %dma_wait3A_765 = arith.constant 0 : i32
      %dma_wait3A_766 = arith.constant 0 : i32
      %dma_wait3A_767 = arith.constant 0 : i32
      %dma_wait3A_768 = tpu.memref_slice %arg13[%dma_wait3A_766, %dma_wait3A_767] : memref<200x128xf32, #tpu.memory_space<vmem>> -> memref<40x128xf32, #tpu.memory_space<vmem>>
      %dma_wait3A_769 = arith.constant 0 : i32
      %dma_wait3A_770 = tpu.memref_slice %arg11[%dma_wait3A_765, %dma_wait3A_769] : memref<5x40xi32, #tpu.memory_space<vmem>> -> memref<1x40xi32, #tpu.memory_space<vmem>>
      %dma_wait3A_771 = tpu.memref_squeeze %dma_wait3A_770 : memref<1x40xi32, #tpu.memory_space<vmem>> -> memref<40xi32, #tpu.memory_space<vmem>>
      %dma_wait3A_772 = arith.constant 0 : i32
      %dma_wait3A_773 = arith.constant 0 : i32
      %dma_wait3A_774 = tpu.memref_slice %arg3[%dma_wait3A_772, %dma_wait3A_773] : memref<500000x128xf32, #tpu.memory_space<hbm>> -> memref<500000x128xf32, #tpu.memory_space<hbm>>
      tpu.wait_indirect_dma semaphore(%arg19 : memref<!tpu.dma_semaphore, #tpu.memory_space<semaphore_mem>>) src(%dma_wait3A_774 : memref<500000x128xf32, #tpu.memory_space<hbm>>) dst(%dma_wait3A_768 : memref<40x128xf32, #tpu.memory_space<vmem>>)
      %dma_wait3A_775 = arith.constant 1 : i32
      %dma_wait3A_776 = arith.constant 40 : i32
      %dma_wait3A_777 = arith.constant 0 : i32
      %dma_wait3A_778 = tpu.memref_slice %arg13[%dma_wait3A_776, %dma_wait3A_777] : memref<200x128xf32, #tpu.memory_space<vmem>> -> memref<40x128xf32, #tpu.memory_space<vmem>>
      %dma_wait3A_779 = arith.constant 0 : i32
      %dma_wait3A_780 = tpu.memref_slice %arg11[%dma_wait3A_775, %dma_wait3A_779] : memref<5x40xi32, #tpu.memory_space<vmem>> -> memref<1x40xi32, #tpu.memory_space<vmem>>
      %dma_wait3A_781 = tpu.memref_squeeze %dma_wait3A_780 : memref<1x40xi32, #tpu.memory_space<vmem>> -> memref<40xi32, #tpu.memory_space<vmem>>
      %dma_wait3A_782 = arith.constant 0 : i32
      %dma_wait3A_783 = arith.constant 0 : i32
      %dma_wait3A_784 = tpu.memref_slice %arg3[%dma_wait3A_782, %dma_wait3A_783] : memref<500000x128xf32, #tpu.memory_space<hbm>> -> memref<500000x128xf32, #tpu.memory_space<hbm>>
      tpu.wait_indirect_dma semaphore(%arg19 : memref<!tpu.dma_semaphore, #tpu.memory_space<semaphore_mem>>) src(%dma_wait3A_784 : memref<500000x128xf32, #tpu.memory_space<hbm>>) dst(%dma_wait3A_778 : memref<40x128xf32, #tpu.memory_space<vmem>>)
      %dma_wait3A_785 = arith.constant 2 : i32
      %dma_wait3A_786 = arith.constant 80 : i32
      %dma_wait3A_787 = arith.constant 0 : i32
      %dma_wait3A_788 = tpu.memref_slice %arg13[%dma_wait3A_786, %dma_wait3A_787] : memref<200x128xf32, #tpu.memory_space<vmem>> -> memref<40x128xf32, #tpu.memory_space<vmem>>
      %dma_wait3A_789 = arith.constant 0 : i32
      %dma_wait3A_790 = tpu.memref_slice %arg11[%dma_wait3A_785, %dma_wait3A_789] : memref<5x40xi32, #tpu.memory_space<vmem>> -> memref<1x40xi32, #tpu.memory_space<vmem>>
      %dma_wait3A_791 = tpu.memref_squeeze %dma_wait3A_790 : memref<1x40xi32, #tpu.memory_space<vmem>> -> memref<40xi32, #tpu.memory_space<vmem>>
      %dma_wait3A_792 = arith.constant 0 : i32
      %dma_wait3A_793 = arith.constant 0 : i32
      %dma_wait3A_794 = tpu.memref_slice %arg3[%dma_wait3A_792, %dma_wait3A_793] : memref<500000x128xf32, #tpu.memory_space<hbm>> -> memref<500000x128xf32, #tpu.memory_space<hbm>>
      tpu.wait_indirect_dma semaphore(%arg19 : memref<!tpu.dma_semaphore, #tpu.memory_space<semaphore_mem>>) src(%dma_wait3A_794 : memref<500000x128xf32, #tpu.memory_space<hbm>>) dst(%dma_wait3A_788 : memref<40x128xf32, #tpu.memory_space<vmem>>)
      %dma_wait3A_795 = arith.constant 3 : i32
      %dma_wait3A_796 = arith.constant 120 : i32
      %dma_wait3A_797 = arith.constant 0 : i32
      %dma_wait3A_798 = tpu.memref_slice %arg13[%dma_wait3A_796, %dma_wait3A_797] : memref<200x128xf32, #tpu.memory_space<vmem>> -> memref<40x128xf32, #tpu.memory_space<vmem>>
      %dma_wait3A_799 = arith.constant 0 : i32
      %dma_wait3A_800 = tpu.memref_slice %arg11[%dma_wait3A_795, %dma_wait3A_799] : memref<5x40xi32, #tpu.memory_space<vmem>> -> memref<1x40xi32, #tpu.memory_space<vmem>>
      %dma_wait3A_801 = tpu.memref_squeeze %dma_wait3A_800 : memref<1x40xi32, #tpu.memory_space<vmem>> -> memref<40xi32, #tpu.memory_space<vmem>>
      %dma_wait3A_802 = arith.constant 0 : i32
      %dma_wait3A_803 = arith.constant 0 : i32
      %dma_wait3A_804 = tpu.memref_slice %arg3[%dma_wait3A_802, %dma_wait3A_803] : memref<500000x128xf32, #tpu.memory_space<hbm>> -> memref<500000x128xf32, #tpu.memory_space<hbm>>
      tpu.wait_indirect_dma semaphore(%arg19 : memref<!tpu.dma_semaphore, #tpu.memory_space<semaphore_mem>>) src(%dma_wait3A_804 : memref<500000x128xf32, #tpu.memory_space<hbm>>) dst(%dma_wait3A_798 : memref<40x128xf32, #tpu.memory_space<vmem>>)
      %dma_wait3A_805 = arith.constant 4 : i32
      %dma_wait3A_806 = arith.constant 160 : i32
      %dma_wait3A_807 = arith.constant 0 : i32
      %dma_wait3A_808 = tpu.memref_slice %arg13[%dma_wait3A_806, %dma_wait3A_807] : memref<200x128xf32, #tpu.memory_space<vmem>> -> memref<40x128xf32, #tpu.memory_space<vmem>>
      %dma_wait3A_809 = arith.constant 0 : i32
      %dma_wait3A_810 = tpu.memref_slice %arg11[%dma_wait3A_805, %dma_wait3A_809] : memref<5x40xi32, #tpu.memory_space<vmem>> -> memref<1x40xi32, #tpu.memory_space<vmem>>
      %dma_wait3A_811 = tpu.memref_squeeze %dma_wait3A_810 : memref<1x40xi32, #tpu.memory_space<vmem>> -> memref<40xi32, #tpu.memory_space<vmem>>
      %dma_wait3A_812 = arith.constant 0 : i32
      %dma_wait3A_813 = arith.constant 0 : i32
      %dma_wait3A_814 = tpu.memref_slice %arg3[%dma_wait3A_812, %dma_wait3A_813] : memref<500000x128xf32, #tpu.memory_space<hbm>> -> memref<500000x128xf32, #tpu.memory_space<hbm>>
      tpu.wait_indirect_dma semaphore(%arg19 : memref<!tpu.dma_semaphore, #tpu.memory_space<semaphore_mem>>) src(%dma_wait3A_814 : memref<500000x128xf32, #tpu.memory_space<hbm>>) dst(%dma_wait3A_808 : memref<40x128xf32, #tpu.memory_space<vmem>>)
      %lt3A_815 = arith.constant 63 : i32
      %lt3A_816 = arith.cmpi slt, %scan3A_259, %lt3A_815 : i32
      %convert_element_type3A_817 = arith.extui %lt3A_816 : i1 to i32
      %cond3A_818 = arith.constant 0 : i32
      %cond3A_819 = arith.cmpi ne, %convert_element_type3A_817, %cond3A_818 : i32
      scf.if %cond3A_819 {
        %ge3A_1032 = arith.constant 1 : i32
        %ge3A_1033 = arith.cmpi sge, %add3A_760, %ge3A_1032 : i32
        %convert_element_type3A_1034 = arith.extui %ge3A_1033 : i1 to i32
        %cond3A_1035 = arith.constant 0 : i32
        %cond3A_1036 = arith.cmpi ne, %convert_element_type3A_1034, %cond3A_1035 : i32
        scf.if %cond3A_1036 {
          %sub3A = arith.constant 1 : i32
          %sub3A_1087 = arith.subi %add3A_760, %sub3A : i32
          %mul3A_1088 = arith.constant 200 : i32
          %mul3A_1089 = arith.muli %sub3A_1087, %mul3A_1088 : i32
          %add3A_1090 = arith.addi %mul3A_2, %mul3A_1089 : i32
          %multiple_of3A_1091 = tpu.assume_multiple %add3A_1090, 200 : i32
          %dma_wait3A_1092 = arith.constant 0 : i32
          %dma_wait3A_1093 = tpu.memref_slice %arg5[%multiple_of3A_1091, %dma_wait3A_1092] : memref<819200x64xf32, #tpu.memory_space<hbm>> -> memref<200x64xf32, #tpu.memory_space<hbm>>
          %dma_wait3A_1094 = arith.constant 0 : i32
          %dma_wait3A_1095 = tpu.memref_slice %arg5[%multiple_of3A_1091, %dma_wait3A_1094] : memref<819200x64xf32, #tpu.memory_space<hbm>> -> memref<200x64xf32, #tpu.memory_space<hbm>>
          tpu.wait_dma2 semaphore(%arg20 : memref<!tpu.dma_semaphore, #tpu.memory_space<semaphore_mem>>) src(%arg14 : memref<200x64xf32, #tpu.memory_space<vmem>>) dst(%dma_wait3A_1095 : memref<200x64xf32, #tpu.memory_space<hbm>>)
          %sub3A_1096 = arith.constant 1 : i32
          %sub3A_1097 = arith.subi %add3A_760, %sub3A_1096 : i32
          %mul3A_1098 = arith.constant 200 : i32
          %mul3A_1099 = arith.muli %sub3A_1097, %mul3A_1098 : i32
          %add3A_1100 = arith.addi %mul3A_2, %mul3A_1099 : i32
          %multiple_of3A_1101 = tpu.assume_multiple %add3A_1100, 200 : i32
          %dma_wait3A_1102 = tpu.memref_slice %arg6[%multiple_of3A_1101] : memref<819200xi32, #tpu.memory_space<hbm>> -> memref<200xi32, #tpu.memory_space<hbm>>
          %dma_wait3A_1103 = tpu.memref_slice %arg6[%multiple_of3A_1101] : memref<819200xi32, #tpu.memory_space<hbm>> -> memref<200xi32, #tpu.memory_space<hbm>>
          tpu.wait_dma2 semaphore(%arg22 : memref<!tpu.dma_semaphore, #tpu.memory_space<semaphore_mem>>) src(%arg16 : memref<200xi32, #tpu.memory_space<vmem>>) dst(%dma_wait3A_1103 : memref<200xi32, #tpu.memory_space<hbm>>)
        } else {
        }
        %dma_start3A_1037 = arith.constant 0 : i32
        %dma_start3A_1038 = arith.constant 0 : i32
        %dma_start3A_1039 = arith.constant 0 : i32
        %dma_start3A_1040 = tpu.memref_slice %arg12[%dma_start3A_1038, %dma_start3A_1039] : memref<200x128xf32, #tpu.memory_space<vmem>> -> memref<40x128xf32, #tpu.memory_space<vmem>>
        %dma_start3A_1041 = arith.constant 0 : i32
        %dma_start3A_1042 = tpu.memref_slice %arg10[%dma_start3A_1037, %dma_start3A_1041] : memref<5x40xi32, #tpu.memory_space<vmem>> -> memref<1x40xi32, #tpu.memory_space<vmem>>
        %dma_start3A_1043 = tpu.memref_squeeze %dma_start3A_1042 : memref<1x40xi32, #tpu.memory_space<vmem>> -> memref<40xi32, #tpu.memory_space<vmem>>
        %dma_start3A_1044 = arith.constant 0 : i32
        %dma_start3A_1045 = arith.constant 0 : i32
        %dma_start3A_1046 = tpu.memref_slice %arg3[%dma_start3A_1044, %dma_start3A_1045] : memref<500000x128xf32, #tpu.memory_space<hbm>> -> memref<500000x128xf32, #tpu.memory_space<hbm>>
        tpu.enqueue_indirect_dma source(%dma_start3A_1046 : memref<500000x128xf32, #tpu.memory_space<hbm>>) target(%dma_start3A_1040 : memref<40x128xf32, #tpu.memory_space<vmem>>) offsets(%dma_start3A_1043 : memref<40xi32, #tpu.memory_space<vmem>>) semaphore(%arg18 : memref<!tpu.dma_semaphore, #tpu.memory_space<semaphore_mem>>)
        %dma_start3A_1047 = arith.constant 1 : i32
        %dma_start3A_1048 = arith.constant 40 : i32
        %dma_start3A_1049 = arith.constant 0 : i32
        %dma_start3A_1050 = tpu.memref_slice %arg12[%dma_start3A_1048, %dma_start3A_1049] : memref<200x128xf32, #tpu.memory_space<vmem>> -> memref<40x128xf32, #tpu.memory_space<vmem>>
        %dma_start3A_1051 = arith.constant 0 : i32
        %dma_start3A_1052 = tpu.memref_slice %arg10[%dma_start3A_1047, %dma_start3A_1051] : memref<5x40xi32, #tpu.memory_space<vmem>> -> memref<1x40xi32, #tpu.memory_space<vmem>>
        %dma_start3A_1053 = tpu.memref_squeeze %dma_start3A_1052 : memref<1x40xi32, #tpu.memory_space<vmem>> -> memref<40xi32, #tpu.memory_space<vmem>>
        %dma_start3A_1054 = arith.constant 0 : i32
        %dma_start3A_1055 = arith.constant 0 : i32
        %dma_start3A_1056 = tpu.memref_slice %arg3[%dma_start3A_1054, %dma_start3A_1055] : memref<500000x128xf32, #tpu.memory_space<hbm>> -> memref<500000x128xf32, #tpu.memory_space<hbm>>
        tpu.enqueue_indirect_dma source(%dma_start3A_1056 : memref<500000x128xf32, #tpu.memory_space<hbm>>) target(%dma_start3A_1050 : memref<40x128xf32, #tpu.memory_space<vmem>>) offsets(%dma_start3A_1053 : memref<40xi32, #tpu.memory_space<vmem>>) semaphore(%arg18 : memref<!tpu.dma_semaphore, #tpu.memory_space<semaphore_mem>>)
        %dma_start3A_1057 = arith.constant 2 : i32
        %dma_start3A_1058 = arith.constant 80 : i32
        %dma_start3A_1059 = arith.constant 0 : i32
        %dma_start3A_1060 = tpu.memref_slice %arg12[%dma_start3A_1058, %dma_start3A_1059] : memref<200x128xf32, #tpu.memory_space<vmem>> -> memref<40x128xf32, #tpu.memory_space<vmem>>
        %dma_start3A_1061 = arith.constant 0 : i32
        %dma_start3A_1062 = tpu.memref_slice %arg10[%dma_start3A_1057, %dma_start3A_1061] : memref<5x40xi32, #tpu.memory_space<vmem>> -> memref<1x40xi32, #tpu.memory_space<vmem>>
        %dma_start3A_1063 = tpu.memref_squeeze %dma_start3A_1062 : memref<1x40xi32, #tpu.memory_space<vmem>> -> memref<40xi32, #tpu.memory_space<vmem>>
        %dma_start3A_1064 = arith.constant 0 : i32
        %dma_start3A_1065 = arith.constant 0 : i32
        %dma_start3A_1066 = tpu.memref_slice %arg3[%dma_start3A_1064, %dma_start3A_1065] : memref<500000x128xf32, #tpu.memory_space<hbm>> -> memref<500000x128xf32, #tpu.memory_space<hbm>>
        tpu.enqueue_indirect_dma source(%dma_start3A_1066 : memref<500000x128xf32, #tpu.memory_space<hbm>>) target(%dma_start3A_1060 : memref<40x128xf32, #tpu.memory_space<vmem>>) offsets(%dma_start3A_1063 : memref<40xi32, #tpu.memory_space<vmem>>) semaphore(%arg18 : memref<!tpu.dma_semaphore, #tpu.memory_space<semaphore_mem>>)
        %dma_start3A_1067 = arith.constant 3 : i32
        %dma_start3A_1068 = arith.constant 120 : i32
        %dma_start3A_1069 = arith.constant 0 : i32
        %dma_start3A_1070 = tpu.memref_slice %arg12[%dma_start3A_1068, %dma_start3A_1069] : memref<200x128xf32, #tpu.memory_space<vmem>> -> memref<40x128xf32, #tpu.memory_space<vmem>>
        %dma_start3A_1071 = arith.constant 0 : i32
        %dma_start3A_1072 = tpu.memref_slice %arg10[%dma_start3A_1067, %dma_start3A_1071] : memref<5x40xi32, #tpu.memory_space<vmem>> -> memref<1x40xi32, #tpu.memory_space<vmem>>
        %dma_start3A_1073 = tpu.memref_squeeze %dma_start3A_1072 : memref<1x40xi32, #tpu.memory_space<vmem>> -> memref<40xi32, #tpu.memory_space<vmem>>
        %dma_start3A_1074 = arith.constant 0 : i32
        %dma_start3A_1075 = arith.constant 0 : i32
        %dma_start3A_1076 = tpu.memref_slice %arg3[%dma_start3A_1074, %dma_start3A_1075] : memref<500000x128xf32, #tpu.memory_space<hbm>> -> memref<500000x128xf32, #tpu.memory_space<hbm>>
        tpu.enqueue_indirect_dma source(%dma_start3A_1076 : memref<500000x128xf32, #tpu.memory_space<hbm>>) target(%dma_start3A_1070 : memref<40x128xf32, #tpu.memory_space<vmem>>) offsets(%dma_start3A_1073 : memref<40xi32, #tpu.memory_space<vmem>>) semaphore(%arg18 : memref<!tpu.dma_semaphore, #tpu.memory_space<semaphore_mem>>)
        %dma_start3A_1077 = arith.constant 4 : i32
        %dma_start3A_1078 = arith.constant 160 : i32
        %dma_start3A_1079 = arith.constant 0 : i32
        %dma_start3A_1080 = tpu.memref_slice %arg12[%dma_start3A_1078, %dma_start3A_1079] : memref<200x128xf32, #tpu.memory_space<vmem>> -> memref<40x128xf32, #tpu.memory_space<vmem>>
        %dma_start3A_1081 = arith.constant 0 : i32
        %dma_start3A_1082 = tpu.memref_slice %arg10[%dma_start3A_1077, %dma_start3A_1081] : memref<5x40xi32, #tpu.memory_space<vmem>> -> memref<1x40xi32, #tpu.memory_space<vmem>>
        %dma_start3A_1083 = tpu.memref_squeeze %dma_start3A_1082 : memref<1x40xi32, #tpu.memory_space<vmem>> -> memref<40xi32, #tpu.memory_space<vmem>>
        %dma_start3A_1084 = arith.constant 0 : i32
        %dma_start3A_1085 = arith.constant 0 : i32
        %dma_start3A_1086 = tpu.memref_slice %arg3[%dma_start3A_1084, %dma_start3A_1085] : memref<500000x128xf32, #tpu.memory_space<hbm>> -> memref<500000x128xf32, #tpu.memory_space<hbm>>
        tpu.enqueue_indirect_dma source(%dma_start3A_1086 : memref<500000x128xf32, #tpu.memory_space<hbm>>) target(%dma_start3A_1080 : memref<40x128xf32, #tpu.memory_space<vmem>>) offsets(%dma_start3A_1083 : memref<40xi32, #tpu.memory_space<vmem>>) semaphore(%arg18 : memref<!tpu.dma_semaphore, #tpu.memory_space<semaphore_mem>>)
      } else {
      }
      %parallel_loop3A_820 = arith.constant 0 : i32
      %parallel_loop3A_821 = arith.constant 200 : i32
      %parallel_loop3A_822 = arith.constant 1 : i32
      scf.for %parallel_loop3A_1032 = %parallel_loop3A_820 to %parallel_loop3A_821 step %parallel_loop3A_822  : i32 {
        %parallel_loop3A_1033 = arith.index_cast %parallel_loop3A_1032 : i32 to index
        %parallel_loop3A_1034 = tpu.vector_load %arg9[%parallel_loop3A_1033] {strides = array<i32>} : memref<216xi32, #tpu.memory_space<vmem>>, vector<16xi32>,
        %parallel_loop3A_1035 = vector.shape_cast %parallel_loop3A_1034 : vector<16xi32> to vector<16xi32>
        %parallel_loop3A_1036 = vector.extract_strided_slice %parallel_loop3A_1035 {offsets = [0], sizes = [1], strides = [1]} : vector<16xi32> to vector<1xi32>
        %parallel_loop3A_1037 = vector.extract %parallel_loop3A_1036[0] : i32 from vector<1xi32>
        %parallel_loop3A_1038 = arith.constant 1 : i32
        %parallel_loop3A_1039 = arith.andi %parallel_loop3A_1037, %parallel_loop3A_1038 : i32
        %parallel_loop3A_1040 = arith.constant 6 : i32
        %parallel_loop3A_1041 = arith.shli %parallel_loop3A_1039, %parallel_loop3A_1040 : i32
        %parallel_loop3A_1042 = arith.constant 1 : i32
        %parallel_loop3A_1043 = arith.shrui %parallel_loop3A_1032, %parallel_loop3A_1042 : i32
        %parallel_loop3A_1044 = arith.constant 1 : i32
        %parallel_loop3A_1045 = arith.andi %parallel_loop3A_1032, %parallel_loop3A_1044 : i32
        %parallel_loop3A_1046 = arith.constant 6 : i32
        %parallel_loop3A_1047 = arith.shli %parallel_loop3A_1045, %parallel_loop3A_1046 : i32
        %parallel_loop3A_1048 = arith.constant 0 : i32
        %parallel_loop3A_1049 = arith.addi %parallel_loop3A_1041, %parallel_loop3A_1048 : i32
        %parallel_loop3A_1050 = arith.index_cast %parallel_loop3A_1032 : i32 to index
        %parallel_loop3A_1051 = arith.index_cast %parallel_loop3A_1049 : i32 to index
        %parallel_loop3A_1052 = tpu.vector_load %arg13[%parallel_loop3A_1050, %parallel_loop3A_1051] {strides = array<i32>} : memref<200x128xf32, #tpu.memory_space<vmem>>, vector<1x16xf32>,
        %parallel_loop3A_1053 = vector.shape_cast %parallel_loop3A_1052 : vector<1x16xf32> to vector<16xf32>
        %parallel_loop3A_1054 = arith.constant 0 : i32
        %parallel_loop3A_1055 = arith.addi %parallel_loop3A_1047, %parallel_loop3A_1054 : i32
        %parallel_loop3A_1056 = arith.index_cast %parallel_loop3A_1043 : i32 to index
        %parallel_loop3A_1057 = arith.index_cast %parallel_loop3A_1055 : i32 to index
        %parallel_loop3A_1058 = tpu.vector_load %arg7[%parallel_loop3A_1056, %parallel_loop3A_1057] {strides = array<i32>} : memref<100x128xf32, #tpu.memory_space<vmem>>, vector<1x16xf32>,
        %parallel_loop3A_1059 = vector.shape_cast %parallel_loop3A_1058 : vector<1x16xf32> to vector<16xf32>
        %parallel_loop3A_1060 = arith.addf %parallel_loop3A_1053, %parallel_loop3A_1059 : vector<16xf32>
        %parallel_loop3A_1061 = arith.index_cast %parallel_loop3A_1032 : i32 to index
        %parallel_loop3A_1062 = arith.constant 0 : index
        %parallel_loop3A_1063 = tpu.vector_load %arg15[%parallel_loop3A_1061, %parallel_loop3A_1062] {strides = array<i32>} : memref<200x64xf32, #tpu.memory_space<vmem>>, vector<1x16xf32>,
        %parallel_loop3A_1064 = vector.shape_cast %parallel_loop3A_1063 : vector<1x16xf32> to vector<16xf32>
        %parallel_loop3A_1065 = vector.shape_cast %parallel_loop3A_1060 : vector<16xf32> to vector<1x16xf32>
        tpu.vector_store %arg15[%parallel_loop3A_1061, %parallel_loop3A_1062], %parallel_loop3A_1065 {strides = array<i32>} : memref<200x64xf32, #tpu.memory_space<vmem>>, vector<1x16xf32>,
        %parallel_loop3A_1066 = arith.constant 16 : i32
        %parallel_loop3A_1067 = arith.addi %parallel_loop3A_1041, %parallel_loop3A_1066 : i32
        %parallel_loop3A_1068 = arith.index_cast %parallel_loop3A_1032 : i32 to index
        %parallel_loop3A_1069 = arith.index_cast %parallel_loop3A_1067 : i32 to index
        %parallel_loop3A_1070 = tpu.vector_load %arg13[%parallel_loop3A_1068, %parallel_loop3A_1069] {strides = array<i32>} : memref<200x128xf32, #tpu.memory_space<vmem>>, vector<1x16xf32>,
        %parallel_loop3A_1071 = vector.shape_cast %parallel_loop3A_1070 : vector<1x16xf32> to vector<16xf32>
        %parallel_loop3A_1072 = arith.constant 16 : i32
        %parallel_loop3A_1073 = arith.addi %parallel_loop3A_1047, %parallel_loop3A_1072 : i32
        %parallel_loop3A_1074 = arith.index_cast %parallel_loop3A_1043 : i32 to index
        %parallel_loop3A_1075 = arith.index_cast %parallel_loop3A_1073 : i32 to index
        %parallel_loop3A_1076 = tpu.vector_load %arg7[%parallel_loop3A_1074, %parallel_loop3A_1075] {strides = array<i32>} : memref<100x128xf32, #tpu.memory_space<vmem>>, vector<1x16xf32>,
        %parallel_loop3A_1077 = vector.shape_cast %parallel_loop3A_1076 : vector<1x16xf32> to vector<16xf32>
        %parallel_loop3A_1078 = arith.addf %parallel_loop3A_1071, %parallel_loop3A_1077 : vector<16xf32>
        %parallel_loop3A_1079 = arith.index_cast %parallel_loop3A_1032 : i32 to index
        %parallel_loop3A_1080 = arith.constant 16 : index
        %parallel_loop3A_1081 = tpu.vector_load %arg15[%parallel_loop3A_1079, %parallel_loop3A_1080] {strides = array<i32>} : memref<200x64xf32, #tpu.memory_space<vmem>>, vector<1x16xf32>,
        %parallel_loop3A_1082 = vector.shape_cast %parallel_loop3A_1081 : vector<1x16xf32> to vector<16xf32>
        %parallel_loop3A_1083 = vector.shape_cast %parallel_loop3A_1078 : vector<16xf32> to vector<1x16xf32>
        tpu.vector_store %arg15[%parallel_loop3A_1079, %parallel_loop3A_1080], %parallel_loop3A_1083 {strides = array<i32>} : memref<200x64xf32, #tpu.memory_space<vmem>>, vector<1x16xf32>,
        %parallel_loop3A_1084 = arith.constant 32 : i32
        %parallel_loop3A_1085 = arith.addi %parallel_loop3A_1041, %parallel_loop3A_1084 : i32
        %parallel_loop3A_1086 = arith.index_cast %parallel_loop3A_1032 : i32 to index
        %parallel_loop3A_1087 = arith.index_cast %parallel_loop3A_1085 : i32 to index
        %parallel_loop3A_1088 = tpu.vector_load %arg13[%parallel_loop3A_1086, %parallel_loop3A_1087] {strides = array<i32>} : memref<200x128xf32, #tpu.memory_space<vmem>>, vector<1x16xf32>,
        %parallel_loop3A_1089 = vector.shape_cast %parallel_loop3A_1088 : vector<1x16xf32> to vector<16xf32>
        %parallel_loop3A_1090 = arith.constant 32 : i32
        %parallel_loop3A_1091 = arith.addi %parallel_loop3A_1047, %parallel_loop3A_1090 : i32
        %parallel_loop3A_1092 = arith.index_cast %parallel_loop3A_1043 : i32 to index
        %parallel_loop3A_1093 = arith.index_cast %parallel_loop3A_1091 : i32 to index
        %parallel_loop3A_1094 = tpu.vector_load %arg7[%parallel_loop3A_1092, %parallel_loop3A_1093] {strides = array<i32>} : memref<100x128xf32, #tpu.memory_space<vmem>>, vector<1x16xf32>,
        %parallel_loop3A_1095 = vector.shape_cast %parallel_loop3A_1094 : vector<1x16xf32> to vector<16xf32>
        %parallel_loop3A_1096 = arith.addf %parallel_loop3A_1089, %parallel_loop3A_1095 : vector<16xf32>
        %parallel_loop3A_1097 = arith.index_cast %parallel_loop3A_1032 : i32 to index
        %parallel_loop3A_1098 = arith.constant 32 : index
        %parallel_loop3A_1099 = tpu.vector_load %arg15[%parallel_loop3A_1097, %parallel_loop3A_1098] {strides = array<i32>} : memref<200x64xf32, #tpu.memory_space<vmem>>, vector<1x16xf32>,
        %parallel_loop3A_1100 = vector.shape_cast %parallel_loop3A_1099 : vector<1x16xf32> to vector<16xf32>
        %parallel_loop3A_1101 = vector.shape_cast %parallel_loop3A_1096 : vector<16xf32> to vector<1x16xf32>
        tpu.vector_store %arg15[%parallel_loop3A_1097, %parallel_loop3A_1098], %parallel_loop3A_1101 {strides = array<i32>} : memref<200x64xf32, #tpu.memory_space<vmem>>, vector<1x16xf32>,
        %parallel_loop3A_1102 = arith.constant 48 : i32
        %parallel_loop3A_1103 = arith.addi %parallel_loop3A_1041, %parallel_loop3A_1102 : i32
        %parallel_loop3A_1104 = arith.index_cast %parallel_loop3A_1032 : i32 to index
        %parallel_loop3A_1105 = arith.index_cast %parallel_loop3A_1103 : i32 to index
        %parallel_loop3A_1106 = tpu.vector_load %arg13[%parallel_loop3A_1104, %parallel_loop3A_1105] {strides = array<i32>} : memref<200x128xf32, #tpu.memory_space<vmem>>, vector<1x16xf32>,
        %parallel_loop3A_1107 = vector.shape_cast %parallel_loop3A_1106 : vector<1x16xf32> to vector<16xf32>
        %parallel_loop3A_1108 = arith.constant 48 : i32
        %parallel_loop3A_1109 = arith.addi %parallel_loop3A_1047, %parallel_loop3A_1108 : i32
        %parallel_loop3A_1110 = arith.index_cast %parallel_loop3A_1043 : i32 to index
        %parallel_loop3A_1111 = arith.index_cast %parallel_loop3A_1109 : i32 to index
        %parallel_loop3A_1112 = tpu.vector_load %arg7[%parallel_loop3A_1110, %parallel_loop3A_1111] {strides = array<i32>} : memref<100x128xf32, #tpu.memory_space<vmem>>, vector<1x16xf32>,
        %parallel_loop3A_1113 = vector.shape_cast %parallel_loop3A_1112 : vector<1x16xf32> to vector<16xf32>
        %parallel_loop3A_1114 = arith.addf %parallel_loop3A_1107, %parallel_loop3A_1113 : vector<16xf32>
        %parallel_loop3A_1115 = arith.index_cast %parallel_loop3A_1032 : i32 to index
        %parallel_loop3A_1116 = arith.constant 48 : index
        %parallel_loop3A_1117 = tpu.vector_load %arg15[%parallel_loop3A_1115, %parallel_loop3A_1116] {strides = array<i32>} : memref<200x64xf32, #tpu.memory_space<vmem>>, vector<1x16xf32>,
        %parallel_loop3A_1118 = vector.shape_cast %parallel_loop3A_1117 : vector<1x16xf32> to vector<16xf32>
        %parallel_loop3A_1119 = vector.shape_cast %parallel_loop3A_1114 : vector<16xf32> to vector<1x16xf32>
        tpu.vector_store %arg15[%parallel_loop3A_1115, %parallel_loop3A_1116], %parallel_loop3A_1119 {strides = array<i32>} : memref<200x64xf32, #tpu.memory_space<vmem>>, vector<1x16xf32>,
      } {sc.loop_unroll_factor = 4 : i64, sc.parallel_access}
      %get3A_823 = arith.constant 0 : index
      %get3A_824 = tpu.vector_load %arg9[%get3A_823] {strides = array<i32>} : memref<216xi32, #tpu.memory_space<vmem>>, vector<16xi32>,
      %get3A_825 = vector.shape_cast %get3A_824 : vector<16xi32> to vector<16xi32>
      %eq3A_826 = arith.constant 0 : i32
      %eq3A_827 = vector.broadcast %eq3A_826 : i32 to vector<16xi32>
      %eq3A_828 = arith.cmpi eq, %get3A_825, %eq3A_827 : vector<16xi32>
      %jit3A_829 = arith.constant 1 : i32
      %jit3A_830 = arith.constant 0 : i32
      %broadcast_in_dim3A_831 = vector.broadcast %jit3A_829 : i32 to vector<16xi32>
      %broadcast_in_dim3A_832 = vector.broadcast %jit3A_830 : i32 to vector<16xi32>
      %select_n3A_833 = arith.select %eq3A_828, %broadcast_in_dim3A_831, %broadcast_in_dim3A_832 : vector<16xi1>, vector<16xi32>
      %swap3A_834 = arith.constant 0 : index
      %swap3A_835 = tpu.vector_load %arg17[%swap3A_834] {strides = array<i32>} : memref<200xi32, #tpu.memory_space<vmem>>, vector<16xi32>,
      %swap3A_836 = vector.shape_cast %swap3A_835 : vector<16xi32> to vector<16xi32>
      %swap3A_837 = vector.shape_cast %select_n3A_833 : vector<16xi32> to vector<16xi32>
      tpu.vector_store %arg17[%swap3A_834], %swap3A_837 {strides = array<i32>} : memref<200xi32, #tpu.memory_space<vmem>>, vector<16xi32>,
      %get3A_838 = arith.constant 16 : index
      %get3A_839 = tpu.vector_load %arg9[%get3A_838] {strides = array<i32>} : memref<216xi32, #tpu.memory_space<vmem>>, vector<16xi32>,
      %get3A_840 = vector.shape_cast %get3A_839 : vector<16xi32> to vector<16xi32>
      %eq3A_841 = arith.constant 0 : i32
      %eq3A_842 = vector.broadcast %eq3A_841 : i32 to vector<16xi32>
      %eq3A_843 = arith.cmpi eq, %get3A_840, %eq3A_842 : vector<16xi32>
      %jit3A_844 = arith.constant 1 : i32
      %jit3A_845 = arith.constant 0 : i32
      %broadcast_in_dim3A_846 = vector.broadcast %jit3A_844 : i32 to vector<16xi32>
      %broadcast_in_dim3A_847 = vector.broadcast %jit3A_845 : i32 to vector<16xi32>
      %select_n3A_848 = arith.select %eq3A_843, %broadcast_in_dim3A_846, %broadcast_in_dim3A_847 : vector<16xi1>, vector<16xi32>
      %swap3A_849 = arith.constant 16 : index
      %swap3A_850 = tpu.vector_load %arg17[%swap3A_849] {strides = array<i32>} : memref<200xi32, #tpu.memory_space<vmem>>, vector<16xi32>,
      %swap3A_851 = vector.shape_cast %swap3A_850 : vector<16xi32> to vector<16xi32>
      %swap3A_852 = vector.shape_cast %select_n3A_848 : vector<16xi32> to vector<16xi32>
      tpu.vector_store %arg17[%swap3A_849], %swap3A_852 {strides = array<i32>} : memref<200xi32, #tpu.memory_space<vmem>>, vector<16xi32>,
      %get3A_853 = arith.constant 32 : index
      %get3A_854 = tpu.vector_load %arg9[%get3A_853] {strides = array<i32>} : memref<216xi32, #tpu.memory_space<vmem>>, vector<16xi32>,
      %get3A_855 = vector.shape_cast %get3A_854 : vector<16xi32> to vector<16xi32>
      %eq3A_856 = arith.constant 0 : i32
      %eq3A_857 = vector.broadcast %eq3A_856 : i32 to vector<16xi32>
      %eq3A_858 = arith.cmpi eq, %get3A_855, %eq3A_857 : vector<16xi32>
      %jit3A_859 = arith.constant 1 : i32
      %jit3A_860 = arith.constant 0 : i32
      %broadcast_in_dim3A_861 = vector.broadcast %jit3A_859 : i32 to vector<16xi32>
      %broadcast_in_dim3A_862 = vector.broadcast %jit3A_860 : i32 to vector<16xi32>
      %select_n3A_863 = arith.select %eq3A_858, %broadcast_in_dim3A_861, %broadcast_in_dim3A_862 : vector<16xi1>, vector<16xi32>
      %swap3A_864 = arith.constant 32 : index
      %swap3A_865 = tpu.vector_load %arg17[%swap3A_864] {strides = array<i32>} : memref<200xi32, #tpu.memory_space<vmem>>, vector<16xi32>,
      %swap3A_866 = vector.shape_cast %swap3A_865 : vector<16xi32> to vector<16xi32>
      %swap3A_867 = vector.shape_cast %select_n3A_863 : vector<16xi32> to vector<16xi32>
      tpu.vector_store %arg17[%swap3A_864], %swap3A_867 {strides = array<i32>} : memref<200xi32, #tpu.memory_space<vmem>>, vector<16xi32>,
      %get3A_868 = arith.constant 48 : index
      %get3A_869 = tpu.vector_load %arg9[%get3A_868] {strides = array<i32>} : memref<216xi32, #tpu.memory_space<vmem>>, vector<16xi32>,
      %get3A_870 = vector.shape_cast %get3A_869 : vector<16xi32> to vector<16xi32>
      %eq3A_871 = arith.constant 0 : i32
      %eq3A_872 = vector.broadcast %eq3A_871 : i32 to vector<16xi32>
      %eq3A_873 = arith.cmpi eq, %get3A_870, %eq3A_872 : vector<16xi32>
      %jit3A_874 = arith.constant 1 : i32
      %jit3A_875 = arith.constant 0 : i32
      %broadcast_in_dim3A_876 = vector.broadcast %jit3A_874 : i32 to vector<16xi32>
      %broadcast_in_dim3A_877 = vector.broadcast %jit3A_875 : i32 to vector<16xi32>
      %select_n3A_878 = arith.select %eq3A_873, %broadcast_in_dim3A_876, %broadcast_in_dim3A_877 : vector<16xi1>, vector<16xi32>
      %swap3A_879 = arith.constant 48 : index
      %swap3A_880 = tpu.vector_load %arg17[%swap3A_879] {strides = array<i32>} : memref<200xi32, #tpu.memory_space<vmem>>, vector<16xi32>,
      %swap3A_881 = vector.shape_cast %swap3A_880 : vector<16xi32> to vector<16xi32>
      %swap3A_882 = vector.shape_cast %select_n3A_878 : vector<16xi32> to vector<16xi32>
      tpu.vector_store %arg17[%swap3A_879], %swap3A_882 {strides = array<i32>} : memref<200xi32, #tpu.memory_space<vmem>>, vector<16xi32>,
      %get3A_883 = arith.constant 64 : index
      %get3A_884 = tpu.vector_load %arg9[%get3A_883] {strides = array<i32>} : memref<216xi32, #tpu.memory_space<vmem>>, vector<16xi32>,
      %get3A_885 = vector.shape_cast %get3A_884 : vector<16xi32> to vector<16xi32>
      %eq3A_886 = arith.constant 0 : i32
      %eq3A_887 = vector.broadcast %eq3A_886 : i32 to vector<16xi32>
      %eq3A_888 = arith.cmpi eq, %get3A_885, %eq3A_887 : vector<16xi32>
      %jit3A_889 = arith.constant 1 : i32
      %jit3A_890 = arith.constant 0 : i32
      %broadcast_in_dim3A_891 = vector.broadcast %jit3A_889 : i32 to vector<16xi32>
      %broadcast_in_dim3A_892 = vector.broadcast %jit3A_890 : i32 to vector<16xi32>
      %select_n3A_893 = arith.select %eq3A_888, %broadcast_in_dim3A_891, %broadcast_in_dim3A_892 : vector<16xi1>, vector<16xi32>
      %swap3A_894 = arith.constant 64 : index
      %swap3A_895 = tpu.vector_load %arg17[%swap3A_894] {strides = array<i32>} : memref<200xi32, #tpu.memory_space<vmem>>, vector<16xi32>,
      %swap3A_896 = vector.shape_cast %swap3A_895 : vector<16xi32> to vector<16xi32>
      %swap3A_897 = vector.shape_cast %select_n3A_893 : vector<16xi32> to vector<16xi32>
      tpu.vector_store %arg17[%swap3A_894], %swap3A_897 {strides = array<i32>} : memref<200xi32, #tpu.memory_space<vmem>>, vector<16xi32>,
      %get3A_898 = arith.constant 80 : index
      %get3A_899 = tpu.vector_load %arg9[%get3A_898] {strides = array<i32>} : memref<216xi32, #tpu.memory_space<vmem>>, vector<16xi32>,
      %get3A_900 = vector.shape_cast %get3A_899 : vector<16xi32> to vector<16xi32>
      %eq3A_901 = arith.constant 0 : i32
      %eq3A_902 = vector.broadcast %eq3A_901 : i32 to vector<16xi32>
      %eq3A_903 = arith.cmpi eq, %get3A_900, %eq3A_902 : vector<16xi32>
      %jit3A_904 = arith.constant 1 : i32
      %jit3A_905 = arith.constant 0 : i32
      %broadcast_in_dim3A_906 = vector.broadcast %jit3A_904 : i32 to vector<16xi32>
      %broadcast_in_dim3A_907 = vector.broadcast %jit3A_905 : i32 to vector<16xi32>
      %select_n3A_908 = arith.select %eq3A_903, %broadcast_in_dim3A_906, %broadcast_in_dim3A_907 : vector<16xi1>, vector<16xi32>
      %swap3A_909 = arith.constant 80 : index
      %swap3A_910 = tpu.vector_load %arg17[%swap3A_909] {strides = array<i32>} : memref<200xi32, #tpu.memory_space<vmem>>, vector<16xi32>,
      %swap3A_911 = vector.shape_cast %swap3A_910 : vector<16xi32> to vector<16xi32>
      %swap3A_912 = vector.shape_cast %select_n3A_908 : vector<16xi32> to vector<16xi32>
      tpu.vector_store %arg17[%swap3A_909], %swap3A_912 {strides = array<i32>} : memref<200xi32, #tpu.memory_space<vmem>>, vector<16xi32>,
      %get3A_913 = arith.constant 96 : index
      %get3A_914 = tpu.vector_load %arg9[%get3A_913] {strides = array<i32>} : memref<216xi32, #tpu.memory_space<vmem>>, vector<16xi32>,
      %get3A_915 = vector.shape_cast %get3A_914 : vector<16xi32> to vector<16xi32>
      %eq3A_916 = arith.constant 0 : i32
      %eq3A_917 = vector.broadcast %eq3A_916 : i32 to vector<16xi32>
      %eq3A_918 = arith.cmpi eq, %get3A_915, %eq3A_917 : vector<16xi32>
      %jit3A_919 = arith.constant 1 : i32
      %jit3A_920 = arith.constant 0 : i32
      %broadcast_in_dim3A_921 = vector.broadcast %jit3A_919 : i32 to vector<16xi32>
      %broadcast_in_dim3A_922 = vector.broadcast %jit3A_920 : i32 to vector<16xi32>
      %select_n3A_923 = arith.select %eq3A_918, %broadcast_in_dim3A_921, %broadcast_in_dim3A_922 : vector<16xi1>, vector<16xi32>
      %swap3A_924 = arith.constant 96 : index
      %swap3A_925 = tpu.vector_load %arg17[%swap3A_924] {strides = array<i32>} : memref<200xi32, #tpu.memory_space<vmem>>, vector<16xi32>,
      %swap3A_926 = vector.shape_cast %swap3A_925 : vector<16xi32> to vector<16xi32>
      %swap3A_927 = vector.shape_cast %select_n3A_923 : vector<16xi32> to vector<16xi32>
      tpu.vector_store %arg17[%swap3A_924], %swap3A_927 {strides = array<i32>} : memref<200xi32, #tpu.memory_space<vmem>>, vector<16xi32>,
      %get3A_928 = arith.constant 112 : index
      %get3A_929 = tpu.vector_load %arg9[%get3A_928] {strides = array<i32>} : memref<216xi32, #tpu.memory_space<vmem>>, vector<16xi32>,
      %get3A_930 = vector.shape_cast %get3A_929 : vector<16xi32> to vector<16xi32>
      %eq3A_931 = arith.constant 0 : i32
      %eq3A_932 = vector.broadcast %eq3A_931 : i32 to vector<16xi32>
      %eq3A_933 = arith.cmpi eq, %get3A_930, %eq3A_932 : vector<16xi32>
      %jit3A_934 = arith.constant 1 : i32
      %jit3A_935 = arith.constant 0 : i32
      %broadcast_in_dim3A_936 = vector.broadcast %jit3A_934 : i32 to vector<16xi32>
      %broadcast_in_dim3A_937 = vector.broadcast %jit3A_935 : i32 to vector<16xi32>
      %select_n3A_938 = arith.select %eq3A_933, %broadcast_in_dim3A_936, %broadcast_in_dim3A_937 : vector<16xi1>, vector<16xi32>
      %swap3A_939 = arith.constant 112 : index
      %swap3A_940 = tpu.vector_load %arg17[%swap3A_939] {strides = array<i32>} : memref<200xi32, #tpu.memory_space<vmem>>, vector<16xi32>,
      %swap3A_941 = vector.shape_cast %swap3A_940 : vector<16xi32> to vector<16xi32>
      %swap3A_942 = vector.shape_cast %select_n3A_938 : vector<16xi32> to vector<16xi32>
      tpu.vector_store %arg17[%swap3A_939], %swap3A_942 {strides = array<i32>} : memref<200xi32, #tpu.memory_space<vmem>>, vector<16xi32>,
      %get3A_943 = arith.constant 128 : index
      %get3A_944 = tpu.vector_load %arg9[%get3A_943] {strides = array<i32>} : memref<216xi32, #tpu.memory_space<vmem>>, vector<16xi32>,
      %get3A_945 = vector.shape_cast %get3A_944 : vector<16xi32> to vector<16xi32>
      %eq3A_946 = arith.constant 0 : i32
      %eq3A_947 = vector.broadcast %eq3A_946 : i32 to vector<16xi32>
      %eq3A_948 = arith.cmpi eq, %get3A_945, %eq3A_947 : vector<16xi32>
      %jit3A_949 = arith.constant 1 : i32
      %jit3A_950 = arith.constant 0 : i32
      %broadcast_in_dim3A_951 = vector.broadcast %jit3A_949 : i32 to vector<16xi32>
      %broadcast_in_dim3A_952 = vector.broadcast %jit3A_950 : i32 to vector<16xi32>
      %select_n3A_953 = arith.select %eq3A_948, %broadcast_in_dim3A_951, %broadcast_in_dim3A_952 : vector<16xi1>, vector<16xi32>
      %swap3A_954 = arith.constant 128 : index
      %swap3A_955 = tpu.vector_load %arg17[%swap3A_954] {strides = array<i32>} : memref<200xi32, #tpu.memory_space<vmem>>, vector<16xi32>,
      %swap3A_956 = vector.shape_cast %swap3A_955 : vector<16xi32> to vector<16xi32>
      %swap3A_957 = vector.shape_cast %select_n3A_953 : vector<16xi32> to vector<16xi32>
      tpu.vector_store %arg17[%swap3A_954], %swap3A_957 {strides = array<i32>} : memref<200xi32, #tpu.memory_space<vmem>>, vector<16xi32>,
      %get3A_958 = arith.constant 144 : index
      %get3A_959 = tpu.vector_load %arg9[%get3A_958] {strides = array<i32>} : memref<216xi32, #tpu.memory_space<vmem>>, vector<16xi32>,
      %get3A_960 = vector.shape_cast %get3A_959 : vector<16xi32> to vector<16xi32>
      %eq3A_961 = arith.constant 0 : i32
      %eq3A_962 = vector.broadcast %eq3A_961 : i32 to vector<16xi32>
      %eq3A_963 = arith.cmpi eq, %get3A_960, %eq3A_962 : vector<16xi32>
      %jit3A_964 = arith.constant 1 : i32
      %jit3A_965 = arith.constant 0 : i32
      %broadcast_in_dim3A_966 = vector.broadcast %jit3A_964 : i32 to vector<16xi32>
      %broadcast_in_dim3A_967 = vector.broadcast %jit3A_965 : i32 to vector<16xi32>
      %select_n3A_968 = arith.select %eq3A_963, %broadcast_in_dim3A_966, %broadcast_in_dim3A_967 : vector<16xi1>, vector<16xi32>
      %swap3A_969 = arith.constant 144 : index
      %swap3A_970 = tpu.vector_load %arg17[%swap3A_969] {strides = array<i32>} : memref<200xi32, #tpu.memory_space<vmem>>, vector<16xi32>,
      %swap3A_971 = vector.shape_cast %swap3A_970 : vector<16xi32> to vector<16xi32>
      %swap3A_972 = vector.shape_cast %select_n3A_968 : vector<16xi32> to vector<16xi32>
      tpu.vector_store %arg17[%swap3A_969], %swap3A_972 {strides = array<i32>} : memref<200xi32, #tpu.memory_space<vmem>>, vector<16xi32>,
      %get3A_973 = arith.constant 160 : index
      %get3A_974 = tpu.vector_load %arg9[%get3A_973] {strides = array<i32>} : memref<216xi32, #tpu.memory_space<vmem>>, vector<16xi32>,
      %get3A_975 = vector.shape_cast %get3A_974 : vector<16xi32> to vector<16xi32>
      %eq3A_976 = arith.constant 0 : i32
      %eq3A_977 = vector.broadcast %eq3A_976 : i32 to vector<16xi32>
      %eq3A_978 = arith.cmpi eq, %get3A_975, %eq3A_977 : vector<16xi32>
      %jit3A_979 = arith.constant 1 : i32
      %jit3A_980 = arith.constant 0 : i32
      %broadcast_in_dim3A_981 = vector.broadcast %jit3A_979 : i32 to vector<16xi32>
      %broadcast_in_dim3A_982 = vector.broadcast %jit3A_980 : i32 to vector<16xi32>
      %select_n3A_983 = arith.select %eq3A_978, %broadcast_in_dim3A_981, %broadcast_in_dim3A_982 : vector<16xi1>, vector<16xi32>
      %swap3A_984 = arith.constant 160 : index
      %swap3A_985 = tpu.vector_load %arg17[%swap3A_984] {strides = array<i32>} : memref<200xi32, #tpu.memory_space<vmem>>, vector<16xi32>,
      %swap3A_986 = vector.shape_cast %swap3A_985 : vector<16xi32> to vector<16xi32>
      %swap3A_987 = vector.shape_cast %select_n3A_983 : vector<16xi32> to vector<16xi32>
      tpu.vector_store %arg17[%swap3A_984], %swap3A_987 {strides = array<i32>} : memref<200xi32, #tpu.memory_space<vmem>>, vector<16xi32>,
      %get3A_988 = arith.constant 176 : index
      %get3A_989 = tpu.vector_load %arg9[%get3A_988] {strides = array<i32>} : memref<216xi32, #tpu.memory_space<vmem>>, vector<16xi32>,
      %get3A_990 = vector.shape_cast %get3A_989 : vector<16xi32> to vector<16xi32>
      %eq3A_991 = arith.constant 0 : i32
      %eq3A_992 = vector.broadcast %eq3A_991 : i32 to vector<16xi32>
      %eq3A_993 = arith.cmpi eq, %get3A_990, %eq3A_992 : vector<16xi32>
      %jit3A_994 = arith.constant 1 : i32
      %jit3A_995 = arith.constant 0 : i32
      %broadcast_in_dim3A_996 = vector.broadcast %jit3A_994 : i32 to vector<16xi32>
      %broadcast_in_dim3A_997 = vector.broadcast %jit3A_995 : i32 to vector<16xi32>
      %select_n3A_998 = arith.select %eq3A_993, %broadcast_in_dim3A_996, %broadcast_in_dim3A_997 : vector<16xi1>, vector<16xi32>
      %swap3A_999 = arith.constant 176 : index
      %swap3A_1000 = tpu.vector_load %arg17[%swap3A_999] {strides = array<i32>} : memref<200xi32, #tpu.memory_space<vmem>>, vector<16xi32>,
      %swap3A_1001 = vector.shape_cast %swap3A_1000 : vector<16xi32> to vector<16xi32>
      %swap3A_1002 = vector.shape_cast %select_n3A_998 : vector<16xi32> to vector<16xi32>
      tpu.vector_store %arg17[%swap3A_999], %swap3A_1002 {strides = array<i32>} : memref<200xi32, #tpu.memory_space<vmem>>, vector<16xi32>,
      %get3A_1003 = arith.constant 184 : index
      %get3A_1004 = tpu.vector_load %arg9[%get3A_1003] {strides = array<i32>} : memref<216xi32, #tpu.memory_space<vmem>>, vector<16xi32>,
      %get3A_1005 = vector.shape_cast %get3A_1004 : vector<16xi32> to vector<16xi32>
      %eq3A_1006 = arith.constant 0 : i32
      %eq3A_1007 = vector.broadcast %eq3A_1006 : i32 to vector<16xi32>
      %eq3A_1008 = arith.cmpi eq, %get3A_1005, %eq3A_1007 : vector<16xi32>
      %jit3A_1009 = arith.constant 1 : i32
      %jit3A_1010 = arith.constant 0 : i32
      %broadcast_in_dim3A_1011 = vector.broadcast %jit3A_1009 : i32 to vector<16xi32>
      %broadcast_in_dim3A_1012 = vector.broadcast %jit3A_1010 : i32 to vector<16xi32>
      %select_n3A_1013 = arith.select %eq3A_1008, %broadcast_in_dim3A_1011, %broadcast_in_dim3A_1012 : vector<16xi1>, vector<16xi32>
      %swap3A_1014 = arith.constant 184 : index
      %swap3A_1015 = tpu.vector_load %arg17[%swap3A_1014] {strides = array<i32>} : memref<200xi32, #tpu.memory_space<vmem>>, vector<16xi32>,
      %swap3A_1016 = vector.shape_cast %swap3A_1015 : vector<16xi32> to vector<16xi32>
      %swap3A_1017 = vector.shape_cast %select_n3A_1013 : vector<16xi32> to vector<16xi32>
      tpu.vector_store %arg17[%swap3A_1014], %swap3A_1017 {strides = array<i32>} : memref<200xi32, #tpu.memory_space<vmem>>, vector<16xi32>,
      %mul3A_1018 = arith.constant 200 : i32
      %mul3A_1019 = arith.muli %add3A_760, %mul3A_1018 : i32
      %add3A_1020 = arith.addi %mul3A_2, %mul3A_1019 : i32
      %multiple_of3A_1021 = tpu.assume_multiple %add3A_1020, 200 : i32
      %dma_start3A_1022 = tpu.memref_slice %arg6[%multiple_of3A_1021] : memref<819200xi32, #tpu.memory_space<hbm>> -> memref<200xi32, #tpu.memory_space<hbm>>
      %dma_start3A_1023 = tpu.memref_slice %arg6[%multiple_of3A_1021] : memref<819200xi32, #tpu.memory_space<hbm>> -> memref<200xi32, #tpu.memory_space<hbm>>
      tpu.enqueue_dma source(%arg17 : memref<200xi32, #tpu.memory_space<vmem>>) target(%dma_start3A_1023 : memref<200xi32, #tpu.memory_space<hbm>>) target_semaphore(%arg23 : memref<!tpu.dma_semaphore, #tpu.memory_space<semaphore_mem>>)
      %mul3A_1024 = arith.constant 200 : i32
      %mul3A_1025 = arith.muli %add3A_760, %mul3A_1024 : i32
      %add3A_1026 = arith.addi %mul3A_2, %mul3A_1025 : i32
      %multiple_of3A_1027 = tpu.assume_multiple %add3A_1026, 200 : i32
      %dma_start3A_1028 = arith.constant 0 : i32
      %dma_start3A_1029 = tpu.memref_slice %arg5[%multiple_of3A_1027, %dma_start3A_1028] : memref<819200x64xf32, #tpu.memory_space<hbm>> -> memref<200x64xf32, #tpu.memory_space<hbm>>
      %dma_start3A_1030 = arith.constant 0 : i32
      %dma_start3A_1031 = tpu.memref_slice %arg5[%multiple_of3A_1027, %dma_start3A_1030] : memref<819200x64xf32, #tpu.memory_space<hbm>> -> memref<200x64xf32, #tpu.memory_space<hbm>>
      tpu.enqueue_dma source(%arg15 : memref<200x64xf32, #tpu.memory_space<vmem>>) target(%dma_start3A_1031 : memref<200x64xf32, #tpu.memory_space<hbm>>) target_semaphore(%arg21 : memref<!tpu.dma_semaphore, #tpu.memory_space<semaphore_mem>>)
    }
    %scan3A_235 = arith.constant 64 : i32
    %add3A_236 = arith.constant 25200 : i32
    %add3A_237 = arith.addi %mul3A_2, %add3A_236 : i32
    %multiple_of3A_238 = tpu.assume_multiple %add3A_237, 200 : i32
    %dma_wait3A = arith.constant 0 : i32
    %dma_wait3A_239 = tpu.memref_slice %arg5[%multiple_of3A_238, %dma_wait3A] : memref<819200x64xf32, #tpu.memory_space<hbm>> -> memref<200x64xf32, #tpu.memory_space<hbm>>
    %dma_wait3A_240 = arith.constant 0 : i32
    %dma_wait3A_241 = tpu.memref_slice %arg5[%multiple_of3A_238, %dma_wait3A_240] : memref<819200x64xf32, #tpu.memory_space<hbm>> -> memref<200x64xf32, #tpu.memory_space<hbm>>
    tpu.wait_dma2 semaphore(%arg20 : memref<!tpu.dma_semaphore, #tpu.memory_space<semaphore_mem>>) src(%arg14 : memref<200x64xf32, #tpu.memory_space<vmem>>) dst(%dma_wait3A_241 : memref<200x64xf32, #tpu.memory_space<hbm>>)
    %add3A_242 = arith.constant 25200 : i32
    %add3A_243 = arith.addi %mul3A_2, %add3A_242 : i32
    %multiple_of3A_244 = tpu.assume_multiple %add3A_243, 200 : i32
    %dma_wait3A_245 = tpu.memref_slice %arg6[%multiple_of3A_244] : memref<819200xi32, #tpu.memory_space<hbm>> -> memref<200xi32, #tpu.memory_space<hbm>>
    %dma_wait3A_246 = tpu.memref_slice %arg6[%multiple_of3A_244] : memref<819200xi32, #tpu.memory_space<hbm>> -> memref<200xi32, #tpu.memory_space<hbm>>
    tpu.wait_dma2 semaphore(%arg22 : memref<!tpu.dma_semaphore, #tpu.memory_space<semaphore_mem>>) src(%arg16 : memref<200xi32, #tpu.memory_space<vmem>>) dst(%dma_wait3A_246 : memref<200xi32, #tpu.memory_space<hbm>>)
    %add3A_247 = arith.constant 25400 : i32
    %add3A_248 = arith.addi %mul3A_2, %add3A_247 : i32
    %multiple_of3A_249 = tpu.assume_multiple %add3A_248, 200 : i32
    %dma_wait3A_250 = arith.constant 0 : i32
    %dma_wait3A_251 = tpu.memref_slice %arg5[%multiple_of3A_249, %dma_wait3A_250] : memref<819200x64xf32, #tpu.memory_space<hbm>> -> memref<200x64xf32, #tpu.memory_space<hbm>>
    %dma_wait3A_252 = arith.constant 0 : i32
    %dma_wait3A_253 = tpu.memref_slice %arg5[%multiple_of3A_249, %dma_wait3A_252] : memref<819200x64xf32, #tpu.memory_space<hbm>> -> memref<200x64xf32, #tpu.memory_space<hbm>>
    tpu.wait_dma2 semaphore(%arg21 : memref<!tpu.dma_semaphore, #tpu.memory_space<semaphore_mem>>) src(%arg15 : memref<200x64xf32, #tpu.memory_space<vmem>>) dst(%dma_wait3A_253 : memref<200x64xf32, #tpu.memory_space<hbm>>)
    %add3A_254 = arith.constant 25400 : i32
    %add3A_255 = arith.addi %mul3A_2, %add3A_254 : i32
    %multiple_of3A_256 = tpu.assume_multiple %add3A_255, 200 : i32
    %dma_wait3A_257 = tpu.memref_slice %arg6[%multiple_of3A_256] : memref<819200xi32, #tpu.memory_space<hbm>> -> memref<200xi32, #tpu.memory_space<hbm>>
    %dma_wait3A_258 = tpu.memref_slice %arg6[%multiple_of3A_256] : memref<819200xi32, #tpu.memory_space<hbm>> -> memref<200xi32, #tpu.memory_space<hbm>>
    tpu.wait_dma2 semaphore(%arg23 : memref<!tpu.dma_semaphore, #tpu.memory_space<semaphore_mem>>) src(%arg17 : memref<200xi32, #tpu.memory_space<vmem>>) dst(%dma_wait3A_258 : memref<200xi32, #tpu.memory_space<hbm>>)
    return
  }
}

</mosaic_0001>

<sc_bundles>
// kernel: kernel.3.cloned.1.call-start
scs
__scs_entry_jumppad:
0x0: {  	(pc) =	sbr.rel $0x88, $3  }
0x1: {  	(tag) =	ssettag $0x0;
	lr =	simm.s32 $0x1  }
0x2: {  	[smem:$0x3F9E] =	sst lr;
	_ =	strace $0xD0000000  }
0x3: {  	_ = 	snop  }
0x4: {  	_ = 	snop  }
0x5: {  	_ = 	snop  }
0x6: {  	_ = 	snop  }
0x7: {  	_ = 	snop  }
__scs_overlays_trampoline_lowered:
0x8: {  	[smem:$0x3FAD] =	sst s0  }
0x9: {  	[smem:$0x3FAE] =	sst s1  }
0xa: {  	[smem:$0x3FAF] =	sst s2  }
0xb: {  	[smem:$0x3FB0] =	sst s3  }
0xc: {  	[smem:$0x3FB1] =	sst s4  }
0xd: {  	[smem:$0x3FB2] =	sst s5  }
0xe: {  	[smem:$0x3FB3] =	sst s6  }
0xf: {  	[smem:$0x3FB4] =	sst s7  }
0x10: {  	[smem:$0x3FB5] =	sst s8  }
0x11: {  	[smem:$0x3FB6] =	sst s9;
	s0 =	simm.s32 @!p0 $0x0  }
0x12: {  	s1 =	sld [smem:$0x3F9C];
	s0 =	simm.s32 @p0 $0x1  }
0x13: {  	[smem:$0x3FB7] =	sst s0;
	s0 =	simm.s32 @!p1 $0x0  }
0x14: {  	s2 =	sld [smem:$0x3F9B];
	s0 =	simm.s32 @p1 $0x1  }
0x15: {  	[smem:$0x3FB8] =	sst s0;
	s0 =	simm.s32 @!p2 $0x0  }
0x16: {  	s3 =	sld [smem:$0x3FDB];
	s0 =	simm.s32 @p2 $0x1  }
0x17: {  	s4 =	simm.s32 $0x1BF5;
	[smem:$0x3FBA] =	sst s0  }
0x18: {  	s0 =	sld [smem:$0x3F9D];
	_ =	swait.ge [sflag:s4], $0x0  }
0x19: {  	s7 =	sld [smem:$0x3F9E]  }
0x1a: {  	s8 =	sadd.s32 $0xFFFFE003, lr  }
0x1b: {  	s9 =	sadd.s32 $0xFFFFFEF7, lr;
	s5 =	simm.s32 $0xFFFFFFFF;
	p2 =	slt.u32 s8, $0xFFFFF086  }
0x1c: {  	p1 =	slt.u32 s9, $0xF7A;
	s5 =	simm.s32 @!p2 $0x0  }
0x1d: {  	s5 =	simm.s32 @p1 $0x1;
	p0 =	seq.s32 s7, s2  }
0x1e: {  	s7 =	smul.u32 @!p0 $0xF7A, s2;
	p2 =	seq.s32 @!p0 s5, $0x0  }
0x1f: {  	s9 =	smul.u32 $0xF7A, s1;
	s8 =	simm.s32 @!p0 $0x1BF5;
	p2 =	por !p2, p0  }
0x20: {  	[sflag:s8] =	ssyncset.s32 @!p0 $0xFFFFF086;
	s6 =	sadd.s32 @!p0 s3, s7;
	s7 =	simm.s32 @!p0 $0x108  }
0x21: {  	s3 =	sadd.s32 s3, s9;
	s6 =	sadd.s32 @!p0 $0x88, s6;
	s7 =	simm.s32 @p2 $0x1082  }
0x22: {  	[simem:s7], [sflag:s8] =	dma.local @!p0 [hbm:s6], $0xF7A  }
0x23: {  	s9 =	sor.u32 $0xD0000000, s2;
	s6 =	simm.s32 $0x108;
	_ =	swait.ge @!p0 [sflag:s8], $0x0  }
0x24: {  	s3 =	sadd.s32 $0x88, s3;
	s6 =	simm.s32 @!p1 $0x1082;
	[sflag:s4] =	ssyncset.s32 $0xFFFFF086  }
0x25: {  	[simem:s6], [sflag:s4] =	dma.local [hbm:s3], $0xF7A  }
0x26: {  	[smem:$0x3F9E] =	sst s1;
	(tag) =	ssettag s2;
	_ =	strace s9  }
0x27: {  	s1 =	sld [smem:$0x3FAE]  }
0x28: {  	s2 =	sld [smem:$0x3FAF]  }
0x29: {  	s4 =	sld [smem:$0x3FB1]  }
0x2a: {  	p0 =	seq.s32 s5, $0x0;
	s5 =	sld [smem:$0x3FB2]  }
0x2b: {  	s6 =	sld [smem:$0x3FB3]  }
0x2c: {  	s7 =	sld [smem:$0x3FB4]  }
0x2d: {  	s3 =	simm.s32 $0x108;
	s8 =	sld [smem:$0x3FB5]  }
0x2e: {  	s3 =	simm.s32 @!p0 $0x1082;
	s9 =	sld [smem:$0x3FB6]  }
0x2f: {  	lr =	sadd.s32 s0, s3;
	s0 =	sld [smem:$0x3FAD]  }
0x30: {  	s3 =	sld [smem:$0x3FB0]  }
0x31: {  	[smem:$0x3FB9] =	sst s10  }
0x32: {  	s10 =	sld [smem:$0x3FB7];
	_ =	sdelay $0x3  }
0x33: {  	p0 =	seq.s32 s10, $0x1;
	s10 =	sld [smem:$0x3FB9];
	_ =	sdelay $0x3  }
0x34: {  	[smem:$0x3FB9] =	sst s10  }
0x35: {  	s10 =	sld [smem:$0x3FB8];
	_ =	sdelay $0x3  }
0x36: {  	p1 =	seq.s32 s10, $0x1;
	s10 =	sld [smem:$0x3FB9];
	_ =	sdelay $0x3  }
0x37: {  	[smem:$0x3FB9] =	sst s10  }
0x38: {  	s10 =	sld [smem:$0x3FBA]  }
0x39: {  	_ = 	snop;
	(pc) =	sbr.ind lr, $3  }
0x3a: {  	_ = 	snop  }
0x3b: {  	_ = 	snop  }
0x3c: {  	p2 =	seq.s32 s10, $0x1;
	s10 =	sld [smem:$0x3FB9]  }
0x3d: {  	_ =	shalt  }
0x3e: {  	_ =	shalt  }
0x3f: {  	_ =	shalt  }
0x40: {  	_ =	shalt  }
0x41: {  	_ =	shalt  }
0x42: {  	_ =	shalt  }
0x43: {  	_ =	shalt  }
0x44: {  	_ =	shalt  }
0x45: {  	_ =	shalt  }
0x46: {  	_ =	shalt  }
0x47: {  	_ =	shalt  }
0x48: {  	_ =	shalt  }
0x49: {  	_ =	shalt  }
0x4a: {  	_ =	shalt  }
0x4b: {  	_ =	shalt  }
0x4c: {  	_ =	shalt  }
0x4d: {  	_ =	shalt  }
0x4e: {  	_ =	shalt  }
0x4f: {  	_ =	shalt  }
0x50: {  	_ =	shalt  }
0x51: {  	_ =	shalt  }
0x52: {  	_ =	shalt  }
0x53: {  	_ =	shalt  }
0x54: {  	_ =	shalt  }
0x55: {  	_ =	shalt  }
0x56: {  	_ =	shalt  }
0x57: {  	_ =	shalt  }
0x58: {  	_ =	shalt  }
0x59: {  	_ =	shalt  }
0x5a: {  	_ =	shalt  }
0x5b: {  	_ =	shalt  }
0x5c: {  	_ =	shalt  }
0x5d: {  	_ =	shalt  }
0x5e: {  	_ =	shalt  }
0x5f: {  	_ =	shalt  }
0x60: {  	_ =	shalt  }
0x61: {  	_ =	shalt  }
0x62: {  	_ =	shalt  }
0x63: {  	_ =	shalt  }
0x64: {  	_ =	shalt  }
0x65: {  	_ =	shalt  }
0x66: {  	_ =	shalt  }
0x67: {  	_ =	shalt  }
0x68: {  	_ =	shalt  }
0x69: {  	_ =	shalt  }
0x6a: {  	_ =	shalt  }
0x6b: {  	_ =	shalt  }
0x6c: {  	_ =	shalt  }
0x6d: {  	_ =	shalt  }
0x6e: {  	_ =	shalt  }
0x6f: {  	_ =	shalt  }
0x70: {  	_ =	shalt  }
0x71: {  	_ =	shalt  }
0x72: {  	_ =	shalt  }
0x73: {  	_ =	shalt  }
0x74: {  	_ =	shalt  }
0x75: {  	_ =	shalt  }
0x76: {  	_ =	shalt  }
0x77: {  	_ =	shalt  }
0x78: {  	_ =	shalt  }
0x79: {  	_ =	shalt  }
0x7a: {  	_ =	shalt  }
0x7b: {  	_ =	shalt  }
0x7c: {  	_ =	shalt  }
0x7d: {  	_ =	shalt  }
0x7e: {  	_ =	shalt  }
0x7f: {  	_ =	shalt  }
0x80: {  	_ =	shalt  }
0x81: {  	_ =	shalt  }
0x82: {  	_ =	shalt  }
0x83: {  	_ =	shalt  }
0x84: {  	_ =	shalt  }
0x85: {  	_ =	shalt  }
0x86: {  	_ =	shalt  }
0x87: {  	_ =	shalt  }
.Lfunc_end0:
.L_simem_size_0:
called_computation.1_lowered:
.L_overlay_start_0:
0x88: {  	s2 =	sld [smem:$0x3FD9]  }
0x89: {  	s3 =	sld [smem:$0x3FFE];
	_ =	sdelay $0x1  }
0x8a: {  	s1 =	srdreg.scid  }
0x8b: {  	s0 =	sand.u32 $0x1, s1  }
0x8c: {  	s14 =	sshll.u32 s0, $0xA;
	s2 =	sadd.s32 s3, s2  }
0x8d: {  	s2 =	sadd.s32 s2, s14  }
0x8e: {  	[smem:$0x3FC5] =	sst s2  }
0x8f: {  	_ = 	snop  }
0x90: {  	s2 =	sld [smem:$0x3FD0];
	_ =	sdelay $0x2  }
0x91: {  	s15 =	simm.s32 $0xA;
	s4 =	simm.s32 $0x10  }
0x92: {  	[smem:s4], [sflag:s15] =	dma.local [hbm:s2], $0x1  }
0x93: {  	_ =	swait.eq [sflag:s15], $0x1  }
0x94: {  	[sflag:s15] =	ssyncset.done $0x0  }
0x95: {  	s16 =	sld [smem:$0x10];
	[sflag:s15] =	ssyncadd.s32 $0xFFFFFFFF  }
0x96: {  	s17 =	sld [smem:$0x11];
	(tm) =	ssettm $0x1  }
0x97: {  	s18 =	sld [smem:$0x3FFB];
	_ =	sdelay $0x3  }
0x98: {  	_ =	strace s18  }
0x99: {  	s4 =	sld [smem:$0x3FFC];
	_ =	sdelay $0x3  }
0x9a: {  	_ =	strace s4  }
0x9b: {  	s4 =	sld [smem:$0x3FFD];
	_ =	sdelay $0x3  }
0x9c: {  	_ =	strace s4  }
0x9d: {  	_ =	strace $0x8FFFFFFF  }
0x9e: {  	s19 =	sld [smem:$0x3FDB];
	_ =	sdelay $0x1  }
0x9f: {  	s5 =	simm.s32 $_scs_section_size  }
0xa0: {  	s6 =	simm.s32 $_size__tile_overlayer_lowered;
	s7 =	simm.s32 $_tile_overlayer_lowered  }
0xa1: {  	s22 =	simm.s32 $0x1BFF;
	s21 =	sshll.u32 s7, $0x1;
	s4 =	sadd.s32 s5, s19  }
0xa2: {  	s8 =	simm.s32 $0x0;
	s20 =	sshll.u32 s6, $0x1;
	s6 =	sadd.s32 s21, s4  }
0xa3: {  	[timem:s8], [sflag:s22] =	dma.local [hbm:s6], s20  }
0xa4: {  	_ =	swait.ge [sflag:s22], s20  }
0xa5: {  	s5 =	ssub.s32 $0x0, s20;
	[sflag:s22] =	ssyncset.done $0x0  }
0xa6: {  	[sflag:s22] =	ssyncadd.s32 s5;
	_ =	sdelay $0x1  }
0xa7: {  	s23 =	simm.s32 $0x1B8B  }
0xa8: {  	_ =	swait.ge [sflag:s23], $0x1  }
0xa9: {  	[sflag:s23] =	ssyncset.done $0x0  }
0xaa: {  	s25 =	simm.s32 $0x1B8E;
	s24 =	sld [smem:$0x3FFE];
	[sflag:s23] =	ssyncadd.s32 $0xFFFFFFFF  }
0xab: {  	s26 =	simm.s32 $execute0_lowered;
	[smem:$0x3FD2] =	sst s25  }
0xac: {  	s6 =	sshll.u32 s26, $0x1;
	_ =	strace $0x80000046;
	[dreg:$0x1] =	wrdreg $0xFFFFFFFF  }
0xad: {  	s28 =	simm.s32 $_size_execute0_lowered;
	s4 =	sadd.s32 s4, s6;
	[dreg:$0x0] =	wrdreg $0x0  }
0xae: {  	s6 =	sshll.u32 s28, $0x1;
	[dreg:$0x2] =	wrdreg s4  }
0xaf: {  	[dreg:$0x3] =	wrdreg s6  }
0xb0: {  	[dreg:$0x4] =	wrdreg $0xC0  }
0xb1: {  	_ =	task [dreg:s8], $0x5FFFF  }
0xb2: {  	[dreg:$0x1] =	wrdreg $0xFFFFFFFF  }
0xb3: {  	[dreg:$0x0] =	wrdreg $0x60  }
0xb4: {  	[dreg:$0x2] =	wrdreg s16  }
0xb5: {  	[dreg:$0x3] =	wrdreg s24  }
0xb6: {  	[dreg:$0x4] =	wrdreg s17  }
0xb7: {  	[dreg:$0x5] =	wrdreg $0x9  }
0xb8: {  	_ =	task.clear_ibuf [dreg:s8], $0x6FFFF;
	_ =	strace $0x90000046  }
0xb9: {  	s29 =	simm.s32 $0x9;
	_ =	strace $0x80000048  }
0xba: {  	_ =	swait.ge [sflag:s29], $0x1  }
0xbb: {  	[sflag:s29] =	ssyncadd.s32 $0xFFFFFFFF  }
0xbc: {  	_ =	strace $0x90000048  }
0xbd: {  	_ =	sfence  }
0xbe: {  	s30 =	sld [smem:$0x0];
	_ =	sdelay $0x2  }
0xbf: {  	s31 =	sshll.u32 s1, $0xD;
	s1 =	sshrl.u32 s1, $0x2  }
0xc0: {  	s3 =	sand.u32 $0x4000, s31;
	s1 =	sadd.s32 s1, s30  }
0xc1: {  	s0 =	sor.u32 s3, s0;
	s1 =	sshll.u32 s1, $0x11  }
0xc2: {  	s0 =	sor.u32 s1, s0  }
0xc3: {  	s0 =	sadd.s32 $0x8F2B, s0  }
0xc4: {  	[sflag:s0] =	ssyncadd.remote.s32 $0x1  }
0xc5: {  	_ =	sfence.sel $0xFFFF  }
0xc6: {  	[dreg:$0x0] =	wrdreg $0xFFFFFFFF;
	(pc) =	sbr.abs _section_cstart, $3  }
0xc7: {  	[dreg:$0x1] =	wrdreg $0xFFFFFFFF  }
0xc8: {  	_ =	task.clear_ibuf [dreg:s8], $0x2FFFF;
	_ =	strace $0x9FFFFFFF  }
0xc9: {  	(tm) =	ssettm $0x7FFFFFFF  }
tec
execute0_lowered:
.L_overlay_start_1:
0x0: {  	(tag) =	ssettag $0x1  }
0x1: {  	s23 =	rddreg [dreg:$0x0]  }
0x2: {  	s0 =	rddreg [dreg:$0x1]  }
0x3: {  	s2 =	srdreg.scid;
	s1 =	stileid.u32  }
0x4: {  	s4 =	simm.s32 $0x0;
	s13 =	simm.s32 $0x7;
	s15 =	simm.s32 $0x28  }
0x5: {  	s28 =	simm.s32 $0x1;
	s2 =	sand.u32 $0x1, s2;
	s3 =	sshll.u32 s1, $0x1  }
0x6: {  	s21 =	simm.s32 $0x2;
	[smem:$0x7FF] =	sst s4;
	s3 =	sor.u32 s2, s3  }
0x7: {  	s6 =	sadd.s32 $0xF43600, s0;
	s2 =	ssub.s32 $0x2, s2;
	s25 =	smul.u32 $0x6400, s3  }
0x8: {  	s7 =	sadd.s32 $0x1A200, s0;
	s8 =	sadd.s32 $0x1200, s0;
	s26 =	sshrl.u32 s2, $0x1  }
0x9: {  	_ =	strace $0x80000047;
	s29 =	ssub.s32 s2, s26;
	s31 =	sor.u32 $0xC8, s25  }
0xa: {  	s30 =	sshrl.u32 s25, $0x3;
	s0 =	smax.u32 s29, $0x1;
	[dreg:$0x5] =	wrdreg s31  }
0xb: {  	s10 =	smov.u32 s25;
	s2 =	sadd.s32 s23, s30;
	[dreg:$0x6] =	wrdreg s0  }
0xc: {  	v0 =	vimm.s32 $0x0;
	s11 =	sor.u32 $0x190, s25;
	[dreg:$0x4] =	wrdreg s2;
	s2 =	simm.s32 $0x0  }
.LBB2_1:
0xd: {  	[dreg:$0x7] =	wrdreg s2  }
0xe: {  	s0 =	rddreg [dreg:$0x2]  }
0xf: {  	[tilespmem:s4], [sflag:$0x7] =	stream.linear.gather [hbm4b:s0+s4], $0x3200, $0x38;
	[tilespmem:$0x1D000] =	vst v63  }
0x10: {  	_ =	swait.ge [sflag:s13], $0x3200  }
0x11: {  	[sflag:s13] =	ssyncset.done $0x0  }
0x12: {  	s1 =	simm.s32 $0x3400;
	s17 =	rddreg [dreg:$0x4];
	[sflag:s13] =	ssyncadd.s32 $0xFFFFCE00  }
0x13: {  	[tilespmem:s1], [sflag:$0x7] =	stream.linear.gather [hbm4b:s17+s4], $0xC8, $0x38;
	[tilespmem:$0x1D000] =	vst v63  }
0x14: {  	_ =	swait.ge [sflag:s13], $0xC8  }
0x15: {  	[sflag:s13] =	ssyncset.done $0x0  }
0x16: {  	[sflag:s13] =	ssyncadd.s32 $0xFFFFFF38  }
0x17: {  	v1 =	vld [tilespmem:$0x3400]  }
0x18: {  	v2 =	vld [tilespmem:$0x3410]  }
0x19: {  	v3 =	vld [tilespmem:$0x3418]  }
0x1a: {  	v4 =	vld [tilespmem:$0x3428]  }
0x1b: {  	v5 =	vld [tilespmem:$0x3438]  }
0x1c: {  	v6 =	vld [tilespmem:$0x3440];
	v1 =	vshrl.u32 v1, $0x1  }
0x1d: {  	[tilespmem:$0x3600] =	vst v1;
	v1 =	vshrl.u32 v2, $0x1;
	v2 =	vld [tilespmem:$0x3450]  }
0x1e: {  	[tilespmem:$0x3610] =	vst v1;
	v1 =	vshrl.u32 v3, $0x1;
	v3 =	vld [tilespmem:$0x3460]  }
0x1f: {  	v59 =	vld [tilespmem:$0x3468];
	[tilespmem:$0x3618] =	vst v1;
	v1 =	vshrl.u32 v4, $0x1  }
0x20: {  	v60 =	vld [tilespmem:$0x3478];
	[tilespmem:$0x3680] =	vst v1;
	v1 =	vshrl.u32 v5, $0x1  }
0x21: {  	v61 =	vld [tilespmem:$0x3488];
	[tilespmem:$0x3690] =	vst v1;
	v1 =	vshrl.u32 v6, $0x1  }
0x22: {  	[tilespmem:$0x3698] =	vst v1;
	v1 =	vshrl.u32 v2, $0x1;
	v2 =	vld [tilespmem:$0x3490]  }
0x23: {  	[tilespmem:$0x3700] =	vst v1;
	v1 =	vshrl.u32 v3, $0x1;
	v3 =	vld [tilespmem:$0x34A0]  }
0x24: {  	v62 =	vld [tilespmem:$0x34B0];
	[tilespmem:$0x3710] =	vst v1;
	v1 =	vshrl.u32 v59, $0x1  }
0x25: {  	v63 =	vld [tilespmem:$0x34B8];
	[tilespmem:$0x3718] =	vst v1;
	v1 =	vshrl.u32 v60, $0x1  }
0x26: {  	[tilespmem:$0x3780] =	vst v1;
	v1 =	vshrl.u32 v61, $0x1  }
0x27: {  	[tilespmem:$0x3790] =	vst v1;
	v1 =	vshrl.u32 v2, $0x1  }
0x28: {  	[tilespmem:$0x3798] =	vst v1;
	v1 =	vshrl.u32 v3, $0x1  }
0x29: {  	[tilespmem:$0x3800] =	vst v1;
	v1 =	vshrl.u32 v62, $0x1  }
0x2a: {  	[tilespmem:$0x3810] =	vst v1;
	v1 =	vshrl.u32 v63, $0x1  }
0x2b: {  	s18 =	simm.s32 $0x3600;
	s19 =	simm.s32 $0x3E00;
	[tilespmem:$0x3818] =	vst v1  }
0x2c: {  	[tilespmem:s19], [sflag:$0x1] =	stream.indirect.gather [hbm4b:s6+s15], $0x80, s18, s15, $0xb8;
	[tilespmem:$0x1D000] =	vst v63  }
0x2d: {  	s20 =	simm.s32 $0x3680;
	s22 =	simm.s32 $0x5200  }
0x2e: {  	[tilespmem:s22], [sflag:$0x1] =	stream.indirect.gather [hbm4b:s6+s15], $0x80, s20, s15, $0xb8;
	[tilespmem:$0x1D000] =	vst v63  }
0x2f: {  	s24 =	simm.s32 $0x3700;
	s25 =	simm.s32 $0x6600  }
0x30: {  	[tilespmem:s25], [sflag:$0x1] =	stream.indirect.gather [hbm4b:s6+s15], $0x80, s24, s15, $0xb8;
	[tilespmem:$0x1D000] =	vst v63  }
0x31: {  	s26 =	simm.s32 $0x3780;
	s29 =	simm.s32 $0x7A00  }
0x32: {  	[tilespmem:s29], [sflag:$0x1] =	stream.indirect.gather [hbm4b:s6+s15], $0x80, s26, s15, $0xb8;
	[tilespmem:$0x1D000] =	vst v63  }
0x33: {  	s30 =	simm.s32 $0x3800;
	s31 =	simm.s32 $0x8E00;
	s25 =	simm.s32 $0x0  }
0x34: {  	[tilespmem:s31], [sflag:$0x1] =	stream.indirect.gather [hbm4b:s6+s15], $0x80, s30, s15, $0xb8;
	[tilespmem:$0x1D000] =	vst v63  }
.LBB2_2:
0x35: {  	s24 =	smul.u32 $0x190, s25  }
0x36: {  	s0 =	rddreg [dreg:$0x5]  }
0x37: {  	s9 =	sadd.s32 s24, s0  }
0x38: {  	s12 =	sshrl.u32 s9, $0x3  }
0x39: {  	s1 =	simm.s32 $0x3500;
	s14 =	sadd.s32 s23, s12  }
0x3a: {  	[tilespmem:s1], [sflag:$0x7] =	stream.linear.gather [hbm4b:s14+s4], $0xC8, $0x38;
	[tilespmem:$0x1D000] =	vst v63  }
0x3b: {  	_ =	swait.ge [sflag:s13], $0xC8  }
0x3c: {  	[sflag:s13] =	ssyncset.done $0x0  }
0x3d: {  	[sflag:s13] =	ssyncadd.s32 $0xFFFFFF38  }
0x3e: {  	v1 =	vld [tilespmem:$0x3500]  }
0x3f: {  	v2 =	vld [tilespmem:$0x3510]  }
0x40: {  	v3 =	vld [tilespmem:$0x3518]  }
0x41: {  	v4 =	vld [tilespmem:$0x3528]  }
0x42: {  	v5 =	vld [tilespmem:$0x3538]  }
0x43: {  	v6 =	vld [tilespmem:$0x3540];
	v1 =	vshrl.u32 v1, $0x1  }
0x44: {  	[tilespmem:$0x3A00] =	vst v1;
	v1 =	vshrl.u32 v2, $0x1;
	v2 =	vld [tilespmem:$0x3550]  }
0x45: {  	[tilespmem:$0x3A10] =	vst v1;
	v1 =	vshrl.u32 v3, $0x1;
	v3 =	vld [tilespmem:$0x3560]  }
0x46: {  	[tilespmem:$0x3A18] =	vst v1;
	v1 =	vshrl.u32 v4, $0x1;
	v4 =	vld [tilespmem:$0x3568]  }
0x47: {  	[tilespmem:$0x3A80] =	vst v1;
	v1 =	vshrl.u32 v5, $0x1;
	v5 =	vld [tilespmem:$0x3578]  }
0x48: {  	[tilespmem:$0x3A90] =	vst v1;
	v1 =	vshrl.u32 v6, $0x1;
	v6 =	vld [tilespmem:$0x3588]  }
0x49: {  	[tilespmem:$0x3A98] =	vst v1;
	v1 =	vshrl.u32 v2, $0x1;
	v2 =	vld [tilespmem:$0x3590]  }
0x4a: {  	[tilespmem:$0x3B00] =	vst v1;
	v1 =	vshrl.u32 v3, $0x1;
	v3 =	vld [tilespmem:$0x35A0]  }
0x4b: {  	[tilespmem:$0x3B10] =	vst v1;
	v1 =	vshrl.u32 v4, $0x1;
	v4 =	vld [tilespmem:$0x35B0]  }
0x4c: {  	[tilespmem:$0x3B18] =	vst v1;
	v1 =	vshrl.u32 v5, $0x1;
	v5 =	vld [tilespmem:$0x35B8]  }
0x4d: {  	[tilespmem:$0x3B80] =	vst v1;
	v1 =	vshrl.u32 v6, $0x1  }
0x4e: {  	[tilespmem:$0x3B90] =	vst v1;
	v1 =	vshrl.u32 v2, $0x1  }
0x4f: {  	[tilespmem:$0x3B98] =	vst v1;
	v1 =	vshrl.u32 v3, $0x1  }
0x50: {  	[tilespmem:$0x3C00] =	vst v1;
	v1 =	vshrl.u32 v4, $0x1  }
0x51: {  	[tilespmem:$0x3C10] =	vst v1;
	v1 =	vshrl.u32 v5, $0x1  }
0x52: {  	[tilespmem:$0x3C18] =	vst v1  }
0x53: {  	_ =	swait.ge [sflag:s28], $0x1400  }
0x54: {  	[sflag:s28] =	ssyncset.done $0x0  }
0x55: {  	[sflag:s28] =	ssyncadd.s32 $0xFFFFEC00  }
0x56: {  	_ =	swait.ge [sflag:s28], $0x1400  }
0x57: {  	[sflag:s28] =	ssyncset.done $0x0  }
0x58: {  	[sflag:s28] =	ssyncadd.s32 $0xFFFFEC00  }
0x59: {  	_ =	swait.ge [sflag:s28], $0x1400  }
0x5a: {  	[sflag:s28] =	ssyncset.done $0x0  }
0x5b: {  	[sflag:s28] =	ssyncadd.s32 $0xFFFFEC00  }
0x5c: {  	_ =	swait.ge [sflag:s28], $0x1400  }
0x5d: {  	[sflag:s28] =	ssyncset.done $0x0  }
0x5e: {  	[sflag:s28] =	ssyncadd.s32 $0xFFFFEC00  }
0x5f: {  	_ =	swait.ge [sflag:s28], $0x1400  }
0x60: {  	p0 =	seq.s32 s25, $0x0;
	[sflag:s28] =	ssyncset.done $0x0  }
0x61: {  	s0 =	simm.s32 @!p0 $0x4;
	[sflag:s28] =	ssyncadd.s32 $0xFFFFEC00  }
0x62: {  	_ =	swait.ge @!p0 [sflag:s0], $0x6400  }
0x63: {  	[sflag:s0] =	ssyncset.done @!p0 $0x0  }
0x64: {  	[sflag:s0] =	ssyncadd.s32 @!p0 $0xFFFF9C00;
	s0 =	simm.s32 @!p0 $0x6  }
0x65: {  	_ =	swait.ge @!p0 [sflag:s0], $0xC8  }
0x66: {  	[sflag:s0] =	ssyncset.done @!p0 $0x0  }
0x67: {  	s16 =	simm.s32 $0x3A00;
	s17 =	simm.s32 $0xA200;
	[sflag:s0] =	ssyncadd.s32 @!p0 $0xFFFFFF38  }
0x68: {  	[tilespmem:s17], [sflag:$0x2] =	stream.indirect.gather [hbm4b:s6+s15], $0x80, s16, s15, $0xb8;
	[tilespmem:$0x1D000] =	vst v63  }
0x69: {  	s18 =	simm.s32 $0x3A80;
	s19 =	simm.s32 $0xB600  }
0x6a: {  	[tilespmem:s19], [sflag:$0x2] =	stream.indirect.gather [hbm4b:s6+s15], $0x80, s18, s15, $0xb8;
	[tilespmem:$0x1D000] =	vst v63  }
0x6b: {  	s20 =	simm.s32 $0x3B00;
	s22 =	simm.s32 $0xCA00  }
0x6c: {  	[tilespmem:s22], [sflag:$0x2] =	stream.indirect.gather [hbm4b:s6+s15], $0x80, s20, s15, $0xb8;
	[tilespmem:$0x1D000] =	vst v63  }
0x6d: {  	s5 =	smov.u32 s23;
	s26 =	simm.s32 $0xDE00;
	s23 =	simm.s32 $0x3B80  }
0x6e: {  	[tilespmem:s26], [sflag:$0x2] =	stream.indirect.gather [hbm4b:s6+s15], $0x80, s23, s15, $0xb8;
	[tilespmem:$0x1D000] =	vst v63  }
0x6f: {  	s2 =	simm.s32 $0x3C00;
	s3 =	simm.s32 $0xF200;
	s14 =	simm.s32 $0x3402  }
0x70: {  	[tilespmem:s3], [sflag:$0x2] =	stream.indirect.gather [hbm4b:s6+s15], $0x80, s2, s15, $0xb8;
	[tilespmem:$0x1D000] =	vst v63  }
0x71: {  	v1 =	vld [tilespmem:s14+$0x1];
	_ =	sdelay $0x1  }
0x72: {  	v2 =	vld [tilespmem:s14+$0xFFFFFFFF]  }
0x73: {  	v3 =	vld [tilespmem:s14+$0xFFFFFFFE];
	_ =	sdelay $0x1  }
0x74: {  	(v2sf) =	vpush v1, $0x0;
	_ =	sdelay $0x1  }
0x75: {  	(v2sf) =	vpush v2, $0x0  }
0x76: {  	(v2sf) =	vpush v3, $0x0;
	_ =	sdelay $0x8  }
0x77: {  	v4 =	vld [tilespmem:s14+$0x0];
	_ =	sdelay $0x2  }
0x78: {  	s16 =	spop (v2sf)  }
0x79: {  	s0 =	sand.u32 $0x1, s16  }
0x7a: {  	s26 =	simm.s32 $0x60;
	(v2sf) =	vpush v4, $0x0;
	s2 =	spop (v2sf);
	s0 =	sshll.u32 s0, $0x6  }
0x7b: {  	v1 =	vld [tilespmem:s26+$0x60];
	s3 =	spop (v2sf);
	s14 =	sadd.s32 $0x0, s0  }
0x7c: {  	s17 =	sand.u32 $0x1, s3;
	v2 =	vld [tilespmem:s14+$0x3F80]  }
0x7d: {  	s0 =	sshll.u32 s17, $0x6  }
0x7e: {  	v3 =	vld [tilespmem:s26+$0xFFFFFFA0];
	s0 =	sadd.s32 $0x0, s0  }
0x7f: {  	v4 =	vld [tilespmem:s0+$0x3E00];
	_ =	sdelay $0x1  }
0x80: {  	v1 =	vadd.f32 v1, v2  }
0x81: {  	s29 =	simm.s32 $0x0;
	s23 =	simm.s32 $0x3406;
	v7 =	vld [tilespmem:s26+$0x20]  }
0x82: {  	s20 =	simm.s32 $0xC0;
	v8 =	vld [tilespmem:s23+$0x1];
	[tilespmem:s29+$0x10780] =	vst v1  }
0x83: {  	s22 =	sor.u32 $0x50, s20;
	v1 =	vadd.f32 v3, v4;
	v3 =	vld [tilespmem:s14+$0x3F90]  }
0x84: {  	v4 =	vld [tilespmem:s22+$0x0]  }
0x85: {  	v9 =	vld [tilespmem:s23+$0xFFFFFFFF];
	s2 =	sand.u32 $0x1, s2  }
0x86: {  	s31 =	simm.s32 $0x160;
	v10 =	vld [tilespmem:s23+$0x0];
	s2 =	sshll.u32 s2, $0x6  }
0x87: {  	v60 =	vld [tilespmem:s31+$0x60];
	s3 =	sadd.s32 $0x0, s2  }
0x88: {  	s18 =	spop (v2sf);
	v5 =	vld [tilespmem:s3+$0x3E80]  }
0x89: {  	s16 =	sand.u32 $0x1, s18;
	v3 =	vadd.f32 v4, v3;
	v4 =	vld [tilespmem:s23+$0xFFFFFFFE]  }
0x8a: {  	s19 =	sshll.u32 s16, $0x6;
	v2 =	vld [tilespmem:s26+$0xFFFFFFE0]  }
0x8b: {  	v62 =	vld [tilespmem:s31+$0xFFFFFFA0];
	(v2sf) =	vpush v8, $0x0;
	s30 =	sadd.s32 $0x0, s19  }
0x8c: {  	v6 =	vld [tilespmem:s30+$0x3F00]  }
0x8d: {  	v63 =	vld [tilespmem:s31+$0xFFFFFFE0];
	(v2sf) =	vpush v9, $0x0;
	[tilespmem:s29+$0x10600] =	vst v1  }
0x8e: {  	v1 =	vld [tilespmem:s0+$0x3E10];
	(v2sf) =	vpush v4, $0x0  }
0x8f: {  	v11 =	vld [tilespmem:s26+$0xFFFFFFB0];
	v2 =	vadd.f32 v2, v5;
	[tilespmem:s29+$0x10790] =	vst v3  }
0x90: {  	s1 =	sor.u32 $0x60, s20;
	v3 =	vld [tilespmem:s14+$0x3FA0]  }
0x91: {  	v5 =	vadd.f32 v7, v6;
	[tilespmem:s29+$0x10680] =	vst v2;
	v2 =	vld [tilespmem:s1+$0x0];
	(v2sf) =	vpush v10, $0x0  }
0x92: {  	v6 =	vld [tilespmem:s3+$0x3E90]  }
0x93: {  	[tilespmem:s29+$0x10700] =	vst v5;
	v4 =	vld [tilespmem:s26+$0xFFFFFFF0]  }
0x94: {  	v5 =	vld [tilespmem:s30+$0x3F10];
	v1 =	vadd.f32 v11, v1  }
0x95: {  	v7 =	vld [tilespmem:s26+$0x30]  }
0x96: {  	v14 =	vld [tilespmem:s31+$0x20];
	[tilespmem:s29+$0x10610] =	vst v1;
	v1 =	vadd.f32 v2, v3  }
0x97: {  	v2 =	vld [tilespmem:s0+$0x3E20]  }
0x98: {  	v3 =	vld [tilespmem:s26+$0xFFFFFFC0];
	v4 =	vadd.f32 v4, v6;
	[tilespmem:s29+$0x107A0] =	vst v1  }
0x99: {  	s2 =	sor.u32 $0x70, s20;
	v1 =	vld [tilespmem:s14+$0x3FB0]  }
0x9a: {  	s17 =	spop (v2sf);
	[tilespmem:s29+$0x10690] =	vst v4;
	v4 =	vadd.f32 v7, v5;
	v5 =	vld [tilespmem:s2+$0x0]  }
0x9b: {  	s2 =	sand.u32 $0x1, s17;
	v6 =	vld [tilespmem:s3+$0x3EA0]  }
0x9c: {  	s18 =	spop (v2sf);
	v7 =	vld [tilespmem:s26+$0x0];
	s2 =	sshll.u32 s2, $0x6;
	[tilespmem:s29+$0x10710] =	vst v4  }
0x9d: {  	v2 =	vadd.f32 v3, v2;
	s16 =	sadd.s32 $0x200, s2;
	v3 =	vld [tilespmem:s30+$0x3F20];
	s19 =	spop (v2sf)  }
0x9e: {  	v61 =	vld [tilespmem:s16+$0x3F80];
	s2 =	sand.u32 $0x1, s19  }
0x9f: {  	v4 =	vld [tilespmem:s26+$0x40];
	[tilespmem:s29+$0x10620] =	vst v2;
	s17 =	sshll.u32 s2, $0x6  }
0xa0: {  	v2 =	vld [tilespmem:s0+$0x3E30];
	s0 =	sand.u32 $0x1, s18;
	s20 =	spop (v2sf);
	s14 =	sadd.s32 $0x200, s17  }
0xa1: {  	s0 =	sshll.u32 s0, $0x6;
	s22 =	sand.u32 $0x1, s20;
	v13 =	vld [tilespmem:s14+$0x3E00]  }
0xa2: {  	v8 =	vld [tilespmem:s26+$0xFFFFFFD0];
	v6 =	vadd.f32 v7, v6;
	s2 =	sadd.s32 $0x200, s0;
	s0 =	sshll.u32 s22, $0x6  }
0xa3: {  	v9 =	vadd.f32 v60, v61;
	v12 =	vld [tilespmem:s2+$0x3E80];
	s19 =	sadd.s32 $0x200, s0  }
0xa4: {  	v5 =	vadd.f32 v5, v1;
	[tilespmem:s29+$0x106A0] =	vst v6;
	s0 =	simm.s32 $0x200;
	v7 =	vld [tilespmem:s19+$0x3F00]  }
0xa5: {  	v3 =	vadd.f32 v4, v3;
	v1 =	vld [tilespmem:s3+$0x3EB0];
	s3 =	simm.s32 $0x1C0;
	[tilespmem:s0+$0x10780] =	vst v9  }
0xa6: {  	[tilespmem:s29+$0x107B0] =	vst v5;
	s23 =	sor.u32 $0x50, s3;
	v4 =	vld [tilespmem:s16+$0x3F90];
	v6 =	vadd.f32 v62, v13  }
0xa7: {  	[tilespmem:s29+$0x10720] =	vst v3;
	v3 =	vadd.f32 v8, v2;
	v5 =	vld [tilespmem:s23+$0x0]  }
0xa8: {  	v2 =	vld [tilespmem:s26+$0x10];
	[tilespmem:s0+$0x10600] =	vst v6;
	v6 =	vadd.f32 v63, v12  }
0xa9: {  	s18 =	simm.s32 $0x800;
	s20 =	simm.s32 $0x340A;
	s17 =	simm.s32 $0x4;
	[tilespmem:s29+$0x10630] =	vst v3;
	v7 =	vadd.f32 v14, v7;
	v3 =	vld [tilespmem:s14+$0x3E10]  }
.LBB2_3:
0xaa: {  	v8 =	vld [tilespmem:s20+$0x1];
	[tilespmem:s0+$0x10680] =	vst v6  }
0xab: {  	v6 =	vld [tilespmem:s20+$0xFFFFFFFF];
	[tilespmem:s0+$0x10700] =	vst v7  }
0xac: {  	v7 =	vld [tilespmem:s20+$0x0];
	v4 =	vadd.f32 v5, v4  }
0xad: {  	s17 =	sadd.s32 $0x4, s17;
	v5 =	vld [tilespmem:s20+$0xFFFFFFFE];
	v1 =	vadd.f32 v2, v1  }
0xae: {  	p0 =	slt.u32 s17, $0xC4;
	v2 =	vld [tilespmem:s31+$0xFFFFFFB0];
	[tilespmem:s0+$0x10790] =	vst v4  }
0xaf: {  	s22 =	sor.u32 $0x60, s3;
	(v2sf) =	vpush v8, $0x0;
	v4 =	vld [tilespmem:s16+$0x3FA0];
	[tilespmem:s29+$0x106B0] =	vst v1  }
0xb0: {  	(v2sf) =	vpush v6, $0x0;
	v1 =	vld [tilespmem:s22+$0x0]  }
0xb1: {  	v6 =	vld [tilespmem:s2+$0x3E90]  }
0xb2: {  	(v2sf) =	vpush v5, $0x0;
	v5 =	vld [tilespmem:s31+$0xFFFFFFF0]  }
0xb3: {  	(v2sf) =	vpush v7, $0x0;
	v2 =	vadd.f32 v2, v3;
	v3 =	vld [tilespmem:s19+$0x3F10]  }
0xb4: {  	v7 =	vld [tilespmem:s31+$0x30]  }
0xb5: {  	[tilespmem:s0+$0x10610] =	vst v2;
	v1 =	vadd.f32 v1, v4;
	v2 =	vld [tilespmem:s30+$0x3F30];
	s30 =	smov.u32 s19  }
0xb6: {  	v4 =	vld [tilespmem:s14+$0x3E20]  }
0xb7: {  	v8 =	vld [tilespmem:s31+$0xFFFFFFC0];
	v5 =	vadd.f32 v5, v6;
	[tilespmem:s0+$0x107A0] =	vst v1  }
0xb8: {  	v1 =	vld [tilespmem:s16+$0x3FB0];
	s16 =	sor.u32 $0x70, s3  }
0xb9: {  	[tilespmem:s0+$0x10690] =	vst v5;
	v3 =	vadd.f32 v7, v3;
	v5 =	vld [tilespmem:s16+$0x0]  }
0xba: {  	v6 =	vld [tilespmem:s2+$0x3EA0]  }
0xbb: {  	v7 =	vld [tilespmem:s31+$0x0];
	[tilespmem:s0+$0x10710] =	vst v3  }
0xbc: {  	v3 =	vadd.f32 v8, v4;
	v4 =	vld [tilespmem:s30+$0x3F20]  }
0xbd: {  	v8 =	vld [tilespmem:s31+$0x40]  }
0xbe: {  	s16 =	spop (v2sf);
	[tilespmem:s0+$0x10620] =	vst v3;
	v1 =	vadd.f32 v5, v1;
	v3 =	vld [tilespmem:s26+$0x50];
	s26 =	smov.u32 s31  }
0xbf: {  	s18 =	sadd.s32 $0x800, s18;
	s16 =	sand.u32 $0x1, s16;
	s19 =	spop (v2sf);
	v5 =	vld [tilespmem:s14+$0x3E30]  }
0xc0: {  	s22 =	sshra.s32 s18, $0x2;
	s31 =	sadd.s32 $0x100, s31;
	s14 =	sshll.u32 s16, $0x6;
	v9 =	vld [tilespmem:s26+$0xFFFFFFD0];
	v6 =	vadd.f32 v7, v6;
	[tilespmem:s0+$0x107B0] =	vst v1  }
0xc1: {  	s19 =	sand.u32 $0x1, s19;
	s16 =	sadd.s32 s22, s14;
	v1 =	vld [tilespmem:s31+$0x60];
	s14 =	spop (v2sf)  }
0xc2: {  	s19 =	sshll.u32 s19, $0x6;
	s14 =	sand.u32 $0x1, s14;
	v7 =	vld [tilespmem:s16+$0x3F80];
	s23 =	spop (v2sf);
	[tilespmem:s0+$0x106A0] =	vst v6;
	v4 =	vadd.f32 v8, v4  }
0xc3: {  	s1 =	sadd.s32 s22, s19;
	s14 =	sshll.u32 s14, $0x6;
	v6 =	vld [tilespmem:s31+$0xFFFFFFA0];
	s19 =	sand.u32 $0x1, s23;
	v2 =	vadd.f32 v3, v2  }
0xc4: {  	s14 =	sadd.s32 s22, s14;
	v3 =	vld [tilespmem:s1+$0x3E80];
	s19 =	sshll.u32 s19, $0x6;
	[tilespmem:s0+$0x10720] =	vst v4  }
0xc5: {  	v4 =	vld [tilespmem:s14+$0x3E00];
	s19 =	sadd.s32 s22, s19;
	v5 =	vadd.f32 v9, v5;
	[tilespmem:s29+$0x10730] =	vst v2;
	s29 =	smov.u32 s0;
	s0 =	smov.u32 s22  }
0xc6: {  	v8 =	vld [tilespmem:s19+$0x3F00]  }
0xc7: {  	v2 =	vld [tilespmem:s31+$0xFFFFFFE0];
	v1 =	vadd.f32 v1, v7;
	[tilespmem:s29+$0x10630] =	vst v5  }
0xc8: {  	v7 =	vld [tilespmem:s31+$0x20]  }
.Ltmp0:
0xc9: {  	s3 =	sadd.s32 $0x100, s3;
	[tilespmem:s0+$0x10780] =	vst v1;
	v1 =	vld [tilespmem:s2+$0x3EB0];
	s2 =	smov.u32 s1;
	(pc) =	sbr.rel @p0 .LBB2_3-.Ltmp0, $4  }
0xca: {  	s1 =	sor.u32 $0x50, s3;
	v6 =	vadd.f32 v6, v4;
	v4 =	vld [tilespmem:s16+$0x3F90]  }
0xcb: {  	v5 =	vld [tilespmem:s1+$0x0]  }
0xcc: {  	[tilespmem:s0+$0x10600] =	vst v6;
	v6 =	vadd.f32 v2, v3;
	v2 =	vld [tilespmem:s26+$0x10]  }
0xcd: {  	s20 =	sadd.s32 $0x4, s20;
	v3 =	vld [tilespmem:s14+$0x3E10];
	v7 =	vadd.f32 v7, v8  }
0xce: {  	[tilespmem:s0+$0x10680] =	vst v6;
	v6 =	vld [tilespmem:s31+$0xFFFFFFB0]  }
0xcf: {  	v8 =	vld [tilespmem:s2+$0x3E90]  }
0xd0: {  	[tilespmem:s0+$0x10700] =	vst v7;
	v4 =	vadd.f32 v5, v4;
	v5 =	vld [tilespmem:s31+$0xFFFFFFF0]  }
0xd1: {  	v7 =	vld [tilespmem:s19+$0x3F10]  }
0xd2: {  	[tilespmem:s0+$0x10790] =	vst v4;
	v4 =	vld [tilespmem:s31+$0x30]  }
0xd3: {  	s1 =	sor.u32 $0x60, s3;
	v9 =	vld [tilespmem:s16+$0x3FA0];
	v3 =	vadd.f32 v6, v3  }
0xd4: {  	v6 =	vld [tilespmem:s1+$0x0]  }
0xd5: {  	[tilespmem:s0+$0x10610] =	vst v3;
	v3 =	vld [tilespmem:s30+$0x3F30];
	v5 =	vadd.f32 v5, v8  }
0xd6: {  	v8 =	vld [tilespmem:s14+$0x3E20]  }
0xd7: {  	v10 =	vld [tilespmem:s31+$0xFFFFFFC0];
	[tilespmem:s0+$0x10690] =	vst v5;
	v4 =	vadd.f32 v4, v7  }
0xd8: {  	v5 =	vld [tilespmem:s2+$0x3EA0]  }
0xd9: {  	v6 =	vadd.f32 v6, v9;
	v7 =	vld [tilespmem:s31+$0x0];
	[tilespmem:s0+$0x10710] =	vst v4  }
0xda: {  	v4 =	vld [tilespmem:s19+$0x3F20]  }
0xdb: {  	[tilespmem:s0+$0x107A0] =	vst v6;
	v6 =	vld [tilespmem:s31+$0x40]  }
0xdc: {  	s18 =	sor.u32 $0x70, s3;
	v55 =	vld [tilespmem:s16+$0x3FB0];
	v8 =	vadd.f32 v10, v8  }
0xdd: {  	v56 =	vld [tilespmem:s18+$0x0]  }
0xde: {  	[tilespmem:s0+$0x10620] =	vst v8;
	v8 =	vld [tilespmem:s26+$0x50];
	v5 =	vadd.f32 v7, v5  }
0xdf: {  	v7 =	vld [tilespmem:s14+$0x3E30]  }
0xe0: {  	v11 =	vld [tilespmem:s31+$0xFFFFFFD0];
	[tilespmem:s0+$0x106A0] =	vst v5;
	v4 =	vadd.f32 v6, v4  }
0xe1: {  	v5 =	vld [tilespmem:s2+$0x3EB0]  }
0xe2: {  	[tilespmem:s0+$0x10720] =	vst v4;
	v4 =	vld [tilespmem:s31+$0x10]  }
0xe3: {  	v6 =	vld [tilespmem:s19+$0x3F30]  }
0xe4: {  	v1 =	vadd.f32 v2, v1;
	v2 =	vld [tilespmem:s31+$0x50]  }
0xe5: {  	v9 =	vadd.f32 v56, v55  }
0xe6: {  	[tilespmem:s29+$0x106B0] =	vst v1;
	v1 =	vadd.f32 v8, v3  }
0xe7: {  	[tilespmem:s0+$0x107B0] =	vst v9;
	v3 =	vadd.f32 v11, v7  }
0xe8: {  	[tilespmem:s29+$0x10730] =	vst v1;
	v1 =	vadd.f32 v4, v5  }
0xe9: {  	[tilespmem:s0+$0x10630] =	vst v3;
	v2 =	vadd.f32 v2, v6  }
0xea: {  	[tilespmem:s0+$0x106B0] =	vst v1  }
0xeb: {  	[tilespmem:s0+$0x10730] =	vst v2  }
0xec: {  	v1 =	vld [tilespmem:$0x3400]  }
0xed: {  	v2 =	vld [tilespmem:$0x3410]  }
0xee: {  	v4 =	vld [tilespmem:$0x3430]  }
0xef: {  	v3 =	vld [tilespmem:$0x3420]  }
0xf0: {  	v5 =	vld [tilespmem:$0x3440]  }
0xf1: {  	vm0 =	veq.s32 v1, $0x0;
	v1 =	vld [tilespmem:$0x3450]  }
0xf2: {  	vm4 =	veq.s32 v2, $0x0;
	v2 =	vld [tilespmem:$0x3460]  }
0xf3: {  	vm6 =	veq.s32 v4, $0x0;
	v4 =	vld [tilespmem:$0x3480];
	v6 =	vsel vm0, $0x1, v0  }
0xf4: {  	vm5 =	veq.s32 v3, $0x0;
	v3 =	vld [tilespmem:$0x3470];
	[tilespmem:$0x1CE00] =	vst v6;
	v6 =	vsel vm4, $0x1, v0  }
0xf5: {  	vm7 =	veq.s32 v5, $0x0;
	v5 =	vld [tilespmem:$0x3490];
	[tilespmem:$0x1CE10] =	vst v6;
	v6 =	vsel vm5, $0x1, v0  }
0xf6: {  	[tilespmem:$0x1CE20] =	vst v6;
	v6 =	vsel vm6, $0x1, v0  }
0xf7: {  	[tilespmem:$0x1CE30] =	vst v6;
	v6 =	vsel vm7, $0x1, v0;
	vm8 =	veq.s32 v1, $0x0;
	v1 =	vld [tilespmem:$0x34A0]  }
0xf8: {  	vm9 =	veq.s32 v2, $0x0;
	v2 =	vld [tilespmem:$0x34B0];
	vm11 =	veq.s32 v4, $0x0;
	[tilespmem:$0x1CE40] =	vst v6;
	v6 =	vsel vm8, $0x1, v0  }
0xf9: {  	vm10 =	veq.s32 v3, $0x0;
	v3 =	vld [tilespmem:$0x34B8];
	v4 =	vsel vm11, $0x1, v0;
	[tilespmem:$0x1CE50] =	vst v6  }
0xfa: {  	vm12 =	veq.s32 v5, $0x0;
	v6 =	vsel vm9, $0x1, v0;
	[tilespmem:$0x1CE80] =	vst v4  }
0xfb: {  	v4 =	vsel vm12, $0x1, v0;
	[tilespmem:$0x1CE60] =	vst v6  }
0xfc: {  	v6 =	vsel vm10, $0x1, v0;
	[tilespmem:$0x1CE90] =	vst v4;
	vm13 =	veq.s32 v1, $0x0  }
0xfd: {  	[tilespmem:$0x1CE70] =	vst v6;
	vm14 =	veq.s32 v2, $0x0;
	v1 =	vsel vm13, $0x1, v0  }
0xfe: {  	s20 =	sadd.s32 s10, s24;
	vm15 =	veq.s32 v3, $0x0;
	[tilespmem:$0x1CEA0] =	vst v1;
	v1 =	vsel vm14, $0x1, v0  }
0xff: {  	s22 =	sshrl.u32 s20, $0x3;
	[tilespmem:$0x1CEB0] =	vst v1;
	v1 =	vsel vm15, $0x1, v0  }
0x100: {  	s23 =	simm.s32 $0x1CE00;
	s1 =	sadd.s32 s8, s22;
	s0 =	sshll.u32 s20, $0x4;
	[tilespmem:$0x1CEB8] =	vst v1  }
0x101: {  	[hbm4b:s1+s4] =	stream.linear.scatter [tilespmem:s23], [sflag:$0x5], $0xC8, $0x38;
	[tilespmem:$0x1D000] =	vst v63  }
0x102: {  	p0 =	seq.s32 s25, $0x3F;
	s26 =	simm.s32 $0x10600;
	s0 =	sadd.s32 s7, s0  }
0x103: {  	[hbm4b:s0+s4] =	stream.linear.scatter [tilespmem:s26], [sflag:$0x3], $0x6400, $0x38;
	[tilespmem:$0x1D000] =	vst v63  }
0x104: {  	s0 =	sadd.s32 @!p0 s24, s11  }
0x105: {  	s0 =	sshrl.u32 @!p0 s0, $0x3  }
0x106: {  	s2 =	simm.s32 @!p0 $0x3400;
	s1 =	simm.s32 @!p0 $0x0;
	s0 =	sadd.s32 @!p0 s5, s0  }
0x107: {  	[tilespmem:s2], [sflag:$0x7] =	stream.linear.gather @!p0 [hbm4b:s0+s1], $0xC8, $0x38;
	[tilespmem:$0x1D000] =	vst v63  }
0x108: {  	s0 =	simm.s32 @!p0 $0x7  }
0x109: {  	_ =	swait.ge @!p0 [sflag:s0], $0xC8  }
0x10a: {  	[sflag:s0] =	ssyncset.done @!p0 $0x0  }
0x10b: {  	[sflag:s0] =	ssyncadd.s32 @!p0 $0xFFFFFF38  }
0x10c: {  	v1 =	vld @!p0 [tilespmem:$0x3400]  }
0x10d: {  	v2 =	vld @!p0 [tilespmem:$0x3410]  }
0x10e: {  	v3 =	vld @!p0 [tilespmem:$0x3418]  }
0x10f: {  	v4 =	vld @!p0 [tilespmem:$0x3428]  }
0x110: {  	v5 =	vld @!p0 [tilespmem:$0x3438]  }
0x111: {  	v6 =	vld @!p0 [tilespmem:$0x3440];
	v1 =	vshrl.u32 @!p0 v1, $0x1  }
0x112: {  	[tilespmem:$0x3600] =	vst @!p0 v1;
	v1 =	vshrl.u32 @!p0 v2, $0x1;
	v2 =	vld @!p0 [tilespmem:$0x3450]  }
0x113: {  	[tilespmem:$0x3610] =	vst @!p0 v1;
	v1 =	vshrl.u32 @!p0 v3, $0x1;
	v3 =	vld @!p0 [tilespmem:$0x3460]  }
0x114: {  	[tilespmem:$0x3618] =	vst @!p0 v1;
	v1 =	vshrl.u32 @!p0 v4, $0x1;
	v4 =	vld @!p0 [tilespmem:$0x3468]  }
0x115: {  	[tilespmem:$0x3680] =	vst @!p0 v1;
	v1 =	vshrl.u32 @!p0 v5, $0x1;
	v5 =	vld @!p0 [tilespmem:$0x3478]  }
0x116: {  	[tilespmem:$0x3690] =	vst @!p0 v1;
	v1 =	vshrl.u32 @!p0 v6, $0x1;
	v6 =	vld @!p0 [tilespmem:$0x3488]  }
0x117: {  	[tilespmem:$0x3698] =	vst @!p0 v1;
	v1 =	vshrl.u32 @!p0 v2, $0x1;
	v2 =	vld @!p0 [tilespmem:$0x3490]  }
0x118: {  	[tilespmem:$0x3700] =	vst @!p0 v1;
	v1 =	vshrl.u32 @!p0 v3, $0x1;
	v3 =	vld @!p0 [tilespmem:$0x34A0]  }
0x119: {  	[tilespmem:$0x3710] =	vst @!p0 v1;
	v1 =	vshrl.u32 @!p0 v4, $0x1;
	v4 =	vld @!p0 [tilespmem:$0x34B0]  }
0x11a: {  	[tilespmem:$0x3718] =	vst @!p0 v1;
	v1 =	vshrl.u32 @!p0 v5, $0x1;
	v5 =	vld @!p0 [tilespmem:$0x34B8]  }
0x11b: {  	[tilespmem:$0x3780] =	vst @!p0 v1;
	v1 =	vshrl.u32 @!p0 v6, $0x1  }
0x11c: {  	[tilespmem:$0x3790] =	vst @!p0 v1;
	v1 =	vshrl.u32 @!p0 v2, $0x1  }
0x11d: {  	[tilespmem:$0x3798] =	vst @!p0 v1;
	v1 =	vshrl.u32 @!p0 v3, $0x1  }
0x11e: {  	[tilespmem:$0x3800] =	vst @!p0 v1;
	v1 =	vshrl.u32 @!p0 v4, $0x1  }
0x11f: {  	[tilespmem:$0x3810] =	vst @!p0 v1;
	v1 =	vshrl.u32 @!p0 v5, $0x1  }
0x120: {  	[tilespmem:$0x3818] =	vst @!p0 v1  }
0x121: {  	_ =	swait.ge [sflag:s21], $0x1400  }
0x122: {  	[sflag:s21] =	ssyncset.done $0x0  }
0x123: {  	[sflag:s21] =	ssyncadd.s32 $0xFFFFEC00  }
0x124: {  	_ =	swait.ge [sflag:s21], $0x1400  }
0x125: {  	[sflag:s21] =	ssyncset.done $0x0  }
0x126: {  	[sflag:s21] =	ssyncadd.s32 $0xFFFFEC00  }
0x127: {  	_ =	swait.ge [sflag:s21], $0x1400  }
0x128: {  	[sflag:s21] =	ssyncset.done $0x0  }
0x129: {  	[sflag:s21] =	ssyncadd.s32 $0xFFFFEC00  }
0x12a: {  	_ =	swait.ge [sflag:s21], $0x1400  }
0x12b: {  	[sflag:s21] =	ssyncset.done $0x0  }
0x12c: {  	[sflag:s21] =	ssyncadd.s32 $0xFFFFEC00  }
0x12d: {  	_ =	swait.ge [sflag:s21], $0x1400  }
0x12e: {  	[sflag:s21] =	ssyncset.done $0x0  }
0x12f: {  	s0 =	simm.s32 @!p0 $0x3;
	[sflag:s21] =	ssyncadd.s32 $0xFFFFEC00  }
0x130: {  	_ =	swait.ge @!p0 [sflag:s0], $0x6400  }
0x131: {  	[sflag:s0] =	ssyncset.done @!p0 $0x0  }
0x132: {  	[sflag:s0] =	ssyncadd.s32 @!p0 $0xFFFF9C00;
	s0 =	simm.s32 @!p0 $0x5  }
0x133: {  	_ =	swait.ge @!p0 [sflag:s0], $0xC8  }
0x134: {  	s1 =	simm.s32 @!p0 $0x3600;
	[sflag:s0] =	ssyncset.done @!p0 $0x0  }
0x135: {  	s2 =	simm.s32 @!p0 $0x3E00;
	[sflag:s0] =	ssyncadd.s32 @!p0 $0xFFFFFF38;
	s0 =	simm.s32 @!p0 $0x28  }
0x136: {  	[tilespmem:s2], [sflag:$0x1] =	stream.indirect.gather @!p0 [hbm4b:s6+s0], $0x80, s1, s0, $0xb8;
	[tilespmem:$0x1D000] =	vst v63  }
0x137: {  	s1 =	simm.s32 @!p0 $0x3680;
	s2 =	simm.s32 @!p0 $0x5200  }
0x138: {  	[tilespmem:s2], [sflag:$0x1] =	stream.indirect.gather @!p0 [hbm4b:s6+s0], $0x80, s1, s0, $0xb8;
	[tilespmem:$0x1D000] =	vst v63  }
0x139: {  	s1 =	simm.s32 @!p0 $0x3700;
	s2 =	simm.s32 @!p0 $0x6600  }
0x13a: {  	[tilespmem:s2], [sflag:$0x1] =	stream.indirect.gather @!p0 [hbm4b:s6+s0], $0x80, s1, s0, $0xb8;
	[tilespmem:$0x1D000] =	vst v63  }
0x13b: {  	s1 =	simm.s32 @!p0 $0x3780;
	s2 =	simm.s32 @!p0 $0x7A00  }
0x13c: {  	[tilespmem:s2], [sflag:$0x1] =	stream.indirect.gather @!p0 [hbm4b:s6+s0], $0x80, s1, s0, $0xb8;
	[tilespmem:$0x1D000] =	vst v63  }
0x13d: {  	s1 =	simm.s32 @!p0 $0x3800;
	s2 =	simm.s32 @!p0 $0x8E00  }
0x13e: {  	[tilespmem:s2], [sflag:$0x1] =	stream.indirect.gather @!p0 [hbm4b:s6+s0], $0x80, s1, s0, $0xb8;
	[tilespmem:$0x1D000] =	vst v63  }
0x13f: {  	s1 =	simm.s32 $0x3502  }
0x140: {  	v1 =	vld [tilespmem:s1+$0x1];
	_ =	sdelay $0x1  }
0x141: {  	v2 =	vld [tilespmem:s1+$0xFFFFFFFF]  }
0x142: {  	v3 =	vld [tilespmem:s1+$0xFFFFFFFE];
	_ =	sdelay $0x1  }
0x143: {  	(v2sf) =	vpush v1, $0x0;
	_ =	sdelay $0x1  }
0x144: {  	(v2sf) =	vpush v2, $0x0  }
0x145: {  	(v2sf) =	vpush v3, $0x0;
	_ =	sdelay $0x8  }
0x146: {  	v4 =	vld [tilespmem:s1+$0x0];
	_ =	sdelay $0x2  }
0x147: {  	s2 =	spop (v2sf)  }
0x148: {  	s0 =	sand.u32 $0x1, s2  }
0x149: {  	s24 =	simm.s32 $0x60;
	(v2sf) =	vpush v4, $0x0;
	s3 =	spop (v2sf);
	s0 =	sshll.u32 s0, $0x6  }
0x14a: {  	s23 =	smov.u32 s5;
	v1 =	vld [tilespmem:s24+$0x60];
	s5 =	spop (v2sf);
	s14 =	sadd.s32 $0x0, s0  }
0x14b: {  	s16 =	sand.u32 $0x1, s5;
	v2 =	vld [tilespmem:s14+$0xA380]  }
0x14c: {  	s0 =	sshll.u32 s16, $0x6  }
0x14d: {  	v3 =	vld [tilespmem:s24+$0xFFFFFFA0];
	s0 =	sadd.s32 $0x0, s0  }
0x14e: {  	v4 =	vld [tilespmem:s0+$0xA200];
	_ =	sdelay $0x1  }
0x14f: {  	v1 =	vadd.f32 v1, v2  }
0x150: {  	s22 =	simm.s32 $0x3506;
	s26 =	simm.s32 $0x0;
	v7 =	vld [tilespmem:s24+$0x20]  }
0x151: {  	s19 =	simm.s32 $0xC0;
	v8 =	vld [tilespmem:s22+$0x1];
	[tilespmem:s26+$0x16B80] =	vst v1  }
0x152: {  	s20 =	sor.u32 $0x50, s19;
	v1 =	vadd.f32 v3, v4;
	v3 =	vld [tilespmem:s14+$0xA390]  }
0x153: {  	v4 =	vld [tilespmem:s20+$0x0]  }
0x154: {  	v57 =	vld [tilespmem:s22+$0xFFFFFFFF];
	s1 =	sand.u32 $0x1, s3  }
0x155: {  	s30 =	simm.s32 $0x160;
	v58 =	vld [tilespmem:s22+$0x0];
	s1 =	sshll.u32 s1, $0x6  }
0x156: {  	v60 =	vld [tilespmem:s30+$0x60];
	s3 =	sadd.s32 $0x0, s1  }
0x157: {  	s17 =	spop (v2sf);
	v5 =	vld [tilespmem:s3+$0xA280]  }
0x158: {  	s2 =	sand.u32 $0x1, s17;
	v3 =	vadd.f32 v4, v3;
	v4 =	vld [tilespmem:s22+$0xFFFFFFFE]  }
0x159: {  	s18 =	sshll.u32 s2, $0x6;
	v2 =	vld [tilespmem:s24+$0xFFFFFFE0]  }
0x15a: {  	v62 =	vld [tilespmem:s30+$0xFFFFFFA0];
	(v2sf) =	vpush v8, $0x0;
	s29 =	sadd.s32 $0x0, s18  }
0x15b: {  	v6 =	vld [tilespmem:s29+$0xA300]  }
0x15c: {  	v63 =	vld [tilespmem:s30+$0xFFFFFFE0];
	(v2sf) =	vpush v57, $0x0;
	[tilespmem:s26+$0x16A00] =	vst v1  }
0x15d: {  	v1 =	vld [tilespmem:s0+$0xA210];
	(v2sf) =	vpush v4, $0x0  }
0x15e: {  	v59 =	vld [tilespmem:s24+$0xFFFFFFB0];
	v2 =	vadd.f32 v2, v5;
	[tilespmem:s26+$0x16B90] =	vst v3  }
0x15f: {  	s5 =	sor.u32 $0x60, s19;
	v3 =	vld [tilespmem:s14+$0xA3A0]  }
0x160: {  	v5 =	vadd.f32 v7, v6;
	[tilespmem:s26+$0x16A80] =	vst v2;
	v2 =	vld [tilespmem:s5+$0x0];
	(v2sf) =	vpush v58, $0x0  }
0x161: {  	v6 =	vld [tilespmem:s3+$0xA290]  }
0x162: {  	[tilespmem:s26+$0x16B00] =	vst v5;
	v4 =	vld [tilespmem:s24+$0xFFFFFFF0]  }
0x163: {  	v5 =	vld [tilespmem:s29+$0xA310];
	v1 =	vadd.f32 v59, v1  }
0x164: {  	v7 =	vld [tilespmem:s24+$0x30]  }
0x165: {  	v14 =	vld [tilespmem:s30+$0x20];
	[tilespmem:s26+$0x16A10] =	vst v1;
	v1 =	vadd.f32 v2, v3  }
0x166: {  	v2 =	vld [tilespmem:s0+$0xA220]  }
0x167: {  	v3 =	vld [tilespmem:s24+$0xFFFFFFC0];
	v4 =	vadd.f32 v4, v6;
	[tilespmem:s26+$0x16BA0] =	vst v1  }
0x168: {  	s1 =	sor.u32 $0x70, s19;
	v1 =	vld [tilespmem:s14+$0xA3B0]  }
0x169: {  	s16 =	spop (v2sf);
	[tilespmem:s26+$0x16A90] =	vst v4;
	v4 =	vadd.f32 v7, v5;
	v5 =	vld [tilespmem:s1+$0x0]  }
0x16a: {  	s1 =	sand.u32 $0x1, s16;
	v6 =	vld [tilespmem:s3+$0xA2A0]  }
0x16b: {  	s17 =	spop (v2sf);
	v7 =	vld [tilespmem:s24+$0x0];
	s1 =	sshll.u32 s1, $0x6;
	[tilespmem:s26+$0x16B10] =	vst v4  }
0x16c: {  	v2 =	vadd.f32 v3, v2;
	s16 =	sadd.s32 $0x200, s1;
	v3 =	vld [tilespmem:s29+$0xA320];
	s18 =	spop (v2sf)  }
0x16d: {  	v61 =	vld [tilespmem:s16+$0xA380];
	s1 =	sand.u32 $0x1, s18  }
0x16e: {  	v4 =	vld [tilespmem:s24+$0x40];
	[tilespmem:s26+$0x16A20] =	vst v2;
	s1 =	sshll.u32 s1, $0x6  }
0x16f: {  	v2 =	vld [tilespmem:s0+$0xA230];
	s0 =	sand.u32 $0x1, s17;
	s19 =	spop (v2sf);
	s14 =	sadd.s32 $0x200, s1  }
0x170: {  	s0 =	sshll.u32 s0, $0x6;
	s20 =	sand.u32 $0x1, s19;
	v13 =	vld [tilespmem:s14+$0xA200]  }
0x171: {  	v8 =	vld [tilespmem:s24+$0xFFFFFFD0];
	s2 =	sadd.s32 $0x200, s0;
	v6 =	vadd.f32 v7, v6;
	s0 =	sshll.u32 s20, $0x6  }
0x172: {  	v12 =	vld [tilespmem:s2+$0xA280];
	v9 =	vadd.f32 v60, v61;
	s18 =	sadd.s32 $0x200, s0  }
0x173: {  	v5 =	vadd.f32 v5, v1;
	[tilespmem:s26+$0x16AA0] =	vst v6;
	s0 =	simm.s32 $0x200;
	v7 =	vld [tilespmem:s18+$0xA300]  }
0x174: {  	v3 =	vadd.f32 v4, v3;
	v1 =	vld [tilespmem:s3+$0xA2B0];
	s3 =	simm.s32 $0x1C0;
	[tilespmem:s0+$0x16B80] =	vst v9  }
0x175: {  	[tilespmem:s26+$0x16BB0] =	vst v5;
	s22 =	sor.u32 $0x50, s3;
	v4 =	vld [tilespmem:s16+$0xA390];
	v6 =	vadd.f32 v62, v13  }
0x176: {  	[tilespmem:s26+$0x16B20] =	vst v3;
	v3 =	vadd.f32 v8, v2;
	v5 =	vld [tilespmem:s22+$0x0]  }
0x177: {  	v2 =	vld [tilespmem:s24+$0x10];
	[tilespmem:s0+$0x16A00] =	vst v6;
	v6 =	vadd.f32 v63, v12  }
0x178: {  	s31 =	simm.s32 $0x4;
	s17 =	simm.s32 $0x800;
	s19 =	simm.s32 $0x350A;
	[tilespmem:s26+$0x16A30] =	vst v3;
	v7 =	vadd.f32 v14, v7;
	v3 =	vld [tilespmem:s14+$0xA210]  }
.LBB2_5:
0x179: {  	v8 =	vld [tilespmem:s19+$0x1];
	[tilespmem:s0+$0x16A80] =	vst v6  }
0x17a: {  	v6 =	vld [tilespmem:s19+$0xFFFFFFFF];
	[tilespmem:s0+$0x16B00] =	vst v7  }
0x17b: {  	v7 =	vld [tilespmem:s19+$0x0];
	v4 =	vadd.f32 v5, v4  }
0x17c: {  	s31 =	sadd.s32 $0x4, s31;
	v5 =	vld [tilespmem:s19+$0xFFFFFFFE];
	v1 =	vadd.f32 v2, v1  }
0x17d: {  	p0 =	slt.u32 s31, $0xC4;
	v2 =	vld [tilespmem:s30+$0xFFFFFFB0];
	[tilespmem:s0+$0x16B90] =	vst v4  }
0x17e: {  	s1 =	sor.u32 $0x60, s3;
	(v2sf) =	vpush v8, $0x0;
	v4 =	vld [tilespmem:s16+$0xA3A0];
	[tilespmem:s26+$0x16AB0] =	vst v1  }
0x17f: {  	(v2sf) =	vpush v6, $0x0;
	v1 =	vld [tilespmem:s1+$0x0]  }
0x180: {  	v6 =	vld [tilespmem:s2+$0xA290]  }
0x181: {  	(v2sf) =	vpush v5, $0x0;
	v5 =	vld [tilespmem:s30+$0xFFFFFFF0]  }
0x182: {  	(v2sf) =	vpush v7, $0x0;
	v2 =	vadd.f32 v2, v3;
	v3 =	vld [tilespmem:s18+$0xA310]  }
0x183: {  	v7 =	vld [tilespmem:s30+$0x30]  }
0x184: {  	[tilespmem:s0+$0x16A10] =	vst v2;
	v1 =	vadd.f32 v1, v4;
	v2 =	vld [tilespmem:s29+$0xA330];
	s29 =	smov.u32 s18  }
0x185: {  	v4 =	vld [tilespmem:s14+$0xA220]  }
0x186: {  	v8 =	vld [tilespmem:s30+$0xFFFFFFC0];
	v5 =	vadd.f32 v5, v6;
	[tilespmem:s0+$0x16BA0] =	vst v1  }
0x187: {  	s1 =	sor.u32 $0x70, s3;
	v1 =	vld [tilespmem:s16+$0xA3B0]  }
0x188: {  	[tilespmem:s0+$0x16A90] =	vst v5;
	v3 =	vadd.f32 v7, v3;
	v5 =	vld [tilespmem:s1+$0x0]  }
0x189: {  	v6 =	vld [tilespmem:s2+$0xA2A0]  }
0x18a: {  	v7 =	vld [tilespmem:s30+$0x0];
	[tilespmem:s0+$0x16B10] =	vst v3  }
0x18b: {  	v3 =	vadd.f32 v8, v4;
	v4 =	vld [tilespmem:s29+$0xA320]  }
0x18c: {  	v8 =	vld [tilespmem:s30+$0x40]  }
0x18d: {  	s1 =	spop (v2sf);
	[tilespmem:s0+$0x16A20] =	vst v3;
	v1 =	vadd.f32 v5, v1;
	v3 =	vld [tilespmem:s24+$0x50];
	s24 =	smov.u32 s30  }
0x18e: {  	s17 =	sadd.s32 $0x800, s17;
	s1 =	sand.u32 $0x1, s1;
	s16 =	spop (v2sf);
	v5 =	vld [tilespmem:s14+$0xA230]  }
0x18f: {  	s20 =	sshra.s32 s17, $0x2;
	s30 =	sadd.s32 $0x100, s30;
	s1 =	sshll.u32 s1, $0x6;
	v9 =	vld [tilespmem:s24+$0xFFFFFFD0];
	v6 =	vadd.f32 v7, v6;
	[tilespmem:s0+$0x16BB0] =	vst v1  }
0x190: {  	s14 =	sand.u32 $0x1, s16;
	s16 =	sadd.s32 s20, s1;
	v1 =	vld [tilespmem:s30+$0x60];
	s1 =	spop (v2sf)  }
0x191: {  	s14 =	sshll.u32 s14, $0x6;
	s1 =	sand.u32 $0x1, s1;
	v7 =	vld [tilespmem:s16+$0xA380];
	s18 =	spop (v2sf);
	[tilespmem:s0+$0x16AA0] =	vst v6;
	v4 =	vadd.f32 v8, v4  }
0x192: {  	s22 =	sadd.s32 s20, s14;
	s1 =	sshll.u32 s1, $0x6;
	v6 =	vld [tilespmem:s30+$0xFFFFFFA0];
	s18 =	sand.u32 $0x1, s18;
	v2 =	vadd.f32 v3, v2  }
0x193: {  	s14 =	sadd.s32 s20, s1;
	v3 =	vld [tilespmem:s22+$0xA280];
	s1 =	sshll.u32 s18, $0x6;
	[tilespmem:s0+$0x16B20] =	vst v4  }
0x194: {  	v4 =	vld [tilespmem:s14+$0xA200];
	s18 =	sadd.s32 s20, s1;
	v5 =	vadd.f32 v9, v5;
	[tilespmem:s26+$0x16B30] =	vst v2;
	s26 =	smov.u32 s0;
	s0 =	smov.u32 s20  }
0x195: {  	v8 =	vld [tilespmem:s18+$0xA300]  }
0x196: {  	v2 =	vld [tilespmem:s30+$0xFFFFFFE0];
	v1 =	vadd.f32 v1, v7;
	[tilespmem:s26+$0x16A30] =	vst v5  }
0x197: {  	v7 =	vld [tilespmem:s30+$0x20]  }
.Ltmp1:
0x198: {  	s3 =	sadd.s32 $0x100, s3;
	[tilespmem:s0+$0x16B80] =	vst v1;
	v1 =	vld [tilespmem:s2+$0xA2B0];
	s2 =	smov.u32 s22;
	(pc) =	sbr.rel @p0 .LBB2_5-.Ltmp1, $4  }
0x199: {  	s1 =	sor.u32 $0x50, s3;
	v6 =	vadd.f32 v6, v4;
	v4 =	vld [tilespmem:s16+$0xA390]  }
0x19a: {  	v5 =	vld [tilespmem:s1+$0x0]  }
0x19b: {  	[tilespmem:s0+$0x16A00] =	vst v6;
	v6 =	vadd.f32 v2, v3;
	v2 =	vld [tilespmem:s24+$0x10]  }
0x19c: {  	s19 =	sadd.s32 $0x4, s19;
	v3 =	vld [tilespmem:s14+$0xA210];
	v7 =	vadd.f32 v7, v8  }
0x19d: {  	[tilespmem:s0+$0x16A80] =	vst v6;
	v38 =	vld [tilespmem:s30+$0xFFFFFFB0]  }
0x19e: {  	v8 =	vld [tilespmem:s2+$0xA290]  }
0x19f: {  	[tilespmem:s0+$0x16B00] =	vst v7;
	v39 =	vld [tilespmem:s30+$0xFFFFFFF0]  }
0x1a0: {  	v4 =	vadd.f32 v5, v4;
	v7 =	vld [tilespmem:s18+$0xA310]  }
0x1a1: {  	v40 =	vld [tilespmem:s30+$0x30]  }
0x1a2: {  	v47 =	vld [tilespmem:s24+$0x50];
	[tilespmem:s0+$0x16B90] =	vst v4;
	v3 =	vadd.f32 v38, v3  }
0x1a3: {  	s1 =	sor.u32 $0x60, s3;
	v9 =	vld [tilespmem:s16+$0xA3A0]  }
0x1a4: {  	v41 =	vld [tilespmem:s1+$0x0];
	v5 =	vadd.f32 v39, v8;
	[tilespmem:s0+$0x16A10] =	vst v3  }
0x1a5: {  	v42 =	vld [tilespmem:s14+$0xA220]  }
0x1a6: {  	v4 =	vadd.f32 v40, v7;
	v10 =	vld [tilespmem:s30+$0xFFFFFFC0];
	[tilespmem:s0+$0x16A90] =	vst v5  }
0x1a7: {  	v5 =	vld [tilespmem:s2+$0xA2A0]  }
0x1a8: {  	v43 =	vld [tilespmem:s30+$0x0];
	[tilespmem:s0+$0x16B10] =	vst v4  }
0x1a9: {  	v6 =	vadd.f32 v41, v9;
	v4 =	vld [tilespmem:s18+$0xA320]  }
0x1aa: {  	v44 =	vld [tilespmem:s30+$0x40]  }
0x1ab: {  	v3 =	vld [tilespmem:s29+$0xA330];
	[tilespmem:s0+$0x16BA0] =	vst v6;
	v8 =	vadd.f32 v10, v42  }
0x1ac: {  	s22 =	sor.u32 $0x70, s3;
	v45 =	vld [tilespmem:s16+$0xA3B0]  }
0x1ad: {  	v46 =	vld [tilespmem:s22+$0x0];
	v5 =	vadd.f32 v43, v5;
	[tilespmem:s0+$0x16A20] =	vst v8  }
0x1ae: {  	v48 =	vld [tilespmem:s14+$0xA230]  }
0x1af: {  	v4 =	vadd.f32 v44, v4;
	v11 =	vld [tilespmem:s30+$0xFFFFFFD0];
	[tilespmem:s0+$0x16AA0] =	vst v5  }
0x1b0: {  	v5 =	vld [tilespmem:s2+$0xA2B0]  }
0x1b1: {  	[tilespmem:s0+$0x16B20] =	vst v4;
	v49 =	vld [tilespmem:s30+$0x10]  }
0x1b2: {  	v1 =	vadd.f32 v2, v1;
	v50 =	vld [tilespmem:s18+$0xA330]  }
0x1b3: {  	v2 =	vld [tilespmem:s30+$0x50]  }
0x1b4: {  	[tilespmem:s26+$0x16AB0] =	vst v1;
	v1 =	vadd.f32 v47, v3  }
0x1b5: {  	v9 =	vadd.f32 v46, v45  }
0x1b6: {  	[tilespmem:s26+$0x16B30] =	vst v1;
	v3 =	vadd.f32 v11, v48  }
0x1b7: {  	[tilespmem:s0+$0x16BB0] =	vst v9;
	v1 =	vadd.f32 v49, v5  }
0x1b8: {  	[tilespmem:s0+$0x16A30] =	vst v3;
	v2 =	vadd.f32 v2, v50  }
0x1b9: {  	[tilespmem:s0+$0x16AB0] =	vst v1  }
0x1ba: {  	[tilespmem:s0+$0x16B30] =	vst v2  }
0x1bb: {  	v1 =	vld [tilespmem:$0x3500]  }
0x1bc: {  	v2 =	vld [tilespmem:$0x3510]  }
0x1bd: {  	v3 =	vld [tilespmem:$0x3520]  }
0x1be: {  	v51 =	vld [tilespmem:$0x3530]  }
0x1bf: {  	v52 =	vld [tilespmem:$0x3540]  }
0x1c0: {  	v56 =	vld [tilespmem:$0x3580]  }
0x1c1: {  	v58 =	vld [tilespmem:$0x3590]  }
0x1c2: {  	vm0 =	veq.s32 v1, $0x0;
	v1 =	vld [tilespmem:$0x3550]  }
0x1c3: {  	vm4 =	veq.s32 v2, $0x0;
	v2 =	vld [tilespmem:$0x3560];
	v53 =	vsel vm0, $0x1, v0  }
0x1c4: {  	vm5 =	veq.s32 v3, $0x0;
	v3 =	vld [tilespmem:$0x3570];
	v54 =	vsel vm4, $0x1, v0;
	[tilespmem:$0x1CF00] =	vst v53  }
0x1c5: {  	vm6 =	veq.s32 v51, $0x0;
	v55 =	vsel vm5, $0x1, v0;
	[tilespmem:$0x1CF10] =	vst v54  }
0x1c6: {  	vm7 =	veq.s32 v52, $0x0;
	v57 =	vsel vm6, $0x1, v0;
	[tilespmem:$0x1CF20] =	vst v55  }
0x1c7: {  	vm11 =	veq.s32 v56, $0x0;
	v59 =	vsel vm7, $0x1, v0;
	[tilespmem:$0x1CF30] =	vst v57;
	vm8 =	veq.s32 v1, $0x0;
	v1 =	vld [tilespmem:$0x35A0]  }
0x1c8: {  	vm12 =	veq.s32 v58, $0x0;
	v4 =	vsel vm11, $0x1, v0;
	[tilespmem:$0x1CF40] =	vst v59;
	vm9 =	veq.s32 v2, $0x0;
	v2 =	vld [tilespmem:$0x35B0]  }
0x1c9: {  	v63 =	vsel vm12, $0x1, v0;
	[tilespmem:$0x1CF80] =	vst v4;
	vm10 =	veq.s32 v3, $0x0;
	v3 =	vld [tilespmem:$0x35B8]  }
0x1ca: {  	[tilespmem:$0x1CF90] =	vst v63;
	v60 =	vsel vm8, $0x1, v0  }
0x1cb: {  	v61 =	vsel vm9, $0x1, v0;
	[tilespmem:$0x1CF50] =	vst v60  }
0x1cc: {  	v62 =	vsel vm10, $0x1, v0;
	[tilespmem:$0x1CF60] =	vst v61;
	vm13 =	veq.s32 v1, $0x0  }
0x1cd: {  	s25 =	sadd.s32 $0x1, s25;
	[tilespmem:$0x1CF70] =	vst v62;
	vm14 =	veq.s32 v2, $0x0;
	v1 =	vsel vm13, $0x1, v0  }
0x1ce: {  	p0 =	sne.s32 s25, $0x40;
	vm15 =	veq.s32 v3, $0x0;
	[tilespmem:$0x1CFA0] =	vst v1;
	v1 =	vsel vm14, $0x1, v0  }
.Ltmp2:
0x1cf: {  	[tilespmem:$0x1CFB0] =	vst v1;
	v1 =	vsel vm15, $0x1, v0;
	(pc) =	sbr.rel @p0 .LBB2_2-.Ltmp2, $4  }
0x1d0: {  	s29 =	simm.s32 $0x1CF00;
	s26 =	sadd.s32 s8, s12;
	s30 =	sshll.u32 s9, $0x4;
	[tilespmem:$0x1CFB8] =	vst v1  }
0x1d1: {  	[hbm4b:s26+s4] =	stream.linear.scatter [tilespmem:s29], [sflag:$0x6], $0xC8, $0x38;
	[tilespmem:$0x1D000] =	vst v63  }
0x1d2: {  	s31 =	simm.s32 $0x16A00;
	s0 =	sadd.s32 s7, s30  }
0x1d3: {  	[hbm4b:s0+s4] =	stream.linear.scatter [tilespmem:s31], [sflag:$0x4], $0x6400, $0x38;
	[tilespmem:$0x1D000] =	vst v63  }
0x1d4: {  	s0 =	simm.s32 $0x3  }
0x1d5: {  	_ =	swait.ge [sflag:s0], $0x6400  }
0x1d6: {  	[sflag:s0] =	ssyncset.done $0x0  }
0x1d7: {  	s29 =	simm.s32 $0x5;
	[sflag:s0] =	ssyncadd.s32 $0xFFFF9C00  }
0x1d8: {  	_ =	swait.ge [sflag:s29], $0xC8  }
0x1d9: {  	[sflag:s29] =	ssyncset.done $0x0  }
0x1da: {  	s30 =	simm.s32 $0x4;
	[sflag:s29] =	ssyncadd.s32 $0xFFFFFF38  }
0x1db: {  	_ =	swait.ge [sflag:s30], $0x6400  }
0x1dc: {  	[sflag:s30] =	ssyncset.done $0x0  }
0x1dd: {  	s1 =	simm.s32 $0x6;
	[sflag:s30] =	ssyncadd.s32 $0xFFFF9C00  }
0x1de: {  	_ =	swait.ge [sflag:s1], $0xC8  }
0x1df: {  	s2 =	rddreg [dreg:$0x7]  }
0x1e0: {  	s31 =	rddreg [dreg:$0x6];
	s2 =	sadd.s32 $0x1, s2  }
0x1e1: {  	p0 =	sne.s32 s2, s31  }
.Ltmp3:
0x1e2: {  	_ = 	snop;
	(pc) =	sbr.rel @p0 .LBB2_1-.Ltmp3, $3  }
0x1e3: {  	_ =	sdelay $0x1  }
0x1e4: {  	[sflag:s1] =	ssyncset.done $0x0  }
0x1e5: {  	[sflag:s1] =	ssyncadd.s32 $0xFFFFFF38  }
0x1e6: {  	_ =	sfence.sel $0x180000  }
0x1e7: {  	[bflag:$0x0] =	sbarrier.arrive $0xFFFF  }
0x1e8: {  	_ =	strace $0x90000047  }
0x1e9: {  	s0 =	stileid.u32;
	[bflag:$0x2] =	sbarrier.arrive $0xFFFF  }
0x1ea: {  	p0 =	sne.s32 s0, $0x0;
	s0 =	rddreg [dreg:$0x3]  }
0x1eb: {  	s0 =	sadd.s32 @!p0 $0x100000, s0  }
0x1ec: {  	[sflag:s0] =	ssyncadd.tile.s32 @!p0 $0x1;
	_ =	shalt  }
.Lfunc_end2:
_tile_overlayer_lowered:
.L_overlay_start_2:
0x1ed: {  	(tag) =	ssettag $0x2  }
0x1ee: {  	s0 =	rddreg [dreg:$0x0];
	s2 =	stileid.u32  }
0x1ef: {  	s1 =	rddreg [dreg:$0x1];
	p0 =	sne.s32 s2, $0x0  }
0x1f0: {  	s3 =	rddreg [dreg:$0x2];
	[bflag:$0x3] =	sbarrier.arrive $0xFFFF;
	s2 =	simm.s32 @!p0 $0x1C07  }
0x1f1: {  	[timem:s3], [sflag:s2] =	dma.local @!p0 [hbm:s0], s1  }
0x1f2: {  	s0 =	simm.s32 @!p0 $0x7  }
0x1f3: {  	_ =	swait.ge @!p0 [sflag:s0], s1  }
0x1f4: {  	s1 =	ssub.s32 @!p0 $0x0, s1;
	[sflag:s0] =	ssyncset.done @!p0 $0x0  }
0x1f5: {  	[sflag:s0] =	ssyncadd.s32 @!p0 s1  }
0x1f6: {  	[bflag:$0x3] =	sbarrier.arrive $0xFFFF  }
0x1f7: {  	_ =	shalt  }

// kernel: sparse-core-data-format-call.cloned.1.call-start
scs
called_computation_lowered:
.L_overlay_start_0:
0x0: {  	s2 =	sld [smem:$0x3FD9]  }
0x1: {  	s3 =	sld [smem:$0x3FFE];
	_ =	sdelay $0x1  }
0x2: {  	s1 =	srdreg.scid  }
0x3: {  	s0 =	sand.u32 $0x1, s1  }
0x4: {  	s15 =	sshll.u32 s0, $0xA;
	s2 =	sadd.s32 s3, s2  }
0x5: {  	s2 =	sadd.s32 s2, s15  }
0x6: {  	[smem:$0x3FC5] =	sst s2  }
0x7: {  	_ = 	snop  }
0x8: {  	s2 =	sld [smem:$0x3FD0];
	_ =	sdelay $0x2  }
0x9: {  	s16 =	simm.s32 $0xA;
	s4 =	simm.s32 $0x10  }
0xa: {  	[smem:s4], [sflag:s16] =	dma.local [hbm:s2], $0x1  }
0xb: {  	_ =	swait.eq [sflag:s16], $0x1  }
0xc: {  	[sflag:s16] =	ssyncset.done $0x0  }
0xd: {  	[sflag:s16] =	ssyncadd.s32 $0xFFFFFFFF  }
0xe: {  	s17 =	sld [smem:$0x10];
	(tm) =	ssettm $0x1  }
0xf: {  	s18 =	sld [smem:$0x3FFB];
	_ =	sdelay $0x3  }
0x10: {  	_ =	strace s18  }
0x11: {  	s3 =	sld [smem:$0x3FFC];
	_ =	sdelay $0x3  }
0x12: {  	_ =	strace s3  }
0x13: {  	s3 =	sld [smem:$0x3FFD];
	_ =	sdelay $0x3  }
0x14: {  	_ =	strace s3  }
0x15: {  	_ =	strace $0x8FFFFFFF  }
0x16: {  	s19 =	sld [smem:$0x3FDB];
	_ =	sdelay $0x1  }
0x17: {  	s20 =	simm.s32 $_scs_section_size  }
0x18: {  	s5 =	simm.s32 $_size__tile_overlayer_lowered;
	s6 =	simm.s32 $_tile_overlayer_lowered  }
0x19: {  	s23 =	simm.s32 $0x1BFF;
	s22 =	sshll.u32 s6, $0x1;
	s3 =	sadd.s32 s20, s19  }
0x1a: {  	s7 =	simm.s32 $0x0;
	s21 =	sshll.u32 s5, $0x1;
	s5 =	sadd.s32 s22, s3  }
0x1b: {  	[timem:s7], [sflag:s23] =	dma.local [hbm:s5], s21  }
0x1c: {  	_ =	swait.ge [sflag:s23], s21  }
0x1d: {  	s4 =	ssub.s32 $0x0, s21;
	[sflag:s23] =	ssyncset.done $0x0  }
0x1e: {  	[sflag:s23] =	ssyncadd.s32 s4;
	_ =	sdelay $0x1  }
0x1f: {  	s24 =	simm.s32 $0x1B8B  }
0x20: {  	_ =	swait.ge [sflag:s24], $0x1  }
0x21: {  	[sflag:s24] =	ssyncset.done $0x0  }
0x22: {  	s26 =	simm.s32 $0x1B8E;
	s25 =	sld [smem:$0x3FFE];
	[sflag:s24] =	ssyncadd.s32 $0xFFFFFFFF  }
0x23: {  	s27 =	simm.s32 $execute0_lowered;
	[smem:$0x3FD2] =	sst s26  }
0x24: {  	s5 =	sshll.u32 s27, $0x1;
	_ =	strace $0x80000049;
	[dreg:$0x1] =	wrdreg $0xFFFFFFFF  }
0x25: {  	s28 =	simm.s32 $_size_execute0_lowered;
	s3 =	sadd.s32 s3, s5;
	[dreg:$0x0] =	wrdreg $0x0  }
0x26: {  	s5 =	sshll.u32 s28, $0x1;
	[dreg:$0x2] =	wrdreg s3  }
0x27: {  	[dreg:$0x3] =	wrdreg s5  }
0x28: {  	[dreg:$0x4] =	wrdreg $0xC0  }
0x29: {  	_ =	task [dreg:s7], $0x5FFFF  }
0x2a: {  	[dreg:$0x1] =	wrdreg $0xFFFFFFFF  }
0x2b: {  	[dreg:$0x0] =	wrdreg $0x60  }
0x2c: {  	[dreg:$0x2] =	wrdreg s25  }
0x2d: {  	[dreg:$0x3] =	wrdreg s17  }
0x2e: {  	[dreg:$0x4] =	wrdreg $0x9  }
0x2f: {  	_ =	task.clear_ibuf [dreg:s7], $0x5FFFF;
	_ =	strace $0x90000049  }
0x30: {  	s29 =	simm.s32 $0x9;
	_ =	strace $0x8000004B  }
0x31: {  	_ =	swait.ge [sflag:s29], $0x1  }
0x32: {  	[sflag:s29] =	ssyncadd.s32 $0xFFFFFFFF  }
0x33: {  	_ =	strace $0x9000004B  }
0x34: {  	_ =	sfence  }
0x35: {  	s30 =	sld [smem:$0x0];
	_ =	sdelay $0x2  }
0x36: {  	s31 =	sshll.u32 s1, $0xD;
	s1 =	sshrl.u32 s1, $0x2  }
0x37: {  	s3 =	sand.u32 $0x4000, s31;
	s1 =	sadd.s32 s1, s30  }
0x38: {  	s0 =	sor.u32 s3, s0;
	s1 =	sshll.u32 s1, $0x11  }
0x39: {  	s0 =	sor.u32 s1, s0  }
0x3a: {  	s0 =	sadd.s32 $0x8F2B, s0  }
0x3b: {  	[sflag:s0] =	ssyncadd.remote.s32 $0x1  }
0x3c: {  	_ =	sfence.sel $0xFFFF  }
0x3d: {  	[dreg:$0x0] =	wrdreg $0xFFFFFFFF;
	(pc) =	sbr.abs _section_cstart, $3  }
0x3e: {  	[dreg:$0x1] =	wrdreg $0xFFFFFFFF  }
0x3f: {  	_ =	task.clear_ibuf [dreg:s7], $0x2FFFF;
	_ =	strace $0x9FFFFFFF  }
0x40: {  	(tm) =	ssettm $0x7FFFFFFF  }
0x41: {  	_ =	shalt  }
tec
execute0_lowered:
.L_overlay_start_1:
0x0: {  	(tag) =	ssettag $0x1  }
0x1: {  	s0 =	srdreg.scid  }
0x2: {  	s1 =	sshll.u32 s0, $0x4  }
0x3: {  	s0 =	stileid.u32;
	s1 =	sand.u32 $0x10, s1  }
0x4: {  	s1 =	sor.u32 s0, s1  }
0x5: {  	s6 =	rddreg [dreg:$0x0];
	s4 =	simm.s32 $0x1;
	s2 =	sshll.u32 s1, $0x7  }
0x6: {  	s7 =	simm.s32 $0x2;
	s12 =	simm.s32 $0x0;
	s1 =	ssub.s32 $0x1000, s2  }
0x7: {  	s8 =	simm.s32 $0x8000;
	s13 =	simm.s32 $0x0;
	s3 =	sand.u32 $0xF80, s1  }
0x8: {  	s9 =	simm.s32 $0x0;
	s5 =	sshrl.u32 s1, $0xC;
	p0 =	sne.s32 s3, $0x0  }
.Ltmp0:
0x9: {  	s1 =	rddreg [dreg:$0x2];
	s4 =	simm.s32 @!p0 $0x0;
	(pc) =	sbr.rel .LBB1_1-.Ltmp0, $4  }
0xa: {  	s11 =	simm.s32 $0x0;
	s3 =	rddreg [dreg:$0x1];
	s5 =	sadd.s32 s4, s5  }
0xb: {  	_ =	strace $0x8000004A;
	s4 =	simm.s32 $0x1;
	s5 =	smul.u32 $0xC8, s5  }
0xc: {  	s6 =	sadd.s32 $0x1A200, s6;
	s10 =	smov.u32 s2;
	[sflag:s4] =	ssyncpa.u1 $0x0  }
0xd: {  	p0 =	por $0x0, $0x0;
	[sflag:s7] =	ssyncpa.u1 $0x0;
	s7 =	sor.u32 $0x1, s5  }
.LBB1_4:
0xe: {  	s16 =	sshll.u32 s13, $0x3;
	s17 =	sand.u32 $0x78, s13  }
0xf: {  	s30 =	sand.u32 $0x7E00, s13;
	s12 =	sshll.u32 s12, $0xF;
	s16 =	sand.u32 $0xC00, s16  }
0x10: {  	[tilespmem:s15+$0x810 ss:$0x81] =	vst.msk $0xffff, v2;
	s31 =	sand.u32 $0x7, s13;
	s16 =	sor.u32 s17, s16;
	s17 =	sadd.s32 s3, s30  }
0x11: {  	[tilespmem:s15+$0x1020 ss:$0x81] =	vst.msk $0xffff, v0;
	s13 =	sshll.u32 s31, $0x12;
	s12 =	sadd.s32 s12, s17;
	s16 =	sshrl.u32 s16, $0x3  }
0x12: {  	[tilespmem:s15+$0x0 ss:$0x81] =	vst.msk $0xffff, v1;
	s13 =	sor.u32 $0x400, s13;
	s12 =	sadd.s32 s16, s12  }
0x13: {  	[hbm4b:s12+s13] =	stream.strided.scatter [tilespmem:s14], [sflag:$0x2], $0x2000, s8, s13, $0x20;
	[tilespmem:$0x8080] =	vst v63  }
.LBB1_5:
0x14: {  	s14 =	sadd.s32 $0x1, s9  }
0x15: {  	s12 =	sadd.s32 $0x1000, s10;
	s16 =	smov.u32 s10;
	p2 =	sgt.s32 s14, $0xC7  }
0x16: {  	s16 =	smov.u32 @p2 s12  }
0x17: {  	s14 =	simm.s32 @p2 $0x0;
	p2 =	sgt.s32 s16, $0xFFF  }
0x18: {  	s16 =	smov.u32 @p2 s2;
	p2 =	sne.s32 s11, s7  }
.Ltmp1:
0x19: {  	p1 =	slt.u32 s11, $0x2;
	(pc) =	sbr.rel @!p2 .LBB1_6-.Ltmp1, $4  }
0x1a: {  	s15 =	simm.s32 @!p1 $0x2  }
0x1b: {  	s13 =	smov.u32 s10;
	p0 =	por !p0, !p0;
	_ =	swait.ge @!p1 [sflag:s15], $0x2000  }
0x1c: {  	s12 =	smov.u32 s9;
	[sflag:s15] =	ssyncset.done @!p1 $0x0;
	s9 =	smov.u32 s14  }
0x1d: {  	s11 =	sadd.s32 $0x1, s11;
	[sflag:s15] =	ssyncadd.s32 @!p1 $0xFFFFE000;
	s10 =	smov.u32 s16  }
.LBB1_1:
0x1e: {  	p1 =	sge.u32 s11, s5  }
0x1f: {  	s14 =	sand.u32 @!p1 $0x1FFFFFF, s9  }
0x20: {  	s15 =	smulhi.u32 @!p1 $0x147AE15, s14;
	_ =	sdelay $0x1  }
0x21: {  	s15 =	smul.u32 @!p1 $0xC8, s15  }
0x22: {  	s16 =	sxor.u32 @!p1 $0xFFFFFFFF, s11;
	s17 =	smul.u32 @!p1 $0xC80, s10  }
0x23: {  	s31 =	sadd.s32 $0xFFFFFFFF, s11;
	s16 =	sshll.u32 @!p1 s16, $0xD;
	s14 =	ssub.s32 @!p1 s14, s15  }
0x24: {  	s15 =	sand.u32 @!p1 $0x2000, s16;
	s16 =	sadd.s32 @!p1 s6, s17;
	s14 =	sshll.u32 @!p1 s14, $0x4  }
0x25: {  	s17 =	simm.s32 @!p1 $0x6400;
	s14 =	sadd.s32 @!p1 s14, s16;
	s16 =	simm.s32 @!p1 $0x40  }
0x26: {  	[tilespmem:s15], [sflag:$0x1] =	stream.strided.gather @!p1 [hbm4b:s14+s16], $0x2000, s17, s16, $0x38;
	[tilespmem:$0x8080] =	vst v63  }
0x27: {  	p1 =	sge.u32 s31, s5  }
.Ltmp2:
0x28: {  	_ = 	snop;
	(pc) =	sbr.rel @p1 .LBB1_5-.Ltmp2, $1  }
0x29: {  	_ =	sdelay $0x3  }
0x2a: {  	s14 =	simm.s32 $0x1  }
0x2b: {  	_ =	swait.ge [sflag:s4], $0x2000;
	s14 =	simm.s32 @!p0 $0x0  }
0x2c: {  	[sflag:s4] =	ssyncset.done $0x0;
	s15 =	sshll.u32 s14, $0xD  }
0x2d: {  	[sflag:s4] =	ssyncadd.s32 $0xFFFFE000;
	s18 =	sor.u32 $0x20, s15  }
0x2e: {  	s14 =	smul.u32 $0x8100, s14;
	v3 =	vld [tilespmem:s18+$0x10]  }
0x2f: {  	s30 =	sand.u32 $0x1, s11;
	v2 =	vld [tilespmem:s18+$0xFFFFFFF0]  }
0x30: {  	s15 =	smul.u32 $0x8100, s30;
	s14 =	sshrl.u32 s14, $0x2;
	v0 =	vld [tilespmem:s18+$0x0]  }
0x31: {  	v1 =	vld [tilespmem:s18+$0xFFFFFFE0];
	s16 =	sor.u32 $0x4000, s14  }
0x32: {  	s31 =	sshrl.u32 s15, $0x2;
	s15 =	sadd.s32 $0x0, s16  }
0x33: {  	s17 =	simm.s32 $0x4;
	s18 =	sadd.s32 $0x40, s18;
	s14 =	sor.u32 $0x4000, s31;
	[tilespmem:s15+$0x1830 ss:$0x81] =	vst.msk $0xffff, v3  }
.LBB1_3:
0x34: {  	v3 =	vld [tilespmem:s18+$0x10];
	p1 =	sne.s32 s17, $0x1FC;
	[tilespmem:s15+$0x810 ss:$0x81] =	vst.msk $0xffff, v2;
	s19 =	smov.u32 s17;
	s17 =	sadd.s32 $0x4, s17  }
.Ltmp3:
0x35: {  	v2 =	vld [tilespmem:s18+$0xFFFFFFF0];
	[tilespmem:s15+$0x1020 ss:$0x81] =	vst.msk $0xffff, v0;
	(pc) =	sbr.rel @p1 .LBB1_3-.Ltmp3, $4  }
0x36: {  	v0 =	vld [tilespmem:s18+$0x0];
	[tilespmem:s15+$0x0 ss:$0x81] =	vst.msk $0xffff, v1  }
0x37: {  	s15 =	sshra.s32 s19, $0x2;
	v1 =	vld [tilespmem:s18+$0xFFFFFFE0]  }
0x38: {  	s15 =	sadd.s32 s15, s16  }
0x39: {  	s18 =	sadd.s32 $0x40, s18;
	[tilespmem:s15+$0x1830 ss:$0x81] =	vst.msk $0xffff, v3  }
.Ltmp4:
0x3a: {  	_ = 	snop;
	(pc) =	sbr.rel .LBB1_4-.Ltmp4, $1  }
0x3b: {  	_ =	sdelay $0x3  }
.LBB1_6:
0x3c: {  	_ =	sfence.sel $0x180000  }
0x3d: {  	s2 =	simm.s32 $0x1;
	[bflag:$0x0] =	sbarrier.arrive $0xFFFF  }
0x3e: {  	s31 =	simm.s32 $0x2;
	[sflag:s2] =	ssyncpa.u1 $0x1  }
0x3f: {  	[sflag:s31] =	ssyncpa.u1 $0x1  }
0x40: {  	p0 =	sne.s32 s0, $0x0;
	_ =	strace $0x9000004A  }
0x41: {  	s0 =	sadd.s32 @!p0 $0x100000, s1;
	[bflag:$0x2] =	sbarrier.arrive $0xFFFF  }
0x42: {  	[sflag:s0] =	ssyncadd.tile.s32 @!p0 $0x1;
	_ =	shalt  }
.Lfunc_end1:
_tile_overlayer_lowered:
.L_overlay_start_2:
0x43: {  	(tag) =	ssettag $0x2  }
0x44: {  	s0 =	rddreg [dreg:$0x0];
	s2 =	stileid.u32  }
0x45: {  	s1 =	rddreg [dreg:$0x1];
	p0 =	sne.s32 s2, $0x0  }
0x46: {  	s3 =	rddreg [dreg:$0x2];
	[bflag:$0x3] =	sbarrier.arrive $0xFFFF;
	s2 =	simm.s32 @!p0 $0x1C01  }
0x47: {  	[timem:s3], [sflag:s2] =	dma.local @!p0 [hbm:s0], s1  }
0x48: {  	s0 =	simm.s32 @!p0 $0x1  }
0x49: {  	_ =	swait.ge @!p0 [sflag:s0], s1  }
0x4a: {  	s1 =	ssub.s32 @!p0 $0x0, s1;
	[sflag:s0] =	ssyncset.done @!p0 $0x0  }
0x4b: {  	[sflag:s0] =	ssyncadd.s32 @!p0 s1  }
0x4c: {  	[bflag:$0x3] =	sbarrier.arrive $0xFFFF  }
0x4d: {  	_ =	shalt  }

</sc_bundles>
